<compile_context>
chip_gen: v7x
topology: tpu7x:2x2x1
jax: 0.10.2.dev20260603
libtpu: 0.0.44.dev20260713+nightly
codegen_flags: <defaults>
</compile_context>

<pallas_src>
import functools

import jax
import jax.numpy as jnp
from jax import lax
from jax.experimental import pallas as pl
from jax.experimental.pallas import tpu as pltpu
from jax.experimental.pallas import tpu_sc as plsc

N = 10000
E = 320000
D = 128

NC = 2
NS = 16
NW = NC * NS

K = 80
HALF = 5120
HRPT = HALF // NS
TRASH = HALF
ACCR = HALF + 8

ZR = 80
EPS = E // NS
NCHS = EPS // K

_mesh = plsc.VectorSubcoreMesh(core_axis_name="c", subcore_axis_name="s")



def _make_deg_kernel(interpret=False):
    return functools.partial(
        pl.kernel,
        out_type=jax.ShapeDtypeStruct((NC, HALF, D), jnp.float32),
        mesh=_mesh,
        interpret=interpret,
        scratch_types=[
            pltpu.VMEM((EPS,), jnp.int32),
            pltpu.VMEM((2, K), jnp.int32),
            pltpu.VMEM((K, D), jnp.float32),
            pltpu.VMEM((ZR, D), jnp.float32),
            pltpu.VMEM_SHARED((ACCR, D), jnp.float32),
            pltpu.SemaphoreType.DMA((2,)),
        ],
    )(_deg_body)


def _deg_body(dst_hbm, out_hbm, didx_v, rdx_v, ones_v, zb_v, acc_sh, sems):
    c = lax.axis_index("c")
    s = lax.axis_index("s")
    lo = c * HALF

    def _fill(i, carry):
        for q in range(D // 16):
            ones_v[i, pl.ds(q * 16, 16)] = jnp.ones((16,), jnp.float32)
        return carry

    lax.fori_loop(0, K, _fill, 0)

    def _zfill(i, carry):
        for q in range(D // 16):
            zb_v[i, pl.ds(q * 16, 16)] = jnp.zeros((16,), jnp.float32)
        return carry

    lax.fori_loop(0, ZR, _zfill, 0)
    for t in range(HRPT // ZR):
        pltpu.sync_copy(zb_v, acc_sh.at[pl.ds(s * HRPT + t * ZR, ZR)])
    pltpu.sync_copy(zb_v.at[pl.ds(0, 8)], acc_sh.at[pl.ds(TRASH, 8)])
    pltpu.sync_copy(dst_hbm.at[pl.ds(s * EPS, EPS)], didx_v)
    plsc.subcore_barrier()

    def _body(j, carry):
        p = lax.rem(j, 2)

        @pl.when(j >= 2)
        def _():
            pltpu.make_async_copy(ones_v, acc_sh.at[rdx_v.at[p]],
                                  sems.at[p]).wait()

        for q in range(K // 16):
            d = didx_v[pl.ds(j * K + q * 16, 16)]
            local = d - lo
            ok = (local >= 0) & (local < HALF)
            rdx_v[p, pl.ds(q * 16, 16)] = jnp.where(ok, local, TRASH)
        pltpu.async_copy(ones_v, acc_sh.at[rdx_v.at[p]], sems.at[p],
                         add=True)
        return carry

    lax.fori_loop(0, NCHS, _body, 0)
    for p in range(2):
        pltpu.make_async_copy(ones_v, acc_sh.at[rdx_v.at[p]],
                              sems.at[p]).wait()
    plsc.subcore_barrier()
    for t in range(HRPT // ZR):
        pltpu.sync_copy(acc_sh.at[pl.ds(s * HRPT + t * ZR, ZR)], zb_v)
        pltpu.sync_copy(zb_v, out_hbm.at[c, pl.ds(s * HRPT + t * ZR, ZR)])


def _make_agg_kernel(interpret=False):
    return functools.partial(
        pl.kernel,
        out_type=jax.ShapeDtypeStruct((NC, HALF, D), jnp.float32),
        mesh=_mesh,
        interpret=interpret,
        scratch_types=[
            pltpu.VMEM((EPS,), jnp.int32),
            pltpu.VMEM((EPS,), jnp.int32),
            pltpu.VMEM((K,), jnp.int32),
            pltpu.VMEM((2, K, D), jnp.float32),
            pltpu.VMEM((ZR, D), jnp.float32),
            pltpu.VMEM_SHARED((ACCR, D), jnp.float32),
            pltpu.SemaphoreType.DMA((2,)),
        ],
    )(_agg_body)


def _agg_body(z_hbm, src_hbm, dst_hbm, out_hbm,
              sidx_v, didx_v, rdx_v, mbuf_v, zb_v, acc_sh, sems):
    c = lax.axis_index("c")
    s = lax.axis_index("s")
    lo = c * HALF

    def _zfill(i, carry):
        for q in range(D // 16):
            zb_v[i, pl.ds(q * 16, 16)] = jnp.zeros((16,), jnp.float32)
        return carry

    lax.fori_loop(0, ZR, _zfill, 0)
    for t in range(HRPT // ZR):
        pltpu.sync_copy(zb_v, acc_sh.at[pl.ds(s * HRPT + t * ZR, ZR)])
    pltpu.sync_copy(zb_v.at[pl.ds(0, 8)], acc_sh.at[pl.ds(TRASH, 8)])
    pltpu.sync_copy(src_hbm.at[pl.ds(s * EPS, EPS)], sidx_v)
    pltpu.sync_copy(dst_hbm.at[pl.ds(s * EPS, EPS)], didx_v)
    plsc.subcore_barrier()

    def _gather(j, p):
        pltpu.async_copy(z_hbm.at[sidx_v.at[pl.ds(j * K, K)]],
                         mbuf_v.at[p], sems.at[p])

    _gather(0, 0)

    def _body(j, carry):
        p = lax.rem(j, 2)

        @pl.when(j + 1 < NCHS)
        def _():
            _gather(j + 1, 1 - p)

        for q in range(K // 16):
            d = didx_v[pl.ds(j * K + q * 16, 16)]
            local = d - lo
            ok = (local >= 0) & (local < HALF)
            rdx_v[pl.ds(q * 16, 16)] = jnp.where(ok, local, TRASH)
        pltpu.make_async_copy(z_hbm.at[sidx_v.at[pl.ds(j * K, K)]],
                              mbuf_v.at[p], sems.at[p]).wait()
        pltpu.sync_copy(mbuf_v.at[p], acc_sh.at[rdx_v], add=True)
        return carry

    lax.fori_loop(0, NCHS, _body, 0)
    plsc.subcore_barrier()
    for t in range(HRPT // ZR):
        pltpu.sync_copy(acc_sh.at[pl.ds(s * HRPT + t * ZR, ZR)], zb_v)
        pltpu.sync_copy(zb_v, out_hbm.at[c, pl.ds(s * HRPT + t * ZR, ZR)])


_deg_kernel = _make_deg_kernel()
_agg_kernel = _make_agg_kernel()



R = 2000


def _dinv(deg_ref):
    return lax.rsqrt(deg_ref[:, 0:1] + 1.0)


def _bn_relu(x, g_ref, be_ref, m_ref, v_ref):
    h = (x - m_ref[...]) * lax.rsqrt(v_ref[...] + 1e-5) * g_ref[...] + be_ref[...]
    return jnp.maximum(h, 0.0)


def _pre_body(x_ref, deg_ref, g_ref, be_ref, m_ref, v_ref, w_ref, zs_ref):
    h = _bn_relu(x_ref[...], g_ref, be_ref, m_ref, v_ref)
    z = jnp.dot(h, w_ref[...], preferred_element_type=jnp.float32,
                precision=lax.Precision.HIGHEST)
    zs_ref[...] = z * _dinv(deg_ref)


def _mid_body(x_ref, agg_ref, zs_ref, deg_ref, b1_ref,
              g_ref, be_ref, m_ref, v_ref, w_ref, x1_ref, zs2_ref):
    dinv = _dinv(deg_ref)
    x1 = (x_ref[...] + dinv * (agg_ref[...] + zs_ref[...])
          + b1_ref[...])
    x1_ref[...] = x1
    h = _bn_relu(x1, g_ref, be_ref, m_ref, v_ref)
    z = jnp.dot(h, w_ref[...], preferred_element_type=jnp.float32,
                precision=lax.Precision.HIGHEST)
    zs2_ref[...] = z * dinv


def _post_body(x1_ref, agg_ref, zs2_ref, deg_ref, b2_ref, wf_ref, bf_ref,
               out_ref):
    dinv = _dinv(deg_ref)
    x2 = (x1_ref[...] + dinv * (agg_ref[...] + zs2_ref[...])
          + b2_ref[...])
    out_ref[...] = jnp.dot(x2, wf_ref[...], preferred_element_type=jnp.float32,
                           precision=lax.Precision.HIGHEST) + bf_ref[...]


_ROWS = pl.BlockSpec((R, D), lambda i: (i, 0))
_PARM = pl.BlockSpec((1, D), lambda i: (0, 0))
_WMAT = pl.BlockSpec((D, D), lambda i: (0, 0))


def _pre(x, deg, g, be, m, v, w):
    return pl.pallas_call(
        _pre_body,
        grid=(N // R,),
        in_specs=[_ROWS, _ROWS, _PARM, _PARM, _PARM, _PARM, _WMAT],
        out_specs=_ROWS,
        out_shape=jax.ShapeDtypeStruct((N, D), jnp.float32),
    )(x, deg, g, be, m, v, w)


def _mid(x, agg, zs, deg, b1, g, be, m, v, w):
    return pl.pallas_call(
        _mid_body,
        grid=(N // R,),
        in_specs=[_ROWS, _ROWS, _ROWS, _ROWS, _PARM,
                  _PARM, _PARM, _PARM, _PARM, _WMAT],
        out_specs=(_ROWS, _ROWS),
        out_shape=(jax.ShapeDtypeStruct((N, D), jnp.float32),
                   jax.ShapeDtypeStruct((N, D), jnp.float32)),
    )(x, agg, zs, deg, b1, g, be, m, v, w)


def _post(x1, agg, zs2, deg, b2, wf, bf):
    return pl.pallas_call(
        _post_body,
        grid=(N // R,),
        in_specs=[_ROWS, _ROWS, _ROWS, _ROWS, _PARM, _WMAT, _PARM],
        out_specs=_ROWS,
        out_shape=jax.ShapeDtypeStruct((N, D), jnp.float32),
    )(x1, agg, zs2, deg, b2, wf, bf)



def kernel(x, edge_index, W1, b1, g1, be1, m1, v1,
           W2, b2, g2, be2, m2, v2, Wf, bf):
    src = edge_index[0]
    dst = edge_index[1]
    r = lambda p: p.reshape(1, D)

    cat = lambda a: jnp.concatenate([a[0], a[1, 0:(N - HALF)]], axis=0)

    deg = cat(_deg_kernel(dst))
    zs1 = _pre(x, deg, r(g1), r(be1), r(m1), r(v1), W1)
    agg1 = cat(_agg_kernel(zs1, src, dst))
    x1, zs2 = _mid(x, agg1, zs1, deg, r(b1),
                   r(g2), r(be2), r(m2), r(v2), W2)
    agg2 = cat(_agg_kernel(zs2, src, dst))
    return _post(x1, agg2, zs2, deg, r(b2), Wf, r(bf))

# --- scband reference (transcript-rebuilt; emitter-appended) ---
"""Pipeline reference for scband-deep-gcn-24902220382376 (READ-ONLY COPY).

The authoritative reference and input builder live on the scoring server;
editing this copy changes nothing except your own understanding.
"""

import jax, jax.numpy as jnp
import numpy as np

N = 10000
E = 320000
D = 128


def _gcn(x, src, dst, W, b):
    # GCNConv: x' = D^{-1/2} (A+I) D^{-1/2} (x W) + b
    n = x.shape[0]
    h = x @ W
    loop = jnp.arange(n, dtype=src.dtype)
    s = jnp.concatenate([src, loop])
    d = jnp.concatenate([dst, loop])
    deg = jnp.zeros((n,), dtype=h.dtype).at[d].add(1.0)
    dinv = jnp.where(deg > 0, 1.0 / jnp.sqrt(deg), 0.0)
    norm = dinv[s] * dinv[d]
    msg = h[s] * norm[:, None]
    out = jnp.zeros_like(h).at[d].add(msg)
    return out + b


def _bn(x, g, b, m, v):
    # BatchNorm1d in eval mode with running stats
    return (x - m) / jnp.sqrt(v + 1e-5) * g + b


def _layer(x, src, dst, W, b, g, be, m, v):
    # DeepGCNLayer block='res+': h = conv(act(norm(x))); return x + h  (dropout=0)
    h = _bn(x, g, be, m, v)
    h = jax.nn.relu(h)
    h = _gcn(h, src, dst, W, b)
    return x + h


def setup_inputs(seed: int = 0) -> dict:
    key = jax.random.key(seed)
    ks = jax.random.split(key, 8)
    sc = 1.0 / np.sqrt(D)
    inp = {}
    inp["x"] = jax.random.normal(ks[0], (N, D), dtype=jnp.float32)
    inp["edge_index"] = jax.random.randint(ks[1], (2, E), 0, N, dtype=jnp.int32)
    inp["W1"] = jax.random.uniform(ks[2], (D, D), jnp.float32, -sc, sc)
    inp["b1"] = jnp.zeros((D,), jnp.float32)
    inp["g1"] = jnp.ones((D,), jnp.float32)
    inp["be1"] = jnp.zeros((D,), jnp.float32)
    inp["m1"] = jnp.zeros((D,), jnp.float32)
    inp["v1"] = jnp.ones((D,), jnp.float32)
    inp["W2"] = jax.random.uniform(ks[3], (D, D), jnp.float32, -sc, sc)
    inp["b2"] = jnp.zeros((D,), jnp.float32)
    inp["g2"] = jnp.ones((D,), jnp.float32)
    inp["be2"] = jnp.zeros((D,), jnp.float32)
    inp["m2"] = jnp.zeros((D,), jnp.float32)
    inp["v2"] = jnp.ones((D,), jnp.float32)
    inp["Wf"] = jax.random.uniform(ks[4], (D, D), jnp.float32, -sc, sc)
    inp["bf"] = jnp.zeros((D,), jnp.float32)
    return inp


def reference(x, edge_index, W1, b1, g1, be1, m1, v1, W2, b2, g2, be2, m2, v2, Wf, bf):
    src = edge_index[0]
    dst = edge_index[1]
    h = _layer(x, src, dst, W1, b1, g1, be1, m1, v1)
    h = _layer(h, src, dst, W2, b2, g2, be2, m2, v2)
    return h @ Wf + bf

if __name__ == "__main__":
    import jax
    _d = setup_inputs()
    print(jax.jit(kernel)(*tuple(_d.values())))

</pallas_src>

<mosaic_0001>
#map = affine_map<(d0, d1) -> (0)>
#map1 = affine_map<(d0, d1) -> (0, 0, 0)>
module attributes {stable_mosaic.version = 14 : i64} {
  func.func @_deg_body(%arg0: i32, %arg1: i32, %arg2: memref<320000xi32, #tpu.memory_space<hbm>>, %arg3: memref<2x5120x128xf32, #tpu.memory_space<hbm>>, %arg4: memref<20000xi32, #tpu.memory_space<vmem>>, %arg5: memref<2x80xi32, #tpu.memory_space<vmem>>, %arg6: memref<80x128xf32, #tpu.memory_space<vmem>>, %arg7: memref<80x128xf32, #tpu.memory_space<vmem>>, %arg8: memref<5128x128xf32, #tpu.memory_space<vmem_shared>>, %arg9: memref<2x!tpu.dma_semaphore, #tpu.memory_space<semaphore_mem>>) attributes {dimension_semantics = [#tpu.dimension_semantics<core_parallel>, #tpu.dimension_semantics<subcore_parallel>], iteration_bounds = array<i64: 2, 16>, scalar_prefetch = 0 : i64, scratch_operands = 6 : i64, tpu.core_type = #tpu.core_type<sc_vector_subcore>, window_params = [{transform_indices = #map}, {transform_indices = #map1}]} {
    %mul3A = arith.constant 5120 : i32
    %mul3A_0 = arith.muli %arg0, %mul3A : i32
    %scan3A = arith.constant 0 : i32
    %scan3A_1 = arith.constant 0 : i32
    %scan3A_2 = arith.constant 80 : i32
    %scan3A_3 = arith.addi %scan3A_1, %scan3A_2 : i32
    %scan3A_4 = arith.constant 1 : i32
    scf.for %scan3A_87 = %scan3A_1 to %scan3A_3 step %scan3A_4  : i32 {
      %broadcast_in_dim3A = arith.constant 1.000000e+00 : f32
      %broadcast_in_dim3A_88 = vector.broadcast %broadcast_in_dim3A : f32 to vector<16xf32>
      %swap3A = arith.index_cast %scan3A_87 : i32 to index
      %swap3A_89 = arith.constant 0 : index
      %swap3A_90 = tpu.vector_load %arg6[%swap3A, %swap3A_89] {strides = array<i32>} : memref<80x128xf32, #tpu.memory_space<vmem>>, vector<1x16xf32>,
      %swap3A_91 = vector.shape_cast %swap3A_90 : vector<1x16xf32> to vector<16xf32>
      %swap3A_92 = vector.shape_cast %broadcast_in_dim3A_88 : vector<16xf32> to vector<1x16xf32>
      tpu.vector_store %arg6[%swap3A, %swap3A_89], %swap3A_92 {strides = array<i32>} : memref<80x128xf32, #tpu.memory_space<vmem>>, vector<1x16xf32>,
      %broadcast_in_dim3A_93 = arith.constant 1.000000e+00 : f32
      %broadcast_in_dim3A_94 = vector.broadcast %broadcast_in_dim3A_93 : f32 to vector<16xf32>
      %swap3A_95 = arith.index_cast %scan3A_87 : i32 to index
      %swap3A_96 = arith.constant 16 : index
      %swap3A_97 = tpu.vector_load %arg6[%swap3A_95, %swap3A_96] {strides = array<i32>} : memref<80x128xf32, #tpu.memory_space<vmem>>, vector<1x16xf32>,
      %swap3A_98 = vector.shape_cast %swap3A_97 : vector<1x16xf32> to vector<16xf32>
      %swap3A_99 = vector.shape_cast %broadcast_in_dim3A_94 : vector<16xf32> to vector<1x16xf32>
      tpu.vector_store %arg6[%swap3A_95, %swap3A_96], %swap3A_99 {strides = array<i32>} : memref<80x128xf32, #tpu.memory_space<vmem>>, vector<1x16xf32>,
      %broadcast_in_dim3A_100 = arith.constant 1.000000e+00 : f32
      %broadcast_in_dim3A_101 = vector.broadcast %broadcast_in_dim3A_100 : f32 to vector<16xf32>
      %swap3A_102 = arith.index_cast %scan3A_87 : i32 to index
      %swap3A_103 = arith.constant 32 : index
      %swap3A_104 = tpu.vector_load %arg6[%swap3A_102, %swap3A_103] {strides = array<i32>} : memref<80x128xf32, #tpu.memory_space<vmem>>, vector<1x16xf32>,
      %swap3A_105 = vector.shape_cast %swap3A_104 : vector<1x16xf32> to vector<16xf32>
      %swap3A_106 = vector.shape_cast %broadcast_in_dim3A_101 : vector<16xf32> to vector<1x16xf32>
      tpu.vector_store %arg6[%swap3A_102, %swap3A_103], %swap3A_106 {strides = array<i32>} : memref<80x128xf32, #tpu.memory_space<vmem>>, vector<1x16xf32>,
      %broadcast_in_dim3A_107 = arith.constant 1.000000e+00 : f32
      %broadcast_in_dim3A_108 = vector.broadcast %broadcast_in_dim3A_107 : f32 to vector<16xf32>
      %swap3A_109 = arith.index_cast %scan3A_87 : i32 to index
      %swap3A_110 = arith.constant 48 : index
      %swap3A_111 = tpu.vector_load %arg6[%swap3A_109, %swap3A_110] {strides = array<i32>} : memref<80x128xf32, #tpu.memory_space<vmem>>, vector<1x16xf32>,
      %swap3A_112 = vector.shape_cast %swap3A_111 : vector<1x16xf32> to vector<16xf32>
      %swap3A_113 = vector.shape_cast %broadcast_in_dim3A_108 : vector<16xf32> to vector<1x16xf32>
      tpu.vector_store %arg6[%swap3A_109, %swap3A_110], %swap3A_113 {strides = array<i32>} : memref<80x128xf32, #tpu.memory_space<vmem>>, vector<1x16xf32>,
      %broadcast_in_dim3A_114 = arith.constant 1.000000e+00 : f32
      %broadcast_in_dim3A_115 = vector.broadcast %broadcast_in_dim3A_114 : f32 to vector<16xf32>
      %swap3A_116 = arith.index_cast %scan3A_87 : i32 to index
      %swap3A_117 = arith.constant 64 : index
      %swap3A_118 = tpu.vector_load %arg6[%swap3A_116, %swap3A_117] {strides = array<i32>} : memref<80x128xf32, #tpu.memory_space<vmem>>, vector<1x16xf32>,
      %swap3A_119 = vector.shape_cast %swap3A_118 : vector<1x16xf32> to vector<16xf32>
      %swap3A_120 = vector.shape_cast %broadcast_in_dim3A_115 : vector<16xf32> to vector<1x16xf32>
      tpu.vector_store %arg6[%swap3A_116, %swap3A_117], %swap3A_120 {strides = array<i32>} : memref<80x128xf32, #tpu.memory_space<vmem>>, vector<1x16xf32>,
      %broadcast_in_dim3A_121 = arith.constant 1.000000e+00 : f32
      %broadcast_in_dim3A_122 = vector.broadcast %broadcast_in_dim3A_121 : f32 to vector<16xf32>
      %swap3A_123 = arith.index_cast %scan3A_87 : i32 to index
      %swap3A_124 = arith.constant 80 : index
      %swap3A_125 = tpu.vector_load %arg6[%swap3A_123, %swap3A_124] {strides = array<i32>} : memref<80x128xf32, #tpu.memory_space<vmem>>, vector<1x16xf32>,
      %swap3A_126 = vector.shape_cast %swap3A_125 : vector<1x16xf32> to vector<16xf32>
      %swap3A_127 = vector.shape_cast %broadcast_in_dim3A_122 : vector<16xf32> to vector<1x16xf32>
      tpu.vector_store %arg6[%swap3A_123, %swap3A_124], %swap3A_127 {strides = array<i32>} : memref<80x128xf32, #tpu.memory_space<vmem>>, vector<1x16xf32>,
      %broadcast_in_dim3A_128 = arith.constant 1.000000e+00 : f32
      %broadcast_in_dim3A_129 = vector.broadcast %broadcast_in_dim3A_128 : f32 to vector<16xf32>
      %swap3A_130 = arith.index_cast %scan3A_87 : i32 to index
      %swap3A_131 = arith.constant 96 : index
      %swap3A_132 = tpu.vector_load %arg6[%swap3A_130, %swap3A_131] {strides = array<i32>} : memref<80x128xf32, #tpu.memory_space<vmem>>, vector<1x16xf32>,
      %swap3A_133 = vector.shape_cast %swap3A_132 : vector<1x16xf32> to vector<16xf32>
      %swap3A_134 = vector.shape_cast %broadcast_in_dim3A_129 : vector<16xf32> to vector<1x16xf32>
      tpu.vector_store %arg6[%swap3A_130, %swap3A_131], %swap3A_134 {strides = array<i32>} : memref<80x128xf32, #tpu.memory_space<vmem>>, vector<1x16xf32>,
      %broadcast_in_dim3A_135 = arith.constant 1.000000e+00 : f32
      %broadcast_in_dim3A_136 = vector.broadcast %broadcast_in_dim3A_135 : f32 to vector<16xf32>
      %swap3A_137 = arith.index_cast %scan3A_87 : i32 to index
      %swap3A_138 = arith.constant 112 : index
      %swap3A_139 = tpu.vector_load %arg6[%swap3A_137, %swap3A_138] {strides = array<i32>} : memref<80x128xf32, #tpu.memory_space<vmem>>, vector<1x16xf32>,
      %swap3A_140 = vector.shape_cast %swap3A_139 : vector<1x16xf32> to vector<16xf32>
      %swap3A_141 = vector.shape_cast %broadcast_in_dim3A_136 : vector<16xf32> to vector<1x16xf32>
      tpu.vector_store %arg6[%swap3A_137, %swap3A_138], %swap3A_141 {strides = array<i32>} : memref<80x128xf32, #tpu.memory_space<vmem>>, vector<1x16xf32>,
    }
    %scan3A_5 = arith.constant 80 : i32
    %scan3A_6 = arith.constant 0 : i32
    %scan3A_7 = arith.constant 0 : i32
    %scan3A_8 = arith.constant 80 : i32
    %scan3A_9 = arith.addi %scan3A_7, %scan3A_8 : i32
    %scan3A_10 = arith.constant 1 : i32
    scf.for %scan3A_87 = %scan3A_7 to %scan3A_9 step %scan3A_10  : i32 {
      %broadcast_in_dim3A = arith.constant 0.000000e+00 : f32
      %broadcast_in_dim3A_88 = vector.broadcast %broadcast_in_dim3A : f32 to vector<16xf32>
      %swap3A = arith.index_cast %scan3A_87 : i32 to index
      %swap3A_89 = arith.constant 0 : index
      %swap3A_90 = tpu.vector_load %arg7[%swap3A, %swap3A_89] {strides = array<i32>} : memref<80x128xf32, #tpu.memory_space<vmem>>, vector<1x16xf32>,
      %swap3A_91 = vector.shape_cast %swap3A_90 : vector<1x16xf32> to vector<16xf32>
      %swap3A_92 = vector.shape_cast %broadcast_in_dim3A_88 : vector<16xf32> to vector<1x16xf32>
      tpu.vector_store %arg7[%swap3A, %swap3A_89], %swap3A_92 {strides = array<i32>} : memref<80x128xf32, #tpu.memory_space<vmem>>, vector<1x16xf32>,
      %broadcast_in_dim3A_93 = arith.constant 0.000000e+00 : f32
      %broadcast_in_dim3A_94 = vector.broadcast %broadcast_in_dim3A_93 : f32 to vector<16xf32>
      %swap3A_95 = arith.index_cast %scan3A_87 : i32 to index
      %swap3A_96 = arith.constant 16 : index
      %swap3A_97 = tpu.vector_load %arg7[%swap3A_95, %swap3A_96] {strides = array<i32>} : memref<80x128xf32, #tpu.memory_space<vmem>>, vector<1x16xf32>,
      %swap3A_98 = vector.shape_cast %swap3A_97 : vector<1x16xf32> to vector<16xf32>
      %swap3A_99 = vector.shape_cast %broadcast_in_dim3A_94 : vector<16xf32> to vector<1x16xf32>
      tpu.vector_store %arg7[%swap3A_95, %swap3A_96], %swap3A_99 {strides = array<i32>} : memref<80x128xf32, #tpu.memory_space<vmem>>, vector<1x16xf32>,
      %broadcast_in_dim3A_100 = arith.constant 0.000000e+00 : f32
      %broadcast_in_dim3A_101 = vector.broadcast %broadcast_in_dim3A_100 : f32 to vector<16xf32>
      %swap3A_102 = arith.index_cast %scan3A_87 : i32 to index
      %swap3A_103 = arith.constant 32 : index
      %swap3A_104 = tpu.vector_load %arg7[%swap3A_102, %swap3A_103] {strides = array<i32>} : memref<80x128xf32, #tpu.memory_space<vmem>>, vector<1x16xf32>,
      %swap3A_105 = vector.shape_cast %swap3A_104 : vector<1x16xf32> to vector<16xf32>
      %swap3A_106 = vector.shape_cast %broadcast_in_dim3A_101 : vector<16xf32> to vector<1x16xf32>
      tpu.vector_store %arg7[%swap3A_102, %swap3A_103], %swap3A_106 {strides = array<i32>} : memref<80x128xf32, #tpu.memory_space<vmem>>, vector<1x16xf32>,
      %broadcast_in_dim3A_107 = arith.constant 0.000000e+00 : f32
      %broadcast_in_dim3A_108 = vector.broadcast %broadcast_in_dim3A_107 : f32 to vector<16xf32>
      %swap3A_109 = arith.index_cast %scan3A_87 : i32 to index
      %swap3A_110 = arith.constant 48 : index
      %swap3A_111 = tpu.vector_load %arg7[%swap3A_109, %swap3A_110] {strides = array<i32>} : memref<80x128xf32, #tpu.memory_space<vmem>>, vector<1x16xf32>,
      %swap3A_112 = vector.shape_cast %swap3A_111 : vector<1x16xf32> to vector<16xf32>
      %swap3A_113 = vector.shape_cast %broadcast_in_dim3A_108 : vector<16xf32> to vector<1x16xf32>
      tpu.vector_store %arg7[%swap3A_109, %swap3A_110], %swap3A_113 {strides = array<i32>} : memref<80x128xf32, #tpu.memory_space<vmem>>, vector<1x16xf32>,
      %broadcast_in_dim3A_114 = arith.constant 0.000000e+00 : f32
      %broadcast_in_dim3A_115 = vector.broadcast %broadcast_in_dim3A_114 : f32 to vector<16xf32>
      %swap3A_116 = arith.index_cast %scan3A_87 : i32 to index
      %swap3A_117 = arith.constant 64 : index
      %swap3A_118 = tpu.vector_load %arg7[%swap3A_116, %swap3A_117] {strides = array<i32>} : memref<80x128xf32, #tpu.memory_space<vmem>>, vector<1x16xf32>,
      %swap3A_119 = vector.shape_cast %swap3A_118 : vector<1x16xf32> to vector<16xf32>
      %swap3A_120 = vector.shape_cast %broadcast_in_dim3A_115 : vector<16xf32> to vector<1x16xf32>
      tpu.vector_store %arg7[%swap3A_116, %swap3A_117], %swap3A_120 {strides = array<i32>} : memref<80x128xf32, #tpu.memory_space<vmem>>, vector<1x16xf32>,
      %broadcast_in_dim3A_121 = arith.constant 0.000000e+00 : f32
      %broadcast_in_dim3A_122 = vector.broadcast %broadcast_in_dim3A_121 : f32 to vector<16xf32>
      %swap3A_123 = arith.index_cast %scan3A_87 : i32 to index
      %swap3A_124 = arith.constant 80 : index
      %swap3A_125 = tpu.vector_load %arg7[%swap3A_123, %swap3A_124] {strides = array<i32>} : memref<80x128xf32, #tpu.memory_space<vmem>>, vector<1x16xf32>,
      %swap3A_126 = vector.shape_cast %swap3A_125 : vector<1x16xf32> to vector<16xf32>
      %swap3A_127 = vector.shape_cast %broadcast_in_dim3A_122 : vector<16xf32> to vector<1x16xf32>
      tpu.vector_store %arg7[%swap3A_123, %swap3A_124], %swap3A_127 {strides = array<i32>} : memref<80x128xf32, #tpu.memory_space<vmem>>, vector<1x16xf32>,
      %broadcast_in_dim3A_128 = arith.constant 0.000000e+00 : f32
      %broadcast_in_dim3A_129 = vector.broadcast %broadcast_in_dim3A_128 : f32 to vector<16xf32>
      %swap3A_130 = arith.index_cast %scan3A_87 : i32 to index
      %swap3A_131 = arith.constant 96 : index
      %swap3A_132 = tpu.vector_load %arg7[%swap3A_130, %swap3A_131] {strides = array<i32>} : memref<80x128xf32, #tpu.memory_space<vmem>>, vector<1x16xf32>,
      %swap3A_133 = vector.shape_cast %swap3A_132 : vector<1x16xf32> to vector<16xf32>
      %swap3A_134 = vector.shape_cast %broadcast_in_dim3A_129 : vector<16xf32> to vector<1x16xf32>
      tpu.vector_store %arg7[%swap3A_130, %swap3A_131], %swap3A_134 {strides = array<i32>} : memref<80x128xf32, #tpu.memory_space<vmem>>, vector<1x16xf32>,
      %broadcast_in_dim3A_135 = arith.constant 0.000000e+00 : f32
      %broadcast_in_dim3A_136 = vector.broadcast %broadcast_in_dim3A_135 : f32 to vector<16xf32>
      %swap3A_137 = arith.index_cast %scan3A_87 : i32 to index
      %swap3A_138 = arith.constant 112 : index
      %swap3A_139 = tpu.vector_load %arg7[%swap3A_137, %swap3A_138] {strides = array<i32>} : memref<80x128xf32, #tpu.memory_space<vmem>>, vector<1x16xf32>,
      %swap3A_140 = vector.shape_cast %swap3A_139 : vector<1x16xf32> to vector<16xf32>
      %swap3A_141 = vector.shape_cast %broadcast_in_dim3A_136 : vector<16xf32> to vector<1x16xf32>
      tpu.vector_store %arg7[%swap3A_137, %swap3A_138], %swap3A_141 {strides = array<i32>} : memref<80x128xf32, #tpu.memory_space<vmem>>, vector<1x16xf32>,
    }
    %scan3A_11 = arith.constant 80 : i32
    %mul3A_12 = arith.constant 320 : i32
    %mul3A_13 = arith.muli %arg1, %mul3A_12 : i32
    %add3A = arith.constant 0 : i32
    %add3A_14 = arith.addi %mul3A_13, %add3A : i32
    "tpu.region"() ({
      %run_scoped3A = tpu.sem_alloc : memref<!tpu.dma_semaphore, #tpu.memory_space<semaphore_mem>>
      %dma_start3A = arith.constant 0 : i32
      %dma_start3A_87 = tpu.memref_slice %arg8[%add3A_14, %dma_start3A] : memref<5128x128xf32, #tpu.memory_space<vmem_shared>> -> memref<80x128xf32, #tpu.memory_space<vmem_shared>>
      %dma_start3A_88 = arith.constant 0 : i32
      %dma_start3A_89 = tpu.memref_slice %arg8[%add3A_14, %dma_start3A_88] : memref<5128x128xf32, #tpu.memory_space<vmem_shared>> -> memref<80x128xf32, #tpu.memory_space<vmem_shared>>
      tpu.enqueue_dma source(%arg7 : memref<80x128xf32, #tpu.memory_space<vmem>>) target(%dma_start3A_89 : memref<80x128xf32, #tpu.memory_space<vmem_shared>>) target_semaphore(%run_scoped3A : memref<!tpu.dma_semaphore, #tpu.memory_space<semaphore_mem>>)
      %dma_wait3A_90 = arith.constant 0 : i32
      %dma_wait3A_91 = tpu.memref_slice %arg8[%add3A_14, %dma_wait3A_90] : memref<5128x128xf32, #tpu.memory_space<vmem_shared>> -> memref<80x128xf32, #tpu.memory_space<vmem_shared>>
      %dma_wait3A_92 = arith.constant 0 : i32
      %dma_wait3A_93 = tpu.memref_slice %arg8[%add3A_14, %dma_wait3A_92] : memref<5128x128xf32, #tpu.memory_space<vmem_shared>> -> memref<80x128xf32, #tpu.memory_space<vmem_shared>>
      tpu.wait_dma2 semaphore(%run_scoped3A : memref<!tpu.dma_semaphore, #tpu.memory_space<semaphore_mem>>) src(%arg7 : memref<80x128xf32, #tpu.memory_space<vmem>>) dst(%dma_wait3A_93 : memref<80x128xf32, #tpu.memory_space<vmem_shared>>)
      tpu.yield
    }) : () -> ()
    %mul3A_15 = arith.constant 320 : i32
    %mul3A_16 = arith.muli %arg1, %mul3A_15 : i32
    %add3A_17 = arith.constant 80 : i32
    %add3A_18 = arith.addi %mul3A_16, %add3A_17 : i32
    "tpu.region"() ({
      %run_scoped3A = tpu.sem_alloc : memref<!tpu.dma_semaphore, #tpu.memory_space<semaphore_mem>>
      %dma_start3A = arith.constant 0 : i32
      %dma_start3A_87 = tpu.memref_slice %arg8[%add3A_18, %dma_start3A] : memref<5128x128xf32, #tpu.memory_space<vmem_shared>> -> memref<80x128xf32, #tpu.memory_space<vmem_shared>>
      %dma_start3A_88 = arith.constant 0 : i32
      %dma_start3A_89 = tpu.memref_slice %arg8[%add3A_18, %dma_start3A_88] : memref<5128x128xf32, #tpu.memory_space<vmem_shared>> -> memref<80x128xf32, #tpu.memory_space<vmem_shared>>
      tpu.enqueue_dma source(%arg7 : memref<80x128xf32, #tpu.memory_space<vmem>>) target(%dma_start3A_89 : memref<80x128xf32, #tpu.memory_space<vmem_shared>>) target_semaphore(%run_scoped3A : memref<!tpu.dma_semaphore, #tpu.memory_space<semaphore_mem>>)
      %dma_wait3A_90 = arith.constant 0 : i32
      %dma_wait3A_91 = tpu.memref_slice %arg8[%add3A_18, %dma_wait3A_90] : memref<5128x128xf32, #tpu.memory_space<vmem_shared>> -> memref<80x128xf32, #tpu.memory_space<vmem_shared>>
      %dma_wait3A_92 = arith.constant 0 : i32
      %dma_wait3A_93 = tpu.memref_slice %arg8[%add3A_18, %dma_wait3A_92] : memref<5128x128xf32, #tpu.memory_space<vmem_shared>> -> memref<80x128xf32, #tpu.memory_space<vmem_shared>>
      tpu.wait_dma2 semaphore(%run_scoped3A : memref<!tpu.dma_semaphore, #tpu.memory_space<semaphore_mem>>) src(%arg7 : memref<80x128xf32, #tpu.memory_space<vmem>>) dst(%dma_wait3A_93 : memref<80x128xf32, #tpu.memory_space<vmem_shared>>)
      tpu.yield
    }) : () -> ()
    %mul3A_19 = arith.constant 320 : i32
    %mul3A_20 = arith.muli %arg1, %mul3A_19 : i32
    %add3A_21 = arith.constant 160 : i32
    %add3A_22 = arith.addi %mul3A_20, %add3A_21 : i32
    "tpu.region"() ({
      %run_scoped3A = tpu.sem_alloc : memref<!tpu.dma_semaphore, #tpu.memory_space<semaphore_mem>>
      %dma_start3A = arith.constant 0 : i32
      %dma_start3A_87 = tpu.memref_slice %arg8[%add3A_22, %dma_start3A] : memref<5128x128xf32, #tpu.memory_space<vmem_shared>> -> memref<80x128xf32, #tpu.memory_space<vmem_shared>>
      %dma_start3A_88 = arith.constant 0 : i32
      %dma_start3A_89 = tpu.memref_slice %arg8[%add3A_22, %dma_start3A_88] : memref<5128x128xf32, #tpu.memory_space<vmem_shared>> -> memref<80x128xf32, #tpu.memory_space<vmem_shared>>
      tpu.enqueue_dma source(%arg7 : memref<80x128xf32, #tpu.memory_space<vmem>>) target(%dma_start3A_89 : memref<80x128xf32, #tpu.memory_space<vmem_shared>>) target_semaphore(%run_scoped3A : memref<!tpu.dma_semaphore, #tpu.memory_space<semaphore_mem>>)
      %dma_wait3A_90 = arith.constant 0 : i32
      %dma_wait3A_91 = tpu.memref_slice %arg8[%add3A_22, %dma_wait3A_90] : memref<5128x128xf32, #tpu.memory_space<vmem_shared>> -> memref<80x128xf32, #tpu.memory_space<vmem_shared>>
      %dma_wait3A_92 = arith.constant 0 : i32
      %dma_wait3A_93 = tpu.memref_slice %arg8[%add3A_22, %dma_wait3A_92] : memref<5128x128xf32, #tpu.memory_space<vmem_shared>> -> memref<80x128xf32, #tpu.memory_space<vmem_shared>>
      tpu.wait_dma2 semaphore(%run_scoped3A : memref<!tpu.dma_semaphore, #tpu.memory_space<semaphore_mem>>) src(%arg7 : memref<80x128xf32, #tpu.memory_space<vmem>>) dst(%dma_wait3A_93 : memref<80x128xf32, #tpu.memory_space<vmem_shared>>)
      tpu.yield
    }) : () -> ()
    %mul3A_23 = arith.constant 320 : i32
    %mul3A_24 = arith.muli %arg1, %mul3A_23 : i32
    %add3A_25 = arith.constant 240 : i32
    %add3A_26 = arith.addi %mul3A_24, %add3A_25 : i32
    "tpu.region"() ({
      %run_scoped3A = tpu.sem_alloc : memref<!tpu.dma_semaphore, #tpu.memory_space<semaphore_mem>>
      %dma_start3A = arith.constant 0 : i32
      %dma_start3A_87 = tpu.memref_slice %arg8[%add3A_26, %dma_start3A] : memref<5128x128xf32, #tpu.memory_space<vmem_shared>> -> memref<80x128xf32, #tpu.memory_space<vmem_shared>>
      %dma_start3A_88 = arith.constant 0 : i32
      %dma_start3A_89 = tpu.memref_slice %arg8[%add3A_26, %dma_start3A_88] : memref<5128x128xf32, #tpu.memory_space<vmem_shared>> -> memref<80x128xf32, #tpu.memory_space<vmem_shared>>
      tpu.enqueue_dma source(%arg7 : memref<80x128xf32, #tpu.memory_space<vmem>>) target(%dma_start3A_89 : memref<80x128xf32, #tpu.memory_space<vmem_shared>>) target_semaphore(%run_scoped3A : memref<!tpu.dma_semaphore, #tpu.memory_space<semaphore_mem>>)
      %dma_wait3A_90 = arith.constant 0 : i32
      %dma_wait3A_91 = tpu.memref_slice %arg8[%add3A_26, %dma_wait3A_90] : memref<5128x128xf32, #tpu.memory_space<vmem_shared>> -> memref<80x128xf32, #tpu.memory_space<vmem_shared>>
      %dma_wait3A_92 = arith.constant 0 : i32
      %dma_wait3A_93 = tpu.memref_slice %arg8[%add3A_26, %dma_wait3A_92] : memref<5128x128xf32, #tpu.memory_space<vmem_shared>> -> memref<80x128xf32, #tpu.memory_space<vmem_shared>>
      tpu.wait_dma2 semaphore(%run_scoped3A : memref<!tpu.dma_semaphore, #tpu.memory_space<semaphore_mem>>) src(%arg7 : memref<80x128xf32, #tpu.memory_space<vmem>>) dst(%dma_wait3A_93 : memref<80x128xf32, #tpu.memory_space<vmem_shared>>)
      tpu.yield
    }) : () -> ()
    "tpu.region"() ({
      %run_scoped3A = tpu.sem_alloc : memref<!tpu.dma_semaphore, #tpu.memory_space<semaphore_mem>>
      %dma_start3A = arith.constant 0 : i32
      %dma_start3A_87 = arith.constant 0 : i32
      %dma_start3A_88 = tpu.memref_slice %arg7[%dma_start3A, %dma_start3A_87] : memref<80x128xf32, #tpu.memory_space<vmem>> -> memref<8x128xf32, #tpu.memory_space<vmem>>
      %dma_start3A_89 = arith.constant 5120 : i32
      %dma_start3A_90 = arith.constant 0 : i32
      %dma_start3A_91 = tpu.memref_slice %arg8[%dma_start3A_89, %dma_start3A_90] : memref<5128x128xf32, #tpu.memory_space<vmem_shared>> -> memref<8x128xf32, #tpu.memory_space<vmem_shared>>
      %dma_start3A_92 = arith.constant 5120 : i32
      %dma_start3A_93 = arith.constant 0 : i32
      %dma_start3A_94 = tpu.memref_slice %arg8[%dma_start3A_92, %dma_start3A_93] : memref<5128x128xf32, #tpu.memory_space<vmem_shared>> -> memref<8x128xf32, #tpu.memory_space<vmem_shared>>
      %dma_start3A_95 = arith.constant 0 : i32
      %dma_start3A_96 = arith.constant 0 : i32
      %dma_start3A_97 = tpu.memref_slice %arg7[%dma_start3A_95, %dma_start3A_96] : memref<80x128xf32, #tpu.memory_space<vmem>> -> memref<8x128xf32, #tpu.memory_space<vmem>>
      tpu.enqueue_dma source(%dma_start3A_97 : memref<8x128xf32, #tpu.memory_space<vmem>>) target(%dma_start3A_94 : memref<8x128xf32, #tpu.memory_space<vmem_shared>>) target_semaphore(%run_scoped3A : memref<!tpu.dma_semaphore, #tpu.memory_space<semaphore_mem>>)
      %dma_wait3A_98 = arith.constant 0 : i32
      %dma_wait3A_99 = arith.constant 0 : i32
      %dma_wait3A_100 = tpu.memref_slice %arg7[%dma_wait3A_98, %dma_wait3A_99] : memref<80x128xf32, #tpu.memory_space<vmem>> -> memref<8x128xf32, #tpu.memory_space<vmem>>
      %dma_wait3A_101 = arith.constant 5120 : i32
      %dma_wait3A_102 = arith.constant 0 : i32
      %dma_wait3A_103 = tpu.memref_slice %arg8[%dma_wait3A_101, %dma_wait3A_102] : memref<5128x128xf32, #tpu.memory_space<vmem_shared>> -> memref<8x128xf32, #tpu.memory_space<vmem_shared>>
      %dma_wait3A_104 = arith.constant 5120 : i32
      %dma_wait3A_105 = arith.constant 0 : i32
      %dma_wait3A_106 = tpu.memref_slice %arg8[%dma_wait3A_104, %dma_wait3A_105] : memref<5128x128xf32, #tpu.memory_space<vmem_shared>> -> memref<8x128xf32, #tpu.memory_space<vmem_shared>>
      %dma_wait3A_107 = arith.constant 0 : i32
      %dma_wait3A_108 = arith.constant 0 : i32
      %dma_wait3A_109 = tpu.memref_slice %arg7[%dma_wait3A_107, %dma_wait3A_108] : memref<80x128xf32, #tpu.memory_space<vmem>> -> memref<8x128xf32, #tpu.memory_space<vmem>>
      tpu.wait_dma2 semaphore(%run_scoped3A : memref<!tpu.dma_semaphore, #tpu.memory_space<semaphore_mem>>) src(%dma_wait3A_109 : memref<8x128xf32, #tpu.memory_space<vmem>>) dst(%dma_wait3A_106 : memref<8x128xf32, #tpu.memory_space<vmem_shared>>)
      tpu.yield
    }) : () -> ()
    %mul3A_27 = arith.constant 20000 : i32
    %mul3A_28 = arith.muli %arg1, %mul3A_27 : i32
    "tpu.region"() ({
      %run_scoped3A = tpu.sem_alloc : memref<!tpu.dma_semaphore, #tpu.memory_space<semaphore_mem>>
      %dma_start3A = tpu.memref_slice %arg2[%mul3A_28] : memref<320000xi32, #tpu.memory_space<hbm>> -> memref<20000xi32, #tpu.memory_space<hbm>>
      %dma_start3A_87 = tpu.memref_slice %arg2[%mul3A_28] : memref<320000xi32, #tpu.memory_space<hbm>> -> memref<20000xi32, #tpu.memory_space<hbm>>
      tpu.enqueue_dma source(%dma_start3A_87 : memref<20000xi32, #tpu.memory_space<hbm>>) target(%arg4 : memref<20000xi32, #tpu.memory_space<vmem>>) target_semaphore(%run_scoped3A : memref<!tpu.dma_semaphore, #tpu.memory_space<semaphore_mem>>)
      %dma_wait3A_88 = tpu.memref_slice %arg2[%mul3A_28] : memref<320000xi32, #tpu.memory_space<hbm>> -> memref<20000xi32, #tpu.memory_space<hbm>>
      %dma_wait3A_89 = tpu.memref_slice %arg2[%mul3A_28] : memref<320000xi32, #tpu.memory_space<hbm>> -> memref<20000xi32, #tpu.memory_space<hbm>>
      tpu.wait_dma2 semaphore(%run_scoped3A : memref<!tpu.dma_semaphore, #tpu.memory_space<semaphore_mem>>) src(%dma_wait3A_89 : memref<20000xi32, #tpu.memory_space<hbm>>) dst(%arg4 : memref<20000xi32, #tpu.memory_space<vmem>>)
      tpu.yield
    }) : () -> ()
    %barrier3A = arith.constant 0 : index
    tpu.barrier barrier_id(%barrier3A)
    %scan3A_29 = arith.constant 0 : i32
    %scan3A_30 = arith.constant 0 : i32
    %scan3A_31 = arith.constant 250 : i32
    %scan3A_32 = arith.addi %scan3A_30, %scan3A_31 : i32
    %scan3A_33 = arith.constant 1 : i32
    scf.for %scan3A_87 = %scan3A_30 to %scan3A_32 step %scan3A_33  : i32 {
      %rem3A = arith.constant 2 : i32
      %rem3A_88 = arith.remsi %scan3A_87, %rem3A : i32
      %ge3A = arith.constant 2 : i32
      %ge3A_89 = arith.cmpi sge, %scan3A_87, %ge3A : i32
      %convert_element_type3A = arith.extui %ge3A_89 : i1 to i32
      %cond3A = arith.constant 0 : i32
      %cond3A_90 = arith.cmpi ne, %convert_element_type3A, %cond3A : i32
      scf.if %cond3A_90 {
        %dma_wait3A_210 = arith.constant 0 : i32
        %dma_wait3A_211 = tpu.memref_slice %arg5[%rem3A_88, %dma_wait3A_210] : memref<2x80xi32, #tpu.memory_space<vmem>> -> memref<1x80xi32, #tpu.memory_space<vmem>>
        %dma_wait3A_212 = tpu.memref_squeeze %dma_wait3A_211 : memref<1x80xi32, #tpu.memory_space<vmem>> -> memref<80xi32, #tpu.memory_space<vmem>>
        %dma_wait3A_213 = arith.constant 0 : i32
        %dma_wait3A_214 = arith.constant 0 : i32
        %dma_wait3A_215 = tpu.memref_slice %arg8[%dma_wait3A_213, %dma_wait3A_214] : memref<5128x128xf32, #tpu.memory_space<vmem_shared>> -> memref<5128x128xf32, #tpu.memory_space<vmem_shared>>
        %dma_wait3A_216 = tpu.memref_slice %arg9[%rem3A_88] : memref<2x!tpu.dma_semaphore, #tpu.memory_space<semaphore_mem>> -> memref<1x!tpu.dma_semaphore, #tpu.memory_space<semaphore_mem>>
        %dma_wait3A_217 = tpu.memref_squeeze %dma_wait3A_216 : memref<1x!tpu.dma_semaphore, #tpu.memory_space<semaphore_mem>> -> memref<!tpu.dma_semaphore, #tpu.memory_space<semaphore_mem>>
        tpu.wait_indirect_dma semaphore(%dma_wait3A_217 : memref<!tpu.dma_semaphore, #tpu.memory_space<semaphore_mem>>) src(%arg6 : memref<80x128xf32, #tpu.memory_space<vmem>>) dst(%dma_wait3A_215 : memref<5128x128xf32, #tpu.memory_space<vmem_shared>>)
      } else {
      }
      %mul3A_91 = arith.constant 80 : i32
      %mul3A_92 = arith.muli %scan3A_87, %mul3A_91 : i32
      %add3A_93 = arith.constant 0 : i32
      %add3A_94 = arith.addi %mul3A_92, %add3A_93 : i32
      %get3A = arith.index_cast %add3A_94 : i32 to index
      %get3A_95 = tpu.vector_load %arg4[%get3A] {strides = array<i32>} : memref<20000xi32, #tpu.memory_space<vmem>>, vector<16xi32>,
      %get3A_96 = vector.shape_cast %get3A_95 : vector<16xi32> to vector<16xi32>
      %sub3A = vector.broadcast %mul3A_0 : i32 to vector<16xi32>
      %sub3A_97 = arith.subi %get3A_96, %sub3A : vector<16xi32>
      %ge3A_98 = arith.constant 0 : i32
      %ge3A_99 = vector.broadcast %ge3A_98 : i32 to vector<16xi32>
      %ge3A_100 = arith.cmpi sge, %sub3A_97, %ge3A_99 : vector<16xi32>
      %lt3A = arith.constant 5120 : i32
      %lt3A_101 = vector.broadcast %lt3A : i32 to vector<16xi32>
      %lt3A_102 = arith.cmpi slt, %sub3A_97, %lt3A_101 : vector<16xi32>
      %and3A = arith.andi %ge3A_100, %lt3A_102 : vector<16xi1>
      %jit3A = arith.constant 5120 : i32
      %broadcast_in_dim3A = vector.broadcast %jit3A : i32 to vector<16xi32>
      %select_n3A = arith.select %and3A, %sub3A_97, %broadcast_in_dim3A : vector<16xi1>, vector<16xi32>
      %swap3A = arith.index_cast %rem3A_88 : i32 to index
      %swap3A_103 = arith.constant 0 : index
      %swap3A_104 = tpu.vector_load %arg5[%swap3A, %swap3A_103] {strides = array<i32>} : memref<2x80xi32, #tpu.memory_space<vmem>>, vector<1x16xi32>,
      %swap3A_105 = vector.shape_cast %swap3A_104 : vector<1x16xi32> to vector<16xi32>
      %swap3A_106 = vector.shape_cast %select_n3A : vector<16xi32> to vector<1x16xi32>
      tpu.vector_store %arg5[%swap3A, %swap3A_103], %swap3A_106 {strides = array<i32>} : memref<2x80xi32, #tpu.memory_space<vmem>>, vector<1x16xi32>,
      %mul3A_107 = arith.constant 80 : i32
      %mul3A_108 = arith.muli %scan3A_87, %mul3A_107 : i32
      %add3A_109 = arith.constant 16 : i32
      %add3A_110 = arith.addi %mul3A_108, %add3A_109 : i32
      %get3A_111 = arith.index_cast %add3A_110 : i32 to index
      %get3A_112 = tpu.vector_load %arg4[%get3A_111] {strides = array<i32>} : memref<20000xi32, #tpu.memory_space<vmem>>, vector<16xi32>,
      %get3A_113 = vector.shape_cast %get3A_112 : vector<16xi32> to vector<16xi32>
      %sub3A_114 = vector.broadcast %mul3A_0 : i32 to vector<16xi32>
      %sub3A_115 = arith.subi %get3A_113, %sub3A_114 : vector<16xi32>
      %ge3A_116 = arith.constant 0 : i32
      %ge3A_117 = vector.broadcast %ge3A_116 : i32 to vector<16xi32>
      %ge3A_118 = arith.cmpi sge, %sub3A_115, %ge3A_117 : vector<16xi32>
      %lt3A_119 = arith.constant 5120 : i32
      %lt3A_120 = vector.broadcast %lt3A_119 : i32 to vector<16xi32>
      %lt3A_121 = arith.cmpi slt, %sub3A_115, %lt3A_120 : vector<16xi32>
      %and3A_122 = arith.andi %ge3A_118, %lt3A_121 : vector<16xi1>
      %jit3A_123 = arith.constant 5120 : i32
      %broadcast_in_dim3A_124 = vector.broadcast %jit3A_123 : i32 to vector<16xi32>
      %select_n3A_125 = arith.select %and3A_122, %sub3A_115, %broadcast_in_dim3A_124 : vector<16xi1>, vector<16xi32>
      %swap3A_126 = arith.index_cast %rem3A_88 : i32 to index
      %swap3A_127 = arith.constant 16 : index
      %swap3A_128 = tpu.vector_load %arg5[%swap3A_126, %swap3A_127] {strides = array<i32>} : memref<2x80xi32, #tpu.memory_space<vmem>>, vector<1x16xi32>,
      %swap3A_129 = vector.shape_cast %swap3A_128 : vector<1x16xi32> to vector<16xi32>
      %swap3A_130 = vector.shape_cast %select_n3A_125 : vector<16xi32> to vector<1x16xi32>
      tpu.vector_store %arg5[%swap3A_126, %swap3A_127], %swap3A_130 {strides = array<i32>} : memref<2x80xi32, #tpu.memory_space<vmem>>, vector<1x16xi32>,
      %mul3A_131 = arith.constant 80 : i32
      %mul3A_132 = arith.muli %scan3A_87, %mul3A_131 : i32
      %add3A_133 = arith.constant 32 : i32
      %add3A_134 = arith.addi %mul3A_132, %add3A_133 : i32
      %get3A_135 = arith.index_cast %add3A_134 : i32 to index
      %get3A_136 = tpu.vector_load %arg4[%get3A_135] {strides = array<i32>} : memref<20000xi32, #tpu.memory_space<vmem>>, vector<16xi32>,
      %get3A_137 = vector.shape_cast %get3A_136 : vector<16xi32> to vector<16xi32>
      %sub3A_138 = vector.broadcast %mul3A_0 : i32 to vector<16xi32>
      %sub3A_139 = arith.subi %get3A_137, %sub3A_138 : vector<16xi32>
      %ge3A_140 = arith.constant 0 : i32
      %ge3A_141 = vector.broadcast %ge3A_140 : i32 to vector<16xi32>
      %ge3A_142 = arith.cmpi sge, %sub3A_139, %ge3A_141 : vector<16xi32>
      %lt3A_143 = arith.constant 5120 : i32
      %lt3A_144 = vector.broadcast %lt3A_143 : i32 to vector<16xi32>
      %lt3A_145 = arith.cmpi slt, %sub3A_139, %lt3A_144 : vector<16xi32>
      %and3A_146 = arith.andi %ge3A_142, %lt3A_145 : vector<16xi1>
      %jit3A_147 = arith.constant 5120 : i32
      %broadcast_in_dim3A_148 = vector.broadcast %jit3A_147 : i32 to vector<16xi32>
      %select_n3A_149 = arith.select %and3A_146, %sub3A_139, %broadcast_in_dim3A_148 : vector<16xi1>, vector<16xi32>
      %swap3A_150 = arith.index_cast %rem3A_88 : i32 to index
      %swap3A_151 = arith.constant 32 : index
      %swap3A_152 = tpu.vector_load %arg5[%swap3A_150, %swap3A_151] {strides = array<i32>} : memref<2x80xi32, #tpu.memory_space<vmem>>, vector<1x16xi32>,
      %swap3A_153 = vector.shape_cast %swap3A_152 : vector<1x16xi32> to vector<16xi32>
      %swap3A_154 = vector.shape_cast %select_n3A_149 : vector<16xi32> to vector<1x16xi32>
      tpu.vector_store %arg5[%swap3A_150, %swap3A_151], %swap3A_154 {strides = array<i32>} : memref<2x80xi32, #tpu.memory_space<vmem>>, vector<1x16xi32>,
      %mul3A_155 = arith.constant 80 : i32
      %mul3A_156 = arith.muli %scan3A_87, %mul3A_155 : i32
      %add3A_157 = arith.constant 48 : i32
      %add3A_158 = arith.addi %mul3A_156, %add3A_157 : i32
      %get3A_159 = arith.index_cast %add3A_158 : i32 to index
      %get3A_160 = tpu.vector_load %arg4[%get3A_159] {strides = array<i32>} : memref<20000xi32, #tpu.memory_space<vmem>>, vector<16xi32>,
      %get3A_161 = vector.shape_cast %get3A_160 : vector<16xi32> to vector<16xi32>
      %sub3A_162 = vector.broadcast %mul3A_0 : i32 to vector<16xi32>
      %sub3A_163 = arith.subi %get3A_161, %sub3A_162 : vector<16xi32>
      %ge3A_164 = arith.constant 0 : i32
      %ge3A_165 = vector.broadcast %ge3A_164 : i32 to vector<16xi32>
      %ge3A_166 = arith.cmpi sge, %sub3A_163, %ge3A_165 : vector<16xi32>
      %lt3A_167 = arith.constant 5120 : i32
      %lt3A_168 = vector.broadcast %lt3A_167 : i32 to vector<16xi32>
      %lt3A_169 = arith.cmpi slt, %sub3A_163, %lt3A_168 : vector<16xi32>
      %and3A_170 = arith.andi %ge3A_166, %lt3A_169 : vector<16xi1>
      %jit3A_171 = arith.constant 5120 : i32
      %broadcast_in_dim3A_172 = vector.broadcast %jit3A_171 : i32 to vector<16xi32>
      %select_n3A_173 = arith.select %and3A_170, %sub3A_163, %broadcast_in_dim3A_172 : vector<16xi1>, vector<16xi32>
      %swap3A_174 = arith.index_cast %rem3A_88 : i32 to index
      %swap3A_175 = arith.constant 48 : index
      %swap3A_176 = tpu.vector_load %arg5[%swap3A_174, %swap3A_175] {strides = array<i32>} : memref<2x80xi32, #tpu.memory_space<vmem>>, vector<1x16xi32>,
      %swap3A_177 = vector.shape_cast %swap3A_176 : vector<1x16xi32> to vector<16xi32>
      %swap3A_178 = vector.shape_cast %select_n3A_173 : vector<16xi32> to vector<1x16xi32>
      tpu.vector_store %arg5[%swap3A_174, %swap3A_175], %swap3A_178 {strides = array<i32>} : memref<2x80xi32, #tpu.memory_space<vmem>>, vector<1x16xi32>,
      %mul3A_179 = arith.constant 80 : i32
      %mul3A_180 = arith.muli %scan3A_87, %mul3A_179 : i32
      %add3A_181 = arith.constant 64 : i32
      %add3A_182 = arith.addi %mul3A_180, %add3A_181 : i32
      %get3A_183 = arith.index_cast %add3A_182 : i32 to index
      %get3A_184 = tpu.vector_load %arg4[%get3A_183] {strides = array<i32>} : memref<20000xi32, #tpu.memory_space<vmem>>, vector<16xi32>,
      %get3A_185 = vector.shape_cast %get3A_184 : vector<16xi32> to vector<16xi32>
      %sub3A_186 = vector.broadcast %mul3A_0 : i32 to vector<16xi32>
      %sub3A_187 = arith.subi %get3A_185, %sub3A_186 : vector<16xi32>
      %ge3A_188 = arith.constant 0 : i32
      %ge3A_189 = vector.broadcast %ge3A_188 : i32 to vector<16xi32>
      %ge3A_190 = arith.cmpi sge, %sub3A_187, %ge3A_189 : vector<16xi32>
      %lt3A_191 = arith.constant 5120 : i32
      %lt3A_192 = vector.broadcast %lt3A_191 : i32 to vector<16xi32>
      %lt3A_193 = arith.cmpi slt, %sub3A_187, %lt3A_192 : vector<16xi32>
      %and3A_194 = arith.andi %ge3A_190, %lt3A_193 : vector<16xi1>
      %jit3A_195 = arith.constant 5120 : i32
      %broadcast_in_dim3A_196 = vector.broadcast %jit3A_195 : i32 to vector<16xi32>
      %select_n3A_197 = arith.select %and3A_194, %sub3A_187, %broadcast_in_dim3A_196 : vector<16xi1>, vector<16xi32>
      %swap3A_198 = arith.index_cast %rem3A_88 : i32 to index
      %swap3A_199 = arith.constant 64 : index
      %swap3A_200 = tpu.vector_load %arg5[%swap3A_198, %swap3A_199] {strides = array<i32>} : memref<2x80xi32, #tpu.memory_space<vmem>>, vector<1x16xi32>,
      %swap3A_201 = vector.shape_cast %swap3A_200 : vector<1x16xi32> to vector<16xi32>
      %swap3A_202 = vector.shape_cast %select_n3A_197 : vector<16xi32> to vector<1x16xi32>
      tpu.vector_store %arg5[%swap3A_198, %swap3A_199], %swap3A_202 {strides = array<i32>} : memref<2x80xi32, #tpu.memory_space<vmem>>, vector<1x16xi32>,
      %dma_start3A = arith.constant 0 : i32
      %dma_start3A_203 = tpu.memref_slice %arg5[%rem3A_88, %dma_start3A] : memref<2x80xi32, #tpu.memory_space<vmem>> -> memref<1x80xi32, #tpu.memory_space<vmem>>
      %dma_start3A_204 = tpu.memref_squeeze %dma_start3A_203 : memref<1x80xi32, #tpu.memory_space<vmem>> -> memref<80xi32, #tpu.memory_space<vmem>>
      %dma_start3A_205 = arith.constant 0 : i32
      %dma_start3A_206 = arith.constant 0 : i32
      %dma_start3A_207 = tpu.memref_slice %arg8[%dma_start3A_205, %dma_start3A_206] : memref<5128x128xf32, #tpu.memory_space<vmem_shared>> -> memref<5128x128xf32, #tpu.memory_space<vmem_shared>>
      %dma_start3A_208 = tpu.memref_slice %arg9[%rem3A_88] : memref<2x!tpu.dma_semaphore, #tpu.memory_space<semaphore_mem>> -> memref<1x!tpu.dma_semaphore, #tpu.memory_space<semaphore_mem>>
      %dma_start3A_209 = tpu.memref_squeeze %dma_start3A_208 : memref<1x!tpu.dma_semaphore, #tpu.memory_space<semaphore_mem>> -> memref<!tpu.dma_semaphore, #tpu.memory_space<semaphore_mem>>
      tpu.enqueue_indirect_dma source(%arg6 : memref<80x128xf32, #tpu.memory_space<vmem>>) target(%dma_start3A_207 : memref<5128x128xf32, #tpu.memory_space<vmem_shared>>) offsets(%dma_start3A_204 : memref<80xi32, #tpu.memory_space<vmem>>) semaphore(%dma_start3A_209 : memref<!tpu.dma_semaphore, #tpu.memory_space<semaphore_mem>>) {add = true}
    }
    %scan3A_34 = arith.constant 250 : i32
    %dma_wait3A = arith.constant 0 : i32
    %dma_wait3A_35 = arith.constant 0 : i32
    %dma_wait3A_36 = arith.constant 0 : i32
    %dma_wait3A_37 = tpu.memref_slice %arg5[%dma_wait3A, %dma_wait3A_36] : memref<2x80xi32, #tpu.memory_space<vmem>> -> memref<1x80xi32, #tpu.memory_space<vmem>>
    %dma_wait3A_38 = tpu.memref_squeeze %dma_wait3A_37 : memref<1x80xi32, #tpu.memory_space<vmem>> -> memref<80xi32, #tpu.memory_space<vmem>>
    %dma_wait3A_39 = arith.constant 0 : i32
    %dma_wait3A_40 = arith.constant 0 : i32
    %dma_wait3A_41 = tpu.memref_slice %arg8[%dma_wait3A_39, %dma_wait3A_40] : memref<5128x128xf32, #tpu.memory_space<vmem_shared>> -> memref<5128x128xf32, #tpu.memory_space<vmem_shared>>
    %dma_wait3A_42 = tpu.memref_slice %arg9[%dma_wait3A_35] : memref<2x!tpu.dma_semaphore, #tpu.memory_space<semaphore_mem>> -> memref<1x!tpu.dma_semaphore, #tpu.memory_space<semaphore_mem>>
    %dma_wait3A_43 = tpu.memref_squeeze %dma_wait3A_42 : memref<1x!tpu.dma_semaphore, #tpu.memory_space<semaphore_mem>> -> memref<!tpu.dma_semaphore, #tpu.memory_space<semaphore_mem>>
    tpu.wait_indirect_dma semaphore(%dma_wait3A_43 : memref<!tpu.dma_semaphore, #tpu.memory_space<semaphore_mem>>) src(%arg6 : memref<80x128xf32, #tpu.memory_space<vmem>>) dst(%dma_wait3A_41 : memref<5128x128xf32, #tpu.memory_space<vmem_shared>>)
    %dma_wait3A_44 = arith.constant 1 : i32
    %dma_wait3A_45 = arith.constant 1 : i32
    %dma_wait3A_46 = arith.constant 0 : i32
    %dma_wait3A_47 = tpu.memref_slice %arg5[%dma_wait3A_44, %dma_wait3A_46] : memref<2x80xi32, #tpu.memory_space<vmem>> -> memref<1x80xi32, #tpu.memory_space<vmem>>
    %dma_wait3A_48 = tpu.memref_squeeze %dma_wait3A_47 : memref<1x80xi32, #tpu.memory_space<vmem>> -> memref<80xi32, #tpu.memory_space<vmem>>
    %dma_wait3A_49 = arith.constant 0 : i32
    %dma_wait3A_50 = arith.constant 0 : i32
    %dma_wait3A_51 = tpu.memref_slice %arg8[%dma_wait3A_49, %dma_wait3A_50] : memref<5128x128xf32, #tpu.memory_space<vmem_shared>> -> memref<5128x128xf32, #tpu.memory_space<vmem_shared>>
    %dma_wait3A_52 = tpu.memref_slice %arg9[%dma_wait3A_45] : memref<2x!tpu.dma_semaphore, #tpu.memory_space<semaphore_mem>> -> memref<1x!tpu.dma_semaphore, #tpu.memory_space<semaphore_mem>>
    %dma_wait3A_53 = tpu.memref_squeeze %dma_wait3A_52 : memref<1x!tpu.dma_semaphore, #tpu.memory_space<semaphore_mem>> -> memref<!tpu.dma_semaphore, #tpu.memory_space<semaphore_mem>>
    tpu.wait_indirect_dma semaphore(%dma_wait3A_53 : memref<!tpu.dma_semaphore, #tpu.memory_space<semaphore_mem>>) src(%arg6 : memref<80x128xf32, #tpu.memory_space<vmem>>) dst(%dma_wait3A_51 : memref<5128x128xf32, #tpu.memory_space<vmem_shared>>)
    %barrier3A_54 = arith.constant 0 : index
    tpu.barrier barrier_id(%barrier3A_54)
    %mul3A_55 = arith.constant 320 : i32
    %mul3A_56 = arith.muli %arg1, %mul3A_55 : i32
    %add3A_57 = arith.constant 0 : i32
    %add3A_58 = arith.addi %mul3A_56, %add3A_57 : i32
    "tpu.region"() ({
      %run_scoped3A = tpu.sem_alloc : memref<!tpu.dma_semaphore, #tpu.memory_space<semaphore_mem>>
      %dma_start3A = arith.constant 0 : i32
      %dma_start3A_87 = tpu.memref_slice %arg8[%add3A_58, %dma_start3A] : memref<5128x128xf32, #tpu.memory_space<vmem_shared>> -> memref<80x128xf32, #tpu.memory_space<vmem_shared>>
      %dma_start3A_88 = arith.constant 0 : i32
      %dma_start3A_89 = tpu.memref_slice %arg8[%add3A_58, %dma_start3A_88] : memref<5128x128xf32, #tpu.memory_space<vmem_shared>> -> memref<80x128xf32, #tpu.memory_space<vmem_shared>>
      tpu.enqueue_dma source(%dma_start3A_89 : memref<80x128xf32, #tpu.memory_space<vmem_shared>>) target(%arg7 : memref<80x128xf32, #tpu.memory_space<vmem>>) target_semaphore(%run_scoped3A : memref<!tpu.dma_semaphore, #tpu.memory_space<semaphore_mem>>)
      %dma_wait3A_90 = arith.constant 0 : i32
      %dma_wait3A_91 = tpu.memref_slice %arg8[%add3A_58, %dma_wait3A_90] : memref<5128x128xf32, #tpu.memory_space<vmem_shared>> -> memref<80x128xf32, #tpu.memory_space<vmem_shared>>
      %dma_wait3A_92 = arith.constant 0 : i32
      %dma_wait3A_93 = tpu.memref_slice %arg8[%add3A_58, %dma_wait3A_92] : memref<5128x128xf32, #tpu.memory_space<vmem_shared>> -> memref<80x128xf32, #tpu.memory_space<vmem_shared>>
      tpu.wait_dma2 semaphore(%run_scoped3A : memref<!tpu.dma_semaphore, #tpu.memory_space<semaphore_mem>>) src(%dma_wait3A_93 : memref<80x128xf32, #tpu.memory_space<vmem_shared>>) dst(%arg7 : memref<80x128xf32, #tpu.memory_space<vmem>>)
      tpu.yield
    }) : () -> ()
    %mul3A_59 = arith.constant 320 : i32
    %mul3A_60 = arith.muli %arg1, %mul3A_59 : i32
    %add3A_61 = arith.constant 0 : i32
    %add3A_62 = arith.addi %mul3A_60, %add3A_61 : i32
    "tpu.region"() ({
      %run_scoped3A = tpu.sem_alloc : memref<!tpu.dma_semaphore, #tpu.memory_space<semaphore_mem>>
      %dma_start3A = arith.constant 0 : i32
      %dma_start3A_87 = tpu.memref_slice %arg3[%arg0, %add3A_62, %dma_start3A] : memref<2x5120x128xf32, #tpu.memory_space<hbm>> -> memref<1x80x128xf32, #tpu.memory_space<hbm>>
      %dma_start3A_88 = tpu.memref_squeeze %dma_start3A_87 : memref<1x80x128xf32, #tpu.memory_space<hbm>> -> memref<80x128xf32, #tpu.memory_space<hbm>>
      %dma_start3A_89 = arith.constant 0 : i32
      %dma_start3A_90 = tpu.memref_slice %arg3[%arg0, %add3A_62, %dma_start3A_89] : memref<2x5120x128xf32, #tpu.memory_space<hbm>> -> memref<1x80x128xf32, #tpu.memory_space<hbm>>
      %dma_start3A_91 = tpu.memref_squeeze %dma_start3A_90 : memref<1x80x128xf32, #tpu.memory_space<hbm>> -> memref<80x128xf32, #tpu.memory_space<hbm>>
      tpu.enqueue_dma source(%arg7 : memref<80x128xf32, #tpu.memory_space<vmem>>) target(%dma_start3A_91 : memref<80x128xf32, #tpu.memory_space<hbm>>) target_semaphore(%run_scoped3A : memref<!tpu.dma_semaphore, #tpu.memory_space<semaphore_mem>>)
      %dma_wait3A_92 = arith.constant 0 : i32
      %dma_wait3A_93 = tpu.memref_slice %arg3[%arg0, %add3A_62, %dma_wait3A_92] : memref<2x5120x128xf32, #tpu.memory_space<hbm>> -> memref<1x80x128xf32, #tpu.memory_space<hbm>>
      %dma_wait3A_94 = tpu.memref_squeeze %dma_wait3A_93 : memref<1x80x128xf32, #tpu.memory_space<hbm>> -> memref<80x128xf32, #tpu.memory_space<hbm>>
      %dma_wait3A_95 = arith.constant 0 : i32
      %dma_wait3A_96 = tpu.memref_slice %arg3[%arg0, %add3A_62, %dma_wait3A_95] : memref<2x5120x128xf32, #tpu.memory_space<hbm>> -> memref<1x80x128xf32, #tpu.memory_space<hbm>>
      %dma_wait3A_97 = tpu.memref_squeeze %dma_wait3A_96 : memref<1x80x128xf32, #tpu.memory_space<hbm>> -> memref<80x128xf32, #tpu.memory_space<hbm>>
      tpu.wait_dma2 semaphore(%run_scoped3A : memref<!tpu.dma_semaphore, #tpu.memory_space<semaphore_mem>>) src(%arg7 : memref<80x128xf32, #tpu.memory_space<vmem>>) dst(%dma_wait3A_97 : memref<80x128xf32, #tpu.memory_space<hbm>>)
      tpu.yield
    }) : () -> ()
    %mul3A_63 = arith.constant 320 : i32
    %mul3A_64 = arith.muli %arg1, %mul3A_63 : i32
    %add3A_65 = arith.constant 80 : i32
    %add3A_66 = arith.addi %mul3A_64, %add3A_65 : i32
    "tpu.region"() ({
      %run_scoped3A = tpu.sem_alloc : memref<!tpu.dma_semaphore, #tpu.memory_space<semaphore_mem>>
      %dma_start3A = arith.constant 0 : i32
      %dma_start3A_87 = tpu.memref_slice %arg8[%add3A_66, %dma_start3A] : memref<5128x128xf32, #tpu.memory_space<vmem_shared>> -> memref<80x128xf32, #tpu.memory_space<vmem_shared>>
      %dma_start3A_88 = arith.constant 0 : i32
      %dma_start3A_89 = tpu.memref_slice %arg8[%add3A_66, %dma_start3A_88] : memref<5128x128xf32, #tpu.memory_space<vmem_shared>> -> memref<80x128xf32, #tpu.memory_space<vmem_shared>>
      tpu.enqueue_dma source(%dma_start3A_89 : memref<80x128xf32, #tpu.memory_space<vmem_shared>>) target(%arg7 : memref<80x128xf32, #tpu.memory_space<vmem>>) target_semaphore(%run_scoped3A : memref<!tpu.dma_semaphore, #tpu.memory_space<semaphore_mem>>)
      %dma_wait3A_90 = arith.constant 0 : i32
      %dma_wait3A_91 = tpu.memref_slice %arg8[%add3A_66, %dma_wait3A_90] : memref<5128x128xf32, #tpu.memory_space<vmem_shared>> -> memref<80x128xf32, #tpu.memory_space<vmem_shared>>
      %dma_wait3A_92 = arith.constant 0 : i32
      %dma_wait3A_93 = tpu.memref_slice %arg8[%add3A_66, %dma_wait3A_92] : memref<5128x128xf32, #tpu.memory_space<vmem_shared>> -> memref<80x128xf32, #tpu.memory_space<vmem_shared>>
      tpu.wait_dma2 semaphore(%run_scoped3A : memref<!tpu.dma_semaphore, #tpu.memory_space<semaphore_mem>>) src(%dma_wait3A_93 : memref<80x128xf32, #tpu.memory_space<vmem_shared>>) dst(%arg7 : memref<80x128xf32, #tpu.memory_space<vmem>>)
      tpu.yield
    }) : () -> ()
    %mul3A_67 = arith.constant 320 : i32
    %mul3A_68 = arith.muli %arg1, %mul3A_67 : i32
    %add3A_69 = arith.constant 80 : i32
    %add3A_70 = arith.addi %mul3A_68, %add3A_69 : i32
    "tpu.region"() ({
      %run_scoped3A = tpu.sem_alloc : memref<!tpu.dma_semaphore, #tpu.memory_space<semaphore_mem>>
      %dma_start3A = arith.constant 0 : i32
      %dma_start3A_87 = tpu.memref_slice %arg3[%arg0, %add3A_70, %dma_start3A] : memref<2x5120x128xf32, #tpu.memory_space<hbm>> -> memref<1x80x128xf32, #tpu.memory_space<hbm>>
      %dma_start3A_88 = tpu.memref_squeeze %dma_start3A_87 : memref<1x80x128xf32, #tpu.memory_space<hbm>> -> memref<80x128xf32, #tpu.memory_space<hbm>>
      %dma_start3A_89 = arith.constant 0 : i32
      %dma_start3A_90 = tpu.memref_slice %arg3[%arg0, %add3A_70, %dma_start3A_89] : memref<2x5120x128xf32, #tpu.memory_space<hbm>> -> memref<1x80x128xf32, #tpu.memory_space<hbm>>
      %dma_start3A_91 = tpu.memref_squeeze %dma_start3A_90 : memref<1x80x128xf32, #tpu.memory_space<hbm>> -> memref<80x128xf32, #tpu.memory_space<hbm>>
      tpu.enqueue_dma source(%arg7 : memref<80x128xf32, #tpu.memory_space<vmem>>) target(%dma_start3A_91 : memref<80x128xf32, #tpu.memory_space<hbm>>) target_semaphore(%run_scoped3A : memref<!tpu.dma_semaphore, #tpu.memory_space<semaphore_mem>>)
      %dma_wait3A_92 = arith.constant 0 : i32
      %dma_wait3A_93 = tpu.memref_slice %arg3[%arg0, %add3A_70, %dma_wait3A_92] : memref<2x5120x128xf32, #tpu.memory_space<hbm>> -> memref<1x80x128xf32, #tpu.memory_space<hbm>>
      %dma_wait3A_94 = tpu.memref_squeeze %dma_wait3A_93 : memref<1x80x128xf32, #tpu.memory_space<hbm>> -> memref<80x128xf32, #tpu.memory_space<hbm>>
      %dma_wait3A_95 = arith.constant 0 : i32
      %dma_wait3A_96 = tpu.memref_slice %arg3[%arg0, %add3A_70, %dma_wait3A_95] : memref<2x5120x128xf32, #tpu.memory_space<hbm>> -> memref<1x80x128xf32, #tpu.memory_space<hbm>>
      %dma_wait3A_97 = tpu.memref_squeeze %dma_wait3A_96 : memref<1x80x128xf32, #tpu.memory_space<hbm>> -> memref<80x128xf32, #tpu.memory_space<hbm>>
      tpu.wait_dma2 semaphore(%run_scoped3A : memref<!tpu.dma_semaphore, #tpu.memory_space<semaphore_mem>>) src(%arg7 : memref<80x128xf32, #tpu.memory_space<vmem>>) dst(%dma_wait3A_97 : memref<80x128xf32, #tpu.memory_space<hbm>>)
      tpu.yield
    }) : () -> ()
    %mul3A_71 = arith.constant 320 : i32
    %mul3A_72 = arith.muli %arg1, %mul3A_71 : i32
    %add3A_73 = arith.constant 160 : i32
    %add3A_74 = arith.addi %mul3A_72, %add3A_73 : i32
    "tpu.region"() ({
      %run_scoped3A = tpu.sem_alloc : memref<!tpu.dma_semaphore, #tpu.memory_space<semaphore_mem>>
      %dma_start3A = arith.constant 0 : i32
      %dma_start3A_87 = tpu.memref_slice %arg8[%add3A_74, %dma_start3A] : memref<5128x128xf32, #tpu.memory_space<vmem_shared>> -> memref<80x128xf32, #tpu.memory_space<vmem_shared>>
      %dma_start3A_88 = arith.constant 0 : i32
      %dma_start3A_89 = tpu.memref_slice %arg8[%add3A_74, %dma_start3A_88] : memref<5128x128xf32, #tpu.memory_space<vmem_shared>> -> memref<80x128xf32, #tpu.memory_space<vmem_shared>>
      tpu.enqueue_dma source(%dma_start3A_89 : memref<80x128xf32, #tpu.memory_space<vmem_shared>>) target(%arg7 : memref<80x128xf32, #tpu.memory_space<vmem>>) target_semaphore(%run_scoped3A : memref<!tpu.dma_semaphore, #tpu.memory_space<semaphore_mem>>)
      %dma_wait3A_90 = arith.constant 0 : i32
      %dma_wait3A_91 = tpu.memref_slice %arg8[%add3A_74, %dma_wait3A_90] : memref<5128x128xf32, #tpu.memory_space<vmem_shared>> -> memref<80x128xf32, #tpu.memory_space<vmem_shared>>
      %dma_wait3A_92 = arith.constant 0 : i32
      %dma_wait3A_93 = tpu.memref_slice %arg8[%add3A_74, %dma_wait3A_92] : memref<5128x128xf32, #tpu.memory_space<vmem_shared>> -> memref<80x128xf32, #tpu.memory_space<vmem_shared>>
      tpu.wait_dma2 semaphore(%run_scoped3A : memref<!tpu.dma_semaphore, #tpu.memory_space<semaphore_mem>>) src(%dma_wait3A_93 : memref<80x128xf32, #tpu.memory_space<vmem_shared>>) dst(%arg7 : memref<80x128xf32, #tpu.memory_space<vmem>>)
      tpu.yield
    }) : () -> ()
    %mul3A_75 = arith.constant 320 : i32
    %mul3A_76 = arith.muli %arg1, %mul3A_75 : i32
    %add3A_77 = arith.constant 160 : i32
    %add3A_78 = arith.addi %mul3A_76, %add3A_77 : i32
    "tpu.region"() ({
      %run_scoped3A = tpu.sem_alloc : memref<!tpu.dma_semaphore, #tpu.memory_space<semaphore_mem>>
      %dma_start3A = arith.constant 0 : i32
      %dma_start3A_87 = tpu.memref_slice %arg3[%arg0, %add3A_78, %dma_start3A] : memref<2x5120x128xf32, #tpu.memory_space<hbm>> -> memref<1x80x128xf32, #tpu.memory_space<hbm>>
      %dma_start3A_88 = tpu.memref_squeeze %dma_start3A_87 : memref<1x80x128xf32, #tpu.memory_space<hbm>> -> memref<80x128xf32, #tpu.memory_space<hbm>>
      %dma_start3A_89 = arith.constant 0 : i32
      %dma_start3A_90 = tpu.memref_slice %arg3[%arg0, %add3A_78, %dma_start3A_89] : memref<2x5120x128xf32, #tpu.memory_space<hbm>> -> memref<1x80x128xf32, #tpu.memory_space<hbm>>
      %dma_start3A_91 = tpu.memref_squeeze %dma_start3A_90 : memref<1x80x128xf32, #tpu.memory_space<hbm>> -> memref<80x128xf32, #tpu.memory_space<hbm>>
      tpu.enqueue_dma source(%arg7 : memref<80x128xf32, #tpu.memory_space<vmem>>) target(%dma_start3A_91 : memref<80x128xf32, #tpu.memory_space<hbm>>) target_semaphore(%run_scoped3A : memref<!tpu.dma_semaphore, #tpu.memory_space<semaphore_mem>>)
      %dma_wait3A_92 = arith.constant 0 : i32
      %dma_wait3A_93 = tpu.memref_slice %arg3[%arg0, %add3A_78, %dma_wait3A_92] : memref<2x5120x128xf32, #tpu.memory_space<hbm>> -> memref<1x80x128xf32, #tpu.memory_space<hbm>>
      %dma_wait3A_94 = tpu.memref_squeeze %dma_wait3A_93 : memref<1x80x128xf32, #tpu.memory_space<hbm>> -> memref<80x128xf32, #tpu.memory_space<hbm>>
      %dma_wait3A_95 = arith.constant 0 : i32
      %dma_wait3A_96 = tpu.memref_slice %arg3[%arg0, %add3A_78, %dma_wait3A_95] : memref<2x5120x128xf32, #tpu.memory_space<hbm>> -> memref<1x80x128xf32, #tpu.memory_space<hbm>>
      %dma_wait3A_97 = tpu.memref_squeeze %dma_wait3A_96 : memref<1x80x128xf32, #tpu.memory_space<hbm>> -> memref<80x128xf32, #tpu.memory_space<hbm>>
      tpu.wait_dma2 semaphore(%run_scoped3A : memref<!tpu.dma_semaphore, #tpu.memory_space<semaphore_mem>>) src(%arg7 : memref<80x128xf32, #tpu.memory_space<vmem>>) dst(%dma_wait3A_97 : memref<80x128xf32, #tpu.memory_space<hbm>>)
      tpu.yield
    }) : () -> ()
    %mul3A_79 = arith.constant 320 : i32
    %mul3A_80 = arith.muli %arg1, %mul3A_79 : i32
    %add3A_81 = arith.constant 240 : i32
    %add3A_82 = arith.addi %mul3A_80, %add3A_81 : i32
    "tpu.region"() ({
      %run_scoped3A = tpu.sem_alloc : memref<!tpu.dma_semaphore, #tpu.memory_space<semaphore_mem>>
      %dma_start3A = arith.constant 0 : i32
      %dma_start3A_87 = tpu.memref_slice %arg8[%add3A_82, %dma_start3A] : memref<5128x128xf32, #tpu.memory_space<vmem_shared>> -> memref<80x128xf32, #tpu.memory_space<vmem_shared>>
      %dma_start3A_88 = arith.constant 0 : i32
      %dma_start3A_89 = tpu.memref_slice %arg8[%add3A_82, %dma_start3A_88] : memref<5128x128xf32, #tpu.memory_space<vmem_shared>> -> memref<80x128xf32, #tpu.memory_space<vmem_shared>>
      tpu.enqueue_dma source(%dma_start3A_89 : memref<80x128xf32, #tpu.memory_space<vmem_shared>>) target(%arg7 : memref<80x128xf32, #tpu.memory_space<vmem>>) target_semaphore(%run_scoped3A : memref<!tpu.dma_semaphore, #tpu.memory_space<semaphore_mem>>)
      %dma_wait3A_90 = arith.constant 0 : i32
      %dma_wait3A_91 = tpu.memref_slice %arg8[%add3A_82, %dma_wait3A_90] : memref<5128x128xf32, #tpu.memory_space<vmem_shared>> -> memref<80x128xf32, #tpu.memory_space<vmem_shared>>
      %dma_wait3A_92 = arith.constant 0 : i32
      %dma_wait3A_93 = tpu.memref_slice %arg8[%add3A_82, %dma_wait3A_92] : memref<5128x128xf32, #tpu.memory_space<vmem_shared>> -> memref<80x128xf32, #tpu.memory_space<vmem_shared>>
      tpu.wait_dma2 semaphore(%run_scoped3A : memref<!tpu.dma_semaphore, #tpu.memory_space<semaphore_mem>>) src(%dma_wait3A_93 : memref<80x128xf32, #tpu.memory_space<vmem_shared>>) dst(%arg7 : memref<80x128xf32, #tpu.memory_space<vmem>>)
      tpu.yield
    }) : () -> ()
    %mul3A_83 = arith.constant 320 : i32
    %mul3A_84 = arith.muli %arg1, %mul3A_83 : i32
    %add3A_85 = arith.constant 240 : i32
    %add3A_86 = arith.addi %mul3A_84, %add3A_85 : i32
    "tpu.region"() ({
      %run_scoped3A = tpu.sem_alloc : memref<!tpu.dma_semaphore, #tpu.memory_space<semaphore_mem>>
      %dma_start3A = arith.constant 0 : i32
      %dma_start3A_87 = tpu.memref_slice %arg3[%arg0, %add3A_86, %dma_start3A] : memref<2x5120x128xf32, #tpu.memory_space<hbm>> -> memref<1x80x128xf32, #tpu.memory_space<hbm>>
      %dma_start3A_88 = tpu.memref_squeeze %dma_start3A_87 : memref<1x80x128xf32, #tpu.memory_space<hbm>> -> memref<80x128xf32, #tpu.memory_space<hbm>>
      %dma_start3A_89 = arith.constant 0 : i32
      %dma_start3A_90 = tpu.memref_slice %arg3[%arg0, %add3A_86, %dma_start3A_89] : memref<2x5120x128xf32, #tpu.memory_space<hbm>> -> memref<1x80x128xf32, #tpu.memory_space<hbm>>
      %dma_start3A_91 = tpu.memref_squeeze %dma_start3A_90 : memref<1x80x128xf32, #tpu.memory_space<hbm>> -> memref<80x128xf32, #tpu.memory_space<hbm>>
      tpu.enqueue_dma source(%arg7 : memref<80x128xf32, #tpu.memory_space<vmem>>) target(%dma_start3A_91 : memref<80x128xf32, #tpu.memory_space<hbm>>) target_semaphore(%run_scoped3A : memref<!tpu.dma_semaphore, #tpu.memory_space<semaphore_mem>>)
      %dma_wait3A_92 = arith.constant 0 : i32
      %dma_wait3A_93 = tpu.memref_slice %arg3[%arg0, %add3A_86, %dma_wait3A_92] : memref<2x5120x128xf32, #tpu.memory_space<hbm>> -> memref<1x80x128xf32, #tpu.memory_space<hbm>>
      %dma_wait3A_94 = tpu.memref_squeeze %dma_wait3A_93 : memref<1x80x128xf32, #tpu.memory_space<hbm>> -> memref<80x128xf32, #tpu.memory_space<hbm>>
      %dma_wait3A_95 = arith.constant 0 : i32
      %dma_wait3A_96 = tpu.memref_slice %arg3[%arg0, %add3A_86, %dma_wait3A_95] : memref<2x5120x128xf32, #tpu.memory_space<hbm>> -> memref<1x80x128xf32, #tpu.memory_space<hbm>>
      %dma_wait3A_97 = tpu.memref_squeeze %dma_wait3A_96 : memref<1x80x128xf32, #tpu.memory_space<hbm>> -> memref<80x128xf32, #tpu.memory_space<hbm>>
      tpu.wait_dma2 semaphore(%run_scoped3A : memref<!tpu.dma_semaphore, #tpu.memory_space<semaphore_mem>>) src(%arg7 : memref<80x128xf32, #tpu.memory_space<vmem>>) dst(%dma_wait3A_97 : memref<80x128xf32, #tpu.memory_space<hbm>>)
      tpu.yield
    }) : () -> ()
    return
  }
}

#map = affine_map<(d0, d1) -> (0, 0)>
#map1 = affine_map<(d0, d1) -> (0)>
#map2 = affine_map<(d0, d1) -> (0, 0, 0)>
module attributes {stable_mosaic.version = 14 : i64} {
  func.func @_agg_body(%arg0: i32, %arg1: i32, %arg2: memref<10000x128xf32, #tpu.memory_space<hbm>>, %arg3: memref<320000xi32, #tpu.memory_space<hbm>>, %arg4: memref<320000xi32, #tpu.memory_space<hbm>>, %arg5: memref<2x5120x128xf32, #tpu.memory_space<hbm>>, %arg6: memref<20000xi32, #tpu.memory_space<vmem>>, %arg7: memref<20000xi32, #tpu.memory_space<vmem>>, %arg8: memref<80xi32, #tpu.memory_space<vmem>>, %arg9: memref<2x80x128xf32, #tpu.memory_space<vmem>>, %arg10: memref<80x128xf32, #tpu.memory_space<vmem>>, %arg11: memref<5128x128xf32, #tpu.memory_space<vmem_shared>>, %arg12: memref<2x!tpu.dma_semaphore, #tpu.memory_space<semaphore_mem>>) attributes {dimension_semantics = [#tpu.dimension_semantics<core_parallel>, #tpu.dimension_semantics<subcore_parallel>], iteration_bounds = array<i64: 2, 16>, scalar_prefetch = 0 : i64, scratch_operands = 7 : i64, tpu.core_type = #tpu.core_type<sc_vector_subcore>, window_params = [{transform_indices = #map}, {transform_indices = #map1}, {transform_indices = #map1}, {transform_indices = #map2}]} {
    %mul3A = arith.constant 5120 : i32
    %mul3A_0 = arith.muli %arg0, %mul3A : i32
    %scan3A = arith.constant 0 : i32
    %scan3A_1 = arith.constant 0 : i32
    %scan3A_2 = arith.constant 80 : i32
    %scan3A_3 = arith.addi %scan3A_1, %scan3A_2 : i32
    %scan3A_4 = arith.constant 1 : i32
    scf.for %scan3A_76 = %scan3A_1 to %scan3A_3 step %scan3A_4  : i32 {
      %broadcast_in_dim3A = arith.constant 0.000000e+00 : f32
      %broadcast_in_dim3A_77 = vector.broadcast %broadcast_in_dim3A : f32 to vector<16xf32>
      %swap3A = arith.index_cast %scan3A_76 : i32 to index
      %swap3A_78 = arith.constant 0 : index
      %swap3A_79 = tpu.vector_load %arg10[%swap3A, %swap3A_78] {strides = array<i32>} : memref<80x128xf32, #tpu.memory_space<vmem>>, vector<1x16xf32>,
      %swap3A_80 = vector.shape_cast %swap3A_79 : vector<1x16xf32> to vector<16xf32>
      %swap3A_81 = vector.shape_cast %broadcast_in_dim3A_77 : vector<16xf32> to vector<1x16xf32>
      tpu.vector_store %arg10[%swap3A, %swap3A_78], %swap3A_81 {strides = array<i32>} : memref<80x128xf32, #tpu.memory_space<vmem>>, vector<1x16xf32>,
      %broadcast_in_dim3A_82 = arith.constant 0.000000e+00 : f32
      %broadcast_in_dim3A_83 = vector.broadcast %broadcast_in_dim3A_82 : f32 to vector<16xf32>
      %swap3A_84 = arith.index_cast %scan3A_76 : i32 to index
      %swap3A_85 = arith.constant 16 : index
      %swap3A_86 = tpu.vector_load %arg10[%swap3A_84, %swap3A_85] {strides = array<i32>} : memref<80x128xf32, #tpu.memory_space<vmem>>, vector<1x16xf32>,
      %swap3A_87 = vector.shape_cast %swap3A_86 : vector<1x16xf32> to vector<16xf32>
      %swap3A_88 = vector.shape_cast %broadcast_in_dim3A_83 : vector<16xf32> to vector<1x16xf32>
      tpu.vector_store %arg10[%swap3A_84, %swap3A_85], %swap3A_88 {strides = array<i32>} : memref<80x128xf32, #tpu.memory_space<vmem>>, vector<1x16xf32>,
      %broadcast_in_dim3A_89 = arith.constant 0.000000e+00 : f32
      %broadcast_in_dim3A_90 = vector.broadcast %broadcast_in_dim3A_89 : f32 to vector<16xf32>
      %swap3A_91 = arith.index_cast %scan3A_76 : i32 to index
      %swap3A_92 = arith.constant 32 : index
      %swap3A_93 = tpu.vector_load %arg10[%swap3A_91, %swap3A_92] {strides = array<i32>} : memref<80x128xf32, #tpu.memory_space<vmem>>, vector<1x16xf32>,
      %swap3A_94 = vector.shape_cast %swap3A_93 : vector<1x16xf32> to vector<16xf32>
      %swap3A_95 = vector.shape_cast %broadcast_in_dim3A_90 : vector<16xf32> to vector<1x16xf32>
      tpu.vector_store %arg10[%swap3A_91, %swap3A_92], %swap3A_95 {strides = array<i32>} : memref<80x128xf32, #tpu.memory_space<vmem>>, vector<1x16xf32>,
      %broadcast_in_dim3A_96 = arith.constant 0.000000e+00 : f32
      %broadcast_in_dim3A_97 = vector.broadcast %broadcast_in_dim3A_96 : f32 to vector<16xf32>
      %swap3A_98 = arith.index_cast %scan3A_76 : i32 to index
      %swap3A_99 = arith.constant 48 : index
      %swap3A_100 = tpu.vector_load %arg10[%swap3A_98, %swap3A_99] {strides = array<i32>} : memref<80x128xf32, #tpu.memory_space<vmem>>, vector<1x16xf32>,
      %swap3A_101 = vector.shape_cast %swap3A_100 : vector<1x16xf32> to vector<16xf32>
      %swap3A_102 = vector.shape_cast %broadcast_in_dim3A_97 : vector<16xf32> to vector<1x16xf32>
      tpu.vector_store %arg10[%swap3A_98, %swap3A_99], %swap3A_102 {strides = array<i32>} : memref<80x128xf32, #tpu.memory_space<vmem>>, vector<1x16xf32>,
      %broadcast_in_dim3A_103 = arith.constant 0.000000e+00 : f32
      %broadcast_in_dim3A_104 = vector.broadcast %broadcast_in_dim3A_103 : f32 to vector<16xf32>
      %swap3A_105 = arith.index_cast %scan3A_76 : i32 to index
      %swap3A_106 = arith.constant 64 : index
      %swap3A_107 = tpu.vector_load %arg10[%swap3A_105, %swap3A_106] {strides = array<i32>} : memref<80x128xf32, #tpu.memory_space<vmem>>, vector<1x16xf32>,
      %swap3A_108 = vector.shape_cast %swap3A_107 : vector<1x16xf32> to vector<16xf32>
      %swap3A_109 = vector.shape_cast %broadcast_in_dim3A_104 : vector<16xf32> to vector<1x16xf32>
      tpu.vector_store %arg10[%swap3A_105, %swap3A_106], %swap3A_109 {strides = array<i32>} : memref<80x128xf32, #tpu.memory_space<vmem>>, vector<1x16xf32>,
      %broadcast_in_dim3A_110 = arith.constant 0.000000e+00 : f32
      %broadcast_in_dim3A_111 = vector.broadcast %broadcast_in_dim3A_110 : f32 to vector<16xf32>
      %swap3A_112 = arith.index_cast %scan3A_76 : i32 to index
      %swap3A_113 = arith.constant 80 : index
      %swap3A_114 = tpu.vector_load %arg10[%swap3A_112, %swap3A_113] {strides = array<i32>} : memref<80x128xf32, #tpu.memory_space<vmem>>, vector<1x16xf32>,
      %swap3A_115 = vector.shape_cast %swap3A_114 : vector<1x16xf32> to vector<16xf32>
      %swap3A_116 = vector.shape_cast %broadcast_in_dim3A_111 : vector<16xf32> to vector<1x16xf32>
      tpu.vector_store %arg10[%swap3A_112, %swap3A_113], %swap3A_116 {strides = array<i32>} : memref<80x128xf32, #tpu.memory_space<vmem>>, vector<1x16xf32>,
      %broadcast_in_dim3A_117 = arith.constant 0.000000e+00 : f32
      %broadcast_in_dim3A_118 = vector.broadcast %broadcast_in_dim3A_117 : f32 to vector<16xf32>
      %swap3A_119 = arith.index_cast %scan3A_76 : i32 to index
      %swap3A_120 = arith.constant 96 : index
      %swap3A_121 = tpu.vector_load %arg10[%swap3A_119, %swap3A_120] {strides = array<i32>} : memref<80x128xf32, #tpu.memory_space<vmem>>, vector<1x16xf32>,
      %swap3A_122 = vector.shape_cast %swap3A_121 : vector<1x16xf32> to vector<16xf32>
      %swap3A_123 = vector.shape_cast %broadcast_in_dim3A_118 : vector<16xf32> to vector<1x16xf32>
      tpu.vector_store %arg10[%swap3A_119, %swap3A_120], %swap3A_123 {strides = array<i32>} : memref<80x128xf32, #tpu.memory_space<vmem>>, vector<1x16xf32>,
      %broadcast_in_dim3A_124 = arith.constant 0.000000e+00 : f32
      %broadcast_in_dim3A_125 = vector.broadcast %broadcast_in_dim3A_124 : f32 to vector<16xf32>
      %swap3A_126 = arith.index_cast %scan3A_76 : i32 to index
      %swap3A_127 = arith.constant 112 : index
      %swap3A_128 = tpu.vector_load %arg10[%swap3A_126, %swap3A_127] {strides = array<i32>} : memref<80x128xf32, #tpu.memory_space<vmem>>, vector<1x16xf32>,
      %swap3A_129 = vector.shape_cast %swap3A_128 : vector<1x16xf32> to vector<16xf32>
      %swap3A_130 = vector.shape_cast %broadcast_in_dim3A_125 : vector<16xf32> to vector<1x16xf32>
      tpu.vector_store %arg10[%swap3A_126, %swap3A_127], %swap3A_130 {strides = array<i32>} : memref<80x128xf32, #tpu.memory_space<vmem>>, vector<1x16xf32>,
    }
    %scan3A_5 = arith.constant 80 : i32
    %mul3A_6 = arith.constant 320 : i32
    %mul3A_7 = arith.muli %arg1, %mul3A_6 : i32
    %add3A = arith.constant 0 : i32
    %add3A_8 = arith.addi %mul3A_7, %add3A : i32
    "tpu.region"() ({
      %run_scoped3A = tpu.sem_alloc : memref<!tpu.dma_semaphore, #tpu.memory_space<semaphore_mem>>
      %dma_start3A_76 = arith.constant 0 : i32
      %dma_start3A_77 = tpu.memref_slice %arg11[%add3A_8, %dma_start3A_76] : memref<5128x128xf32, #tpu.memory_space<vmem_shared>> -> memref<80x128xf32, #tpu.memory_space<vmem_shared>>
      %dma_start3A_78 = arith.constant 0 : i32
      %dma_start3A_79 = tpu.memref_slice %arg11[%add3A_8, %dma_start3A_78] : memref<5128x128xf32, #tpu.memory_space<vmem_shared>> -> memref<80x128xf32, #tpu.memory_space<vmem_shared>>
      tpu.enqueue_dma source(%arg10 : memref<80x128xf32, #tpu.memory_space<vmem>>) target(%dma_start3A_79 : memref<80x128xf32, #tpu.memory_space<vmem_shared>>) target_semaphore(%run_scoped3A : memref<!tpu.dma_semaphore, #tpu.memory_space<semaphore_mem>>)
      %dma_wait3A = arith.constant 0 : i32
      %dma_wait3A_80 = tpu.memref_slice %arg11[%add3A_8, %dma_wait3A] : memref<5128x128xf32, #tpu.memory_space<vmem_shared>> -> memref<80x128xf32, #tpu.memory_space<vmem_shared>>
      %dma_wait3A_81 = arith.constant 0 : i32
      %dma_wait3A_82 = tpu.memref_slice %arg11[%add3A_8, %dma_wait3A_81] : memref<5128x128xf32, #tpu.memory_space<vmem_shared>> -> memref<80x128xf32, #tpu.memory_space<vmem_shared>>
      tpu.wait_dma2 semaphore(%run_scoped3A : memref<!tpu.dma_semaphore, #tpu.memory_space<semaphore_mem>>) src(%arg10 : memref<80x128xf32, #tpu.memory_space<vmem>>) dst(%dma_wait3A_82 : memref<80x128xf32, #tpu.memory_space<vmem_shared>>)
      tpu.yield
    }) : () -> ()
    %mul3A_9 = arith.constant 320 : i32
    %mul3A_10 = arith.muli %arg1, %mul3A_9 : i32
    %add3A_11 = arith.constant 80 : i32
    %add3A_12 = arith.addi %mul3A_10, %add3A_11 : i32
    "tpu.region"() ({
      %run_scoped3A = tpu.sem_alloc : memref<!tpu.dma_semaphore, #tpu.memory_space<semaphore_mem>>
      %dma_start3A_76 = arith.constant 0 : i32
      %dma_start3A_77 = tpu.memref_slice %arg11[%add3A_12, %dma_start3A_76] : memref<5128x128xf32, #tpu.memory_space<vmem_shared>> -> memref<80x128xf32, #tpu.memory_space<vmem_shared>>
      %dma_start3A_78 = arith.constant 0 : i32
      %dma_start3A_79 = tpu.memref_slice %arg11[%add3A_12, %dma_start3A_78] : memref<5128x128xf32, #tpu.memory_space<vmem_shared>> -> memref<80x128xf32, #tpu.memory_space<vmem_shared>>
      tpu.enqueue_dma source(%arg10 : memref<80x128xf32, #tpu.memory_space<vmem>>) target(%dma_start3A_79 : memref<80x128xf32, #tpu.memory_space<vmem_shared>>) target_semaphore(%run_scoped3A : memref<!tpu.dma_semaphore, #tpu.memory_space<semaphore_mem>>)
      %dma_wait3A = arith.constant 0 : i32
      %dma_wait3A_80 = tpu.memref_slice %arg11[%add3A_12, %dma_wait3A] : memref<5128x128xf32, #tpu.memory_space<vmem_shared>> -> memref<80x128xf32, #tpu.memory_space<vmem_shared>>
      %dma_wait3A_81 = arith.constant 0 : i32
      %dma_wait3A_82 = tpu.memref_slice %arg11[%add3A_12, %dma_wait3A_81] : memref<5128x128xf32, #tpu.memory_space<vmem_shared>> -> memref<80x128xf32, #tpu.memory_space<vmem_shared>>
      tpu.wait_dma2 semaphore(%run_scoped3A : memref<!tpu.dma_semaphore, #tpu.memory_space<semaphore_mem>>) src(%arg10 : memref<80x128xf32, #tpu.memory_space<vmem>>) dst(%dma_wait3A_82 : memref<80x128xf32, #tpu.memory_space<vmem_shared>>)
      tpu.yield
    }) : () -> ()
    %mul3A_13 = arith.constant 320 : i32
    %mul3A_14 = arith.muli %arg1, %mul3A_13 : i32
    %add3A_15 = arith.constant 160 : i32
    %add3A_16 = arith.addi %mul3A_14, %add3A_15 : i32
    "tpu.region"() ({
      %run_scoped3A = tpu.sem_alloc : memref<!tpu.dma_semaphore, #tpu.memory_space<semaphore_mem>>
      %dma_start3A_76 = arith.constant 0 : i32
      %dma_start3A_77 = tpu.memref_slice %arg11[%add3A_16, %dma_start3A_76] : memref<5128x128xf32, #tpu.memory_space<vmem_shared>> -> memref<80x128xf32, #tpu.memory_space<vmem_shared>>
      %dma_start3A_78 = arith.constant 0 : i32
      %dma_start3A_79 = tpu.memref_slice %arg11[%add3A_16, %dma_start3A_78] : memref<5128x128xf32, #tpu.memory_space<vmem_shared>> -> memref<80x128xf32, #tpu.memory_space<vmem_shared>>
      tpu.enqueue_dma source(%arg10 : memref<80x128xf32, #tpu.memory_space<vmem>>) target(%dma_start3A_79 : memref<80x128xf32, #tpu.memory_space<vmem_shared>>) target_semaphore(%run_scoped3A : memref<!tpu.dma_semaphore, #tpu.memory_space<semaphore_mem>>)
      %dma_wait3A = arith.constant 0 : i32
      %dma_wait3A_80 = tpu.memref_slice %arg11[%add3A_16, %dma_wait3A] : memref<5128x128xf32, #tpu.memory_space<vmem_shared>> -> memref<80x128xf32, #tpu.memory_space<vmem_shared>>
      %dma_wait3A_81 = arith.constant 0 : i32
      %dma_wait3A_82 = tpu.memref_slice %arg11[%add3A_16, %dma_wait3A_81] : memref<5128x128xf32, #tpu.memory_space<vmem_shared>> -> memref<80x128xf32, #tpu.memory_space<vmem_shared>>
      tpu.wait_dma2 semaphore(%run_scoped3A : memref<!tpu.dma_semaphore, #tpu.memory_space<semaphore_mem>>) src(%arg10 : memref<80x128xf32, #tpu.memory_space<vmem>>) dst(%dma_wait3A_82 : memref<80x128xf32, #tpu.memory_space<vmem_shared>>)
      tpu.yield
    }) : () -> ()
    %mul3A_17 = arith.constant 320 : i32
    %mul3A_18 = arith.muli %arg1, %mul3A_17 : i32
    %add3A_19 = arith.constant 240 : i32
    %add3A_20 = arith.addi %mul3A_18, %add3A_19 : i32
    "tpu.region"() ({
      %run_scoped3A = tpu.sem_alloc : memref<!tpu.dma_semaphore, #tpu.memory_space<semaphore_mem>>
      %dma_start3A_76 = arith.constant 0 : i32
      %dma_start3A_77 = tpu.memref_slice %arg11[%add3A_20, %dma_start3A_76] : memref<5128x128xf32, #tpu.memory_space<vmem_shared>> -> memref<80x128xf32, #tpu.memory_space<vmem_shared>>
      %dma_start3A_78 = arith.constant 0 : i32
      %dma_start3A_79 = tpu.memref_slice %arg11[%add3A_20, %dma_start3A_78] : memref<5128x128xf32, #tpu.memory_space<vmem_shared>> -> memref<80x128xf32, #tpu.memory_space<vmem_shared>>
      tpu.enqueue_dma source(%arg10 : memref<80x128xf32, #tpu.memory_space<vmem>>) target(%dma_start3A_79 : memref<80x128xf32, #tpu.memory_space<vmem_shared>>) target_semaphore(%run_scoped3A : memref<!tpu.dma_semaphore, #tpu.memory_space<semaphore_mem>>)
      %dma_wait3A = arith.constant 0 : i32
      %dma_wait3A_80 = tpu.memref_slice %arg11[%add3A_20, %dma_wait3A] : memref<5128x128xf32, #tpu.memory_space<vmem_shared>> -> memref<80x128xf32, #tpu.memory_space<vmem_shared>>
      %dma_wait3A_81 = arith.constant 0 : i32
      %dma_wait3A_82 = tpu.memref_slice %arg11[%add3A_20, %dma_wait3A_81] : memref<5128x128xf32, #tpu.memory_space<vmem_shared>> -> memref<80x128xf32, #tpu.memory_space<vmem_shared>>
      tpu.wait_dma2 semaphore(%run_scoped3A : memref<!tpu.dma_semaphore, #tpu.memory_space<semaphore_mem>>) src(%arg10 : memref<80x128xf32, #tpu.memory_space<vmem>>) dst(%dma_wait3A_82 : memref<80x128xf32, #tpu.memory_space<vmem_shared>>)
      tpu.yield
    }) : () -> ()
    "tpu.region"() ({
      %run_scoped3A = tpu.sem_alloc : memref<!tpu.dma_semaphore, #tpu.memory_space<semaphore_mem>>
      %dma_start3A_76 = arith.constant 0 : i32
      %dma_start3A_77 = arith.constant 0 : i32
      %dma_start3A_78 = tpu.memref_slice %arg10[%dma_start3A_76, %dma_start3A_77] : memref<80x128xf32, #tpu.memory_space<vmem>> -> memref<8x128xf32, #tpu.memory_space<vmem>>
      %dma_start3A_79 = arith.constant 5120 : i32
      %dma_start3A_80 = arith.constant 0 : i32
      %dma_start3A_81 = tpu.memref_slice %arg11[%dma_start3A_79, %dma_start3A_80] : memref<5128x128xf32, #tpu.memory_space<vmem_shared>> -> memref<8x128xf32, #tpu.memory_space<vmem_shared>>
      %dma_start3A_82 = arith.constant 5120 : i32
      %dma_start3A_83 = arith.constant 0 : i32
      %dma_start3A_84 = tpu.memref_slice %arg11[%dma_start3A_82, %dma_start3A_83] : memref<5128x128xf32, #tpu.memory_space<vmem_shared>> -> memref<8x128xf32, #tpu.memory_space<vmem_shared>>
      %dma_start3A_85 = arith.constant 0 : i32
      %dma_start3A_86 = arith.constant 0 : i32
      %dma_start3A_87 = tpu.memref_slice %arg10[%dma_start3A_85, %dma_start3A_86] : memref<80x128xf32, #tpu.memory_space<vmem>> -> memref<8x128xf32, #tpu.memory_space<vmem>>
      tpu.enqueue_dma source(%dma_start3A_87 : memref<8x128xf32, #tpu.memory_space<vmem>>) target(%dma_start3A_84 : memref<8x128xf32, #tpu.memory_space<vmem_shared>>) target_semaphore(%run_scoped3A : memref<!tpu.dma_semaphore, #tpu.memory_space<semaphore_mem>>)
      %dma_wait3A = arith.constant 0 : i32
      %dma_wait3A_88 = arith.constant 0 : i32
      %dma_wait3A_89 = tpu.memref_slice %arg10[%dma_wait3A, %dma_wait3A_88] : memref<80x128xf32, #tpu.memory_space<vmem>> -> memref<8x128xf32, #tpu.memory_space<vmem>>
      %dma_wait3A_90 = arith.constant 5120 : i32
      %dma_wait3A_91 = arith.constant 0 : i32
      %dma_wait3A_92 = tpu.memref_slice %arg11[%dma_wait3A_90, %dma_wait3A_91] : memref<5128x128xf32, #tpu.memory_space<vmem_shared>> -> memref<8x128xf32, #tpu.memory_space<vmem_shared>>
      %dma_wait3A_93 = arith.constant 5120 : i32
      %dma_wait3A_94 = arith.constant 0 : i32
      %dma_wait3A_95 = tpu.memref_slice %arg11[%dma_wait3A_93, %dma_wait3A_94] : memref<5128x128xf32, #tpu.memory_space<vmem_shared>> -> memref<8x128xf32, #tpu.memory_space<vmem_shared>>
      %dma_wait3A_96 = arith.constant 0 : i32
      %dma_wait3A_97 = arith.constant 0 : i32
      %dma_wait3A_98 = tpu.memref_slice %arg10[%dma_wait3A_96, %dma_wait3A_97] : memref<80x128xf32, #tpu.memory_space<vmem>> -> memref<8x128xf32, #tpu.memory_space<vmem>>
      tpu.wait_dma2 semaphore(%run_scoped3A : memref<!tpu.dma_semaphore, #tpu.memory_space<semaphore_mem>>) src(%dma_wait3A_98 : memref<8x128xf32, #tpu.memory_space<vmem>>) dst(%dma_wait3A_95 : memref<8x128xf32, #tpu.memory_space<vmem_shared>>)
      tpu.yield
    }) : () -> ()
    %mul3A_21 = arith.constant 20000 : i32
    %mul3A_22 = arith.muli %arg1, %mul3A_21 : i32
    "tpu.region"() ({
      %run_scoped3A = tpu.sem_alloc : memref<!tpu.dma_semaphore, #tpu.memory_space<semaphore_mem>>
      %dma_start3A_76 = tpu.memref_slice %arg3[%mul3A_22] : memref<320000xi32, #tpu.memory_space<hbm>> -> memref<20000xi32, #tpu.memory_space<hbm>>
      %dma_start3A_77 = tpu.memref_slice %arg3[%mul3A_22] : memref<320000xi32, #tpu.memory_space<hbm>> -> memref<20000xi32, #tpu.memory_space<hbm>>
      tpu.enqueue_dma source(%dma_start3A_77 : memref<20000xi32, #tpu.memory_space<hbm>>) target(%arg6 : memref<20000xi32, #tpu.memory_space<vmem>>) target_semaphore(%run_scoped3A : memref<!tpu.dma_semaphore, #tpu.memory_space<semaphore_mem>>)
      %dma_wait3A = tpu.memref_slice %arg3[%mul3A_22] : memref<320000xi32, #tpu.memory_space<hbm>> -> memref<20000xi32, #tpu.memory_space<hbm>>
      %dma_wait3A_78 = tpu.memref_slice %arg3[%mul3A_22] : memref<320000xi32, #tpu.memory_space<hbm>> -> memref<20000xi32, #tpu.memory_space<hbm>>
      tpu.wait_dma2 semaphore(%run_scoped3A : memref<!tpu.dma_semaphore, #tpu.memory_space<semaphore_mem>>) src(%dma_wait3A_78 : memref<20000xi32, #tpu.memory_space<hbm>>) dst(%arg6 : memref<20000xi32, #tpu.memory_space<vmem>>)
      tpu.yield
    }) : () -> ()
    %mul3A_23 = arith.constant 20000 : i32
    %mul3A_24 = arith.muli %arg1, %mul3A_23 : i32
    "tpu.region"() ({
      %run_scoped3A = tpu.sem_alloc : memref<!tpu.dma_semaphore, #tpu.memory_space<semaphore_mem>>
      %dma_start3A_76 = tpu.memref_slice %arg4[%mul3A_24] : memref<320000xi32, #tpu.memory_space<hbm>> -> memref<20000xi32, #tpu.memory_space<hbm>>
      %dma_start3A_77 = tpu.memref_slice %arg4[%mul3A_24] : memref<320000xi32, #tpu.memory_space<hbm>> -> memref<20000xi32, #tpu.memory_space<hbm>>
      tpu.enqueue_dma source(%dma_start3A_77 : memref<20000xi32, #tpu.memory_space<hbm>>) target(%arg7 : memref<20000xi32, #tpu.memory_space<vmem>>) target_semaphore(%run_scoped3A : memref<!tpu.dma_semaphore, #tpu.memory_space<semaphore_mem>>)
      %dma_wait3A = tpu.memref_slice %arg4[%mul3A_24] : memref<320000xi32, #tpu.memory_space<hbm>> -> memref<20000xi32, #tpu.memory_space<hbm>>
      %dma_wait3A_78 = tpu.memref_slice %arg4[%mul3A_24] : memref<320000xi32, #tpu.memory_space<hbm>> -> memref<20000xi32, #tpu.memory_space<hbm>>
      tpu.wait_dma2 semaphore(%run_scoped3A : memref<!tpu.dma_semaphore, #tpu.memory_space<semaphore_mem>>) src(%dma_wait3A_78 : memref<20000xi32, #tpu.memory_space<hbm>>) dst(%arg7 : memref<20000xi32, #tpu.memory_space<vmem>>)
      tpu.yield
    }) : () -> ()
    %barrier3A = arith.constant 0 : index
    tpu.barrier barrier_id(%barrier3A)
    %dma_start3A = arith.constant 0 : i32
    %dma_start3A_25 = arith.constant 0 : i32
    %dma_start3A_26 = arith.constant 0 : i32
    %dma_start3A_27 = arith.constant 0 : i32
    %dma_start3A_28 = tpu.memref_slice %arg9[%dma_start3A, %dma_start3A_26, %dma_start3A_27] : memref<2x80x128xf32, #tpu.memory_space<vmem>> -> memref<1x80x128xf32, #tpu.memory_space<vmem>>
    %dma_start3A_29 = tpu.memref_squeeze %dma_start3A_28 : memref<1x80x128xf32, #tpu.memory_space<vmem>> -> memref<80x128xf32, #tpu.memory_space<vmem>>
    %dma_start3A_30 = arith.constant 0 : i32
    %dma_start3A_31 = tpu.memref_slice %arg6[%dma_start3A_30] : memref<20000xi32, #tpu.memory_space<vmem>> -> memref<80xi32, #tpu.memory_space<vmem>>
    %dma_start3A_32 = arith.constant 0 : i32
    %dma_start3A_33 = arith.constant 0 : i32
    %dma_start3A_34 = tpu.memref_slice %arg2[%dma_start3A_32, %dma_start3A_33] : memref<10000x128xf32, #tpu.memory_space<hbm>> -> memref<10000x128xf32, #tpu.memory_space<hbm>>
    %dma_start3A_35 = tpu.memref_slice %arg12[%dma_start3A_25] : memref<2x!tpu.dma_semaphore, #tpu.memory_space<semaphore_mem>> -> memref<1x!tpu.dma_semaphore, #tpu.memory_space<semaphore_mem>>
    %dma_start3A_36 = tpu.memref_squeeze %dma_start3A_35 : memref<1x!tpu.dma_semaphore, #tpu.memory_space<semaphore_mem>> -> memref<!tpu.dma_semaphore, #tpu.memory_space<semaphore_mem>>
    tpu.enqueue_indirect_dma source(%dma_start3A_34 : memref<10000x128xf32, #tpu.memory_space<hbm>>) target(%dma_start3A_29 : memref<80x128xf32, #tpu.memory_space<vmem>>) offsets(%dma_start3A_31 : memref<80xi32, #tpu.memory_space<vmem>>) semaphore(%dma_start3A_36 : memref<!tpu.dma_semaphore, #tpu.memory_space<semaphore_mem>>)
    %scan3A_37 = arith.constant 0 : i32
    %scan3A_38 = arith.constant 0 : i32
    %scan3A_39 = arith.constant 250 : i32
    %scan3A_40 = arith.addi %scan3A_38, %scan3A_39 : i32
    %scan3A_41 = arith.constant 1 : i32
    scf.for %scan3A_76 = %scan3A_38 to %scan3A_40 step %scan3A_41  : i32 {
      %rem3A = arith.constant 2 : i32
      %rem3A_77 = arith.remsi %scan3A_76, %rem3A : i32
      %add3A_78 = arith.constant 1 : i32
      %add3A_79 = arith.addi %scan3A_76, %add3A_78 : i32
      %lt3A = arith.constant 250 : i32
      %lt3A_80 = arith.cmpi slt, %add3A_79, %lt3A : i32
      %convert_element_type3A = arith.extui %lt3A_80 : i1 to i32
      %cond3A = arith.constant 0 : i32
      %cond3A_81 = arith.cmpi ne, %convert_element_type3A, %cond3A : i32
      scf.if %cond3A_81 {
        %add3A_200 = arith.constant 1 : i32
        %add3A_201 = arith.addi %scan3A_76, %add3A_200 : i32
        %sub3A_202 = arith.constant 1 : i32
        %sub3A_203 = arith.subi %sub3A_202, %rem3A_77 : i32
        %mul3A_204 = arith.constant 80 : i32
        %mul3A_205 = arith.muli %add3A_201, %mul3A_204 : i32
        %dma_start3A_206 = arith.constant 0 : i32
        %dma_start3A_207 = arith.constant 0 : i32
        %dma_start3A_208 = tpu.memref_slice %arg9[%sub3A_203, %dma_start3A_206, %dma_start3A_207] : memref<2x80x128xf32, #tpu.memory_space<vmem>> -> memref<1x80x128xf32, #tpu.memory_space<vmem>>
        %dma_start3A_209 = tpu.memref_squeeze %dma_start3A_208 : memref<1x80x128xf32, #tpu.memory_space<vmem>> -> memref<80x128xf32, #tpu.memory_space<vmem>>
        %dma_start3A_210 = tpu.memref_slice %arg6[%mul3A_205] : memref<20000xi32, #tpu.memory_space<vmem>> -> memref<80xi32, #tpu.memory_space<vmem>>
        %dma_start3A_211 = arith.constant 0 : i32
        %dma_start3A_212 = arith.constant 0 : i32
        %dma_start3A_213 = tpu.memref_slice %arg2[%dma_start3A_211, %dma_start3A_212] : memref<10000x128xf32, #tpu.memory_space<hbm>> -> memref<10000x128xf32, #tpu.memory_space<hbm>>
        %dma_start3A_214 = tpu.memref_slice %arg12[%sub3A_203] : memref<2x!tpu.dma_semaphore, #tpu.memory_space<semaphore_mem>> -> memref<1x!tpu.dma_semaphore, #tpu.memory_space<semaphore_mem>>
        %dma_start3A_215 = tpu.memref_squeeze %dma_start3A_214 : memref<1x!tpu.dma_semaphore, #tpu.memory_space<semaphore_mem>> -> memref<!tpu.dma_semaphore, #tpu.memory_space<semaphore_mem>>
        tpu.enqueue_indirect_dma source(%dma_start3A_213 : memref<10000x128xf32, #tpu.memory_space<hbm>>) target(%dma_start3A_209 : memref<80x128xf32, #tpu.memory_space<vmem>>) offsets(%dma_start3A_210 : memref<80xi32, #tpu.memory_space<vmem>>) semaphore(%dma_start3A_215 : memref<!tpu.dma_semaphore, #tpu.memory_space<semaphore_mem>>)
      } else {
      }
      %mul3A_82 = arith.constant 80 : i32
      %mul3A_83 = arith.muli %scan3A_76, %mul3A_82 : i32
      %add3A_84 = arith.constant 0 : i32
      %add3A_85 = arith.addi %mul3A_83, %add3A_84 : i32
      %get3A = arith.index_cast %add3A_85 : i32 to index
      %get3A_86 = tpu.vector_load %arg7[%get3A] {strides = array<i32>} : memref<20000xi32, #tpu.memory_space<vmem>>, vector<16xi32>,
      %get3A_87 = vector.shape_cast %get3A_86 : vector<16xi32> to vector<16xi32>
      %sub3A = vector.broadcast %mul3A_0 : i32 to vector<16xi32>
      %sub3A_88 = arith.subi %get3A_87, %sub3A : vector<16xi32>
      %ge3A = arith.constant 0 : i32
      %ge3A_89 = vector.broadcast %ge3A : i32 to vector<16xi32>
      %ge3A_90 = arith.cmpi sge, %sub3A_88, %ge3A_89 : vector<16xi32>
      %lt3A_91 = arith.constant 5120 : i32
      %lt3A_92 = vector.broadcast %lt3A_91 : i32 to vector<16xi32>
      %lt3A_93 = arith.cmpi slt, %sub3A_88, %lt3A_92 : vector<16xi32>
      %and3A = arith.andi %ge3A_90, %lt3A_93 : vector<16xi1>
      %jit3A = arith.constant 5120 : i32
      %broadcast_in_dim3A = vector.broadcast %jit3A : i32 to vector<16xi32>
      %select_n3A = arith.select %and3A, %sub3A_88, %broadcast_in_dim3A : vector<16xi1>, vector<16xi32>
      %swap3A = arith.constant 0 : index
      %swap3A_94 = tpu.vector_load %arg8[%swap3A] {strides = array<i32>} : memref<80xi32, #tpu.memory_space<vmem>>, vector<16xi32>,
      %swap3A_95 = vector.shape_cast %swap3A_94 : vector<16xi32> to vector<16xi32>
      %swap3A_96 = vector.shape_cast %select_n3A : vector<16xi32> to vector<16xi32>
      tpu.vector_store %arg8[%swap3A], %swap3A_96 {strides = array<i32>} : memref<80xi32, #tpu.memory_space<vmem>>, vector<16xi32>,
      %mul3A_97 = arith.constant 80 : i32
      %mul3A_98 = arith.muli %scan3A_76, %mul3A_97 : i32
      %add3A_99 = arith.constant 16 : i32
      %add3A_100 = arith.addi %mul3A_98, %add3A_99 : i32
      %get3A_101 = arith.index_cast %add3A_100 : i32 to index
      %get3A_102 = tpu.vector_load %arg7[%get3A_101] {strides = array<i32>} : memref<20000xi32, #tpu.memory_space<vmem>>, vector<16xi32>,
      %get3A_103 = vector.shape_cast %get3A_102 : vector<16xi32> to vector<16xi32>
      %sub3A_104 = vector.broadcast %mul3A_0 : i32 to vector<16xi32>
      %sub3A_105 = arith.subi %get3A_103, %sub3A_104 : vector<16xi32>
      %ge3A_106 = arith.constant 0 : i32
      %ge3A_107 = vector.broadcast %ge3A_106 : i32 to vector<16xi32>
      %ge3A_108 = arith.cmpi sge, %sub3A_105, %ge3A_107 : vector<16xi32>
      %lt3A_109 = arith.constant 5120 : i32
      %lt3A_110 = vector.broadcast %lt3A_109 : i32 to vector<16xi32>
      %lt3A_111 = arith.cmpi slt, %sub3A_105, %lt3A_110 : vector<16xi32>
      %and3A_112 = arith.andi %ge3A_108, %lt3A_111 : vector<16xi1>
      %jit3A_113 = arith.constant 5120 : i32
      %broadcast_in_dim3A_114 = vector.broadcast %jit3A_113 : i32 to vector<16xi32>
      %select_n3A_115 = arith.select %and3A_112, %sub3A_105, %broadcast_in_dim3A_114 : vector<16xi1>, vector<16xi32>
      %swap3A_116 = arith.constant 16 : index
      %swap3A_117 = tpu.vector_load %arg8[%swap3A_116] {strides = array<i32>} : memref<80xi32, #tpu.memory_space<vmem>>, vector<16xi32>,
      %swap3A_118 = vector.shape_cast %swap3A_117 : vector<16xi32> to vector<16xi32>
      %swap3A_119 = vector.shape_cast %select_n3A_115 : vector<16xi32> to vector<16xi32>
      tpu.vector_store %arg8[%swap3A_116], %swap3A_119 {strides = array<i32>} : memref<80xi32, #tpu.memory_space<vmem>>, vector<16xi32>,
      %mul3A_120 = arith.constant 80 : i32
      %mul3A_121 = arith.muli %scan3A_76, %mul3A_120 : i32
      %add3A_122 = arith.constant 32 : i32
      %add3A_123 = arith.addi %mul3A_121, %add3A_122 : i32
      %get3A_124 = arith.index_cast %add3A_123 : i32 to index
      %get3A_125 = tpu.vector_load %arg7[%get3A_124] {strides = array<i32>} : memref<20000xi32, #tpu.memory_space<vmem>>, vector<16xi32>,
      %get3A_126 = vector.shape_cast %get3A_125 : vector<16xi32> to vector<16xi32>
      %sub3A_127 = vector.broadcast %mul3A_0 : i32 to vector<16xi32>
      %sub3A_128 = arith.subi %get3A_126, %sub3A_127 : vector<16xi32>
      %ge3A_129 = arith.constant 0 : i32
      %ge3A_130 = vector.broadcast %ge3A_129 : i32 to vector<16xi32>
      %ge3A_131 = arith.cmpi sge, %sub3A_128, %ge3A_130 : vector<16xi32>
      %lt3A_132 = arith.constant 5120 : i32
      %lt3A_133 = vector.broadcast %lt3A_132 : i32 to vector<16xi32>
      %lt3A_134 = arith.cmpi slt, %sub3A_128, %lt3A_133 : vector<16xi32>
      %and3A_135 = arith.andi %ge3A_131, %lt3A_134 : vector<16xi1>
      %jit3A_136 = arith.constant 5120 : i32
      %broadcast_in_dim3A_137 = vector.broadcast %jit3A_136 : i32 to vector<16xi32>
      %select_n3A_138 = arith.select %and3A_135, %sub3A_128, %broadcast_in_dim3A_137 : vector<16xi1>, vector<16xi32>
      %swap3A_139 = arith.constant 32 : index
      %swap3A_140 = tpu.vector_load %arg8[%swap3A_139] {strides = array<i32>} : memref<80xi32, #tpu.memory_space<vmem>>, vector<16xi32>,
      %swap3A_141 = vector.shape_cast %swap3A_140 : vector<16xi32> to vector<16xi32>
      %swap3A_142 = vector.shape_cast %select_n3A_138 : vector<16xi32> to vector<16xi32>
      tpu.vector_store %arg8[%swap3A_139], %swap3A_142 {strides = array<i32>} : memref<80xi32, #tpu.memory_space<vmem>>, vector<16xi32>,
      %mul3A_143 = arith.constant 80 : i32
      %mul3A_144 = arith.muli %scan3A_76, %mul3A_143 : i32
      %add3A_145 = arith.constant 48 : i32
      %add3A_146 = arith.addi %mul3A_144, %add3A_145 : i32
      %get3A_147 = arith.index_cast %add3A_146 : i32 to index
      %get3A_148 = tpu.vector_load %arg7[%get3A_147] {strides = array<i32>} : memref<20000xi32, #tpu.memory_space<vmem>>, vector<16xi32>,
      %get3A_149 = vector.shape_cast %get3A_148 : vector<16xi32> to vector<16xi32>
      %sub3A_150 = vector.broadcast %mul3A_0 : i32 to vector<16xi32>
      %sub3A_151 = arith.subi %get3A_149, %sub3A_150 : vector<16xi32>
      %ge3A_152 = arith.constant 0 : i32
      %ge3A_153 = vector.broadcast %ge3A_152 : i32 to vector<16xi32>
      %ge3A_154 = arith.cmpi sge, %sub3A_151, %ge3A_153 : vector<16xi32>
      %lt3A_155 = arith.constant 5120 : i32
      %lt3A_156 = vector.broadcast %lt3A_155 : i32 to vector<16xi32>
      %lt3A_157 = arith.cmpi slt, %sub3A_151, %lt3A_156 : vector<16xi32>
      %and3A_158 = arith.andi %ge3A_154, %lt3A_157 : vector<16xi1>
      %jit3A_159 = arith.constant 5120 : i32
      %broadcast_in_dim3A_160 = vector.broadcast %jit3A_159 : i32 to vector<16xi32>
      %select_n3A_161 = arith.select %and3A_158, %sub3A_151, %broadcast_in_dim3A_160 : vector<16xi1>, vector<16xi32>
      %swap3A_162 = arith.constant 48 : index
      %swap3A_163 = tpu.vector_load %arg8[%swap3A_162] {strides = array<i32>} : memref<80xi32, #tpu.memory_space<vmem>>, vector<16xi32>,
      %swap3A_164 = vector.shape_cast %swap3A_163 : vector<16xi32> to vector<16xi32>
      %swap3A_165 = vector.shape_cast %select_n3A_161 : vector<16xi32> to vector<16xi32>
      tpu.vector_store %arg8[%swap3A_162], %swap3A_165 {strides = array<i32>} : memref<80xi32, #tpu.memory_space<vmem>>, vector<16xi32>,
      %mul3A_166 = arith.constant 80 : i32
      %mul3A_167 = arith.muli %scan3A_76, %mul3A_166 : i32
      %add3A_168 = arith.constant 64 : i32
      %add3A_169 = arith.addi %mul3A_167, %add3A_168 : i32
      %get3A_170 = arith.index_cast %add3A_169 : i32 to index
      %get3A_171 = tpu.vector_load %arg7[%get3A_170] {strides = array<i32>} : memref<20000xi32, #tpu.memory_space<vmem>>, vector<16xi32>,
      %get3A_172 = vector.shape_cast %get3A_171 : vector<16xi32> to vector<16xi32>
      %sub3A_173 = vector.broadcast %mul3A_0 : i32 to vector<16xi32>
      %sub3A_174 = arith.subi %get3A_172, %sub3A_173 : vector<16xi32>
      %ge3A_175 = arith.constant 0 : i32
      %ge3A_176 = vector.broadcast %ge3A_175 : i32 to vector<16xi32>
      %ge3A_177 = arith.cmpi sge, %sub3A_174, %ge3A_176 : vector<16xi32>
      %lt3A_178 = arith.constant 5120 : i32
      %lt3A_179 = vector.broadcast %lt3A_178 : i32 to vector<16xi32>
      %lt3A_180 = arith.cmpi slt, %sub3A_174, %lt3A_179 : vector<16xi32>
      %and3A_181 = arith.andi %ge3A_177, %lt3A_180 : vector<16xi1>
      %jit3A_182 = arith.constant 5120 : i32
      %broadcast_in_dim3A_183 = vector.broadcast %jit3A_182 : i32 to vector<16xi32>
      %select_n3A_184 = arith.select %and3A_181, %sub3A_174, %broadcast_in_dim3A_183 : vector<16xi1>, vector<16xi32>
      %swap3A_185 = arith.constant 64 : index
      %swap3A_186 = tpu.vector_load %arg8[%swap3A_185] {strides = array<i32>} : memref<80xi32, #tpu.memory_space<vmem>>, vector<16xi32>,
      %swap3A_187 = vector.shape_cast %swap3A_186 : vector<16xi32> to vector<16xi32>
      %swap3A_188 = vector.shape_cast %select_n3A_184 : vector<16xi32> to vector<16xi32>
      tpu.vector_store %arg8[%swap3A_185], %swap3A_188 {strides = array<i32>} : memref<80xi32, #tpu.memory_space<vmem>>, vector<16xi32>,
      %mul3A_189 = arith.constant 80 : i32
      %mul3A_190 = arith.muli %scan3A_76, %mul3A_189 : i32
      %dma_wait3A = arith.constant 0 : i32
      %dma_wait3A_191 = arith.constant 0 : i32
      %dma_wait3A_192 = tpu.memref_slice %arg9[%rem3A_77, %dma_wait3A, %dma_wait3A_191] : memref<2x80x128xf32, #tpu.memory_space<vmem>> -> memref<1x80x128xf32, #tpu.memory_space<vmem>>
      %dma_wait3A_193 = tpu.memref_squeeze %dma_wait3A_192 : memref<1x80x128xf32, #tpu.memory_space<vmem>> -> memref<80x128xf32, #tpu.memory_space<vmem>>
      %dma_wait3A_194 = tpu.memref_slice %arg6[%mul3A_190] : memref<20000xi32, #tpu.memory_space<vmem>> -> memref<80xi32, #tpu.memory_space<vmem>>
      %dma_wait3A_195 = arith.constant 0 : i32
      %dma_wait3A_196 = arith.constant 0 : i32
      %dma_wait3A_197 = tpu.memref_slice %arg2[%dma_wait3A_195, %dma_wait3A_196] : memref<10000x128xf32, #tpu.memory_space<hbm>> -> memref<10000x128xf32, #tpu.memory_space<hbm>>
      %dma_wait3A_198 = tpu.memref_slice %arg12[%rem3A_77] : memref<2x!tpu.dma_semaphore, #tpu.memory_space<semaphore_mem>> -> memref<1x!tpu.dma_semaphore, #tpu.memory_space<semaphore_mem>>
      %dma_wait3A_199 = tpu.memref_squeeze %dma_wait3A_198 : memref<1x!tpu.dma_semaphore, #tpu.memory_space<semaphore_mem>> -> memref<!tpu.dma_semaphore, #tpu.memory_space<semaphore_mem>>
      tpu.wait_indirect_dma semaphore(%dma_wait3A_199 : memref<!tpu.dma_semaphore, #tpu.memory_space<semaphore_mem>>) src(%dma_wait3A_197 : memref<10000x128xf32, #tpu.memory_space<hbm>>) dst(%dma_wait3A_193 : memref<80x128xf32, #tpu.memory_space<vmem>>)
      "tpu.region"() ({
        %run_scoped3A = tpu.sem_alloc : memref<!tpu.dma_semaphore, #tpu.memory_space<semaphore_mem>>
        %dma_start3A_200 = arith.constant 0 : i32
        %dma_start3A_201 = arith.constant 0 : i32
        %dma_start3A_202 = tpu.memref_slice %arg9[%rem3A_77, %dma_start3A_200, %dma_start3A_201] : memref<2x80x128xf32, #tpu.memory_space<vmem>> -> memref<1x80x128xf32, #tpu.memory_space<vmem>>
        %dma_start3A_203 = tpu.memref_squeeze %dma_start3A_202 : memref<1x80x128xf32, #tpu.memory_space<vmem>> -> memref<80x128xf32, #tpu.memory_space<vmem>>
        %dma_start3A_204 = arith.constant 0 : i32
        %dma_start3A_205 = arith.constant 0 : i32
        %dma_start3A_206 = tpu.memref_slice %arg11[%dma_start3A_204, %dma_start3A_205] : memref<5128x128xf32, #tpu.memory_space<vmem_shared>> -> memref<5128x128xf32, #tpu.memory_space<vmem_shared>>
        tpu.enqueue_indirect_dma source(%dma_start3A_203 : memref<80x128xf32, #tpu.memory_space<vmem>>) target(%dma_start3A_206 : memref<5128x128xf32, #tpu.memory_space<vmem_shared>>) offsets(%arg8 : memref<80xi32, #tpu.memory_space<vmem>>) semaphore(%run_scoped3A : memref<!tpu.dma_semaphore, #tpu.memory_space<semaphore_mem>>) {add = true}
        %dma_wait3A_207 = arith.constant 0 : i32
        %dma_wait3A_208 = arith.constant 0 : i32
        %dma_wait3A_209 = tpu.memref_slice %arg9[%rem3A_77, %dma_wait3A_207, %dma_wait3A_208] : memref<2x80x128xf32, #tpu.memory_space<vmem>> -> memref<1x80x128xf32, #tpu.memory_space<vmem>>
        %dma_wait3A_210 = tpu.memref_squeeze %dma_wait3A_209 : memref<1x80x128xf32, #tpu.memory_space<vmem>> -> memref<80x128xf32, #tpu.memory_space<vmem>>
        %dma_wait3A_211 = arith.constant 0 : i32
        %dma_wait3A_212 = arith.constant 0 : i32
        %dma_wait3A_213 = tpu.memref_slice %arg11[%dma_wait3A_211, %dma_wait3A_212] : memref<5128x128xf32, #tpu.memory_space<vmem_shared>> -> memref<5128x128xf32, #tpu.memory_space<vmem_shared>>
        tpu.wait_indirect_dma semaphore(%run_scoped3A : memref<!tpu.dma_semaphore, #tpu.memory_space<semaphore_mem>>) src(%dma_wait3A_210 : memref<80x128xf32, #tpu.memory_space<vmem>>) dst(%dma_wait3A_213 : memref<5128x128xf32, #tpu.memory_space<vmem_shared>>)
        tpu.yield
      }) : () -> ()
    }
    %scan3A_42 = arith.constant 250 : i32
    %barrier3A_43 = arith.constant 0 : index
    tpu.barrier barrier_id(%barrier3A_43)
    %mul3A_44 = arith.constant 320 : i32
    %mul3A_45 = arith.muli %arg1, %mul3A_44 : i32
    %add3A_46 = arith.constant 0 : i32
    %add3A_47 = arith.addi %mul3A_45, %add3A_46 : i32
    "tpu.region"() ({
      %run_scoped3A = tpu.sem_alloc : memref<!tpu.dma_semaphore, #tpu.memory_space<semaphore_mem>>
      %dma_start3A_76 = arith.constant 0 : i32
      %dma_start3A_77 = tpu.memref_slice %arg11[%add3A_47, %dma_start3A_76] : memref<5128x128xf32, #tpu.memory_space<vmem_shared>> -> memref<80x128xf32, #tpu.memory_space<vmem_shared>>
      %dma_start3A_78 = arith.constant 0 : i32
      %dma_start3A_79 = tpu.memref_slice %arg11[%add3A_47, %dma_start3A_78] : memref<5128x128xf32, #tpu.memory_space<vmem_shared>> -> memref<80x128xf32, #tpu.memory_space<vmem_shared>>
      tpu.enqueue_dma source(%dma_start3A_79 : memref<80x128xf32, #tpu.memory_space<vmem_shared>>) target(%arg10 : memref<80x128xf32, #tpu.memory_space<vmem>>) target_semaphore(%run_scoped3A : memref<!tpu.dma_semaphore, #tpu.memory_space<semaphore_mem>>)
      %dma_wait3A = arith.constant 0 : i32
      %dma_wait3A_80 = tpu.memref_slice %arg11[%add3A_47, %dma_wait3A] : memref<5128x128xf32, #tpu.memory_space<vmem_shared>> -> memref<80x128xf32, #tpu.memory_space<vmem_shared>>
      %dma_wait3A_81 = arith.constant 0 : i32
      %dma_wait3A_82 = tpu.memref_slice %arg11[%add3A_47, %dma_wait3A_81] : memref<5128x128xf32, #tpu.memory_space<vmem_shared>> -> memref<80x128xf32, #tpu.memory_space<vmem_shared>>
      tpu.wait_dma2 semaphore(%run_scoped3A : memref<!tpu.dma_semaphore, #tpu.memory_space<semaphore_mem>>) src(%dma_wait3A_82 : memref<80x128xf32, #tpu.memory_space<vmem_shared>>) dst(%arg10 : memref<80x128xf32, #tpu.memory_space<vmem>>)
      tpu.yield
    }) : () -> ()
    %mul3A_48 = arith.constant 320 : i32
    %mul3A_49 = arith.muli %arg1, %mul3A_48 : i32
    %add3A_50 = arith.constant 0 : i32
    %add3A_51 = arith.addi %mul3A_49, %add3A_50 : i32
    "tpu.region"() ({
      %run_scoped3A = tpu.sem_alloc : memref<!tpu.dma_semaphore, #tpu.memory_space<semaphore_mem>>
      %dma_start3A_76 = arith.constant 0 : i32
      %dma_start3A_77 = tpu.memref_slice %arg5[%arg0, %add3A_51, %dma_start3A_76] : memref<2x5120x128xf32, #tpu.memory_space<hbm>> -> memref<1x80x128xf32, #tpu.memory_space<hbm>>
      %dma_start3A_78 = tpu.memref_squeeze %dma_start3A_77 : memref<1x80x128xf32, #tpu.memory_space<hbm>> -> memref<80x128xf32, #tpu.memory_space<hbm>>
      %dma_start3A_79 = arith.constant 0 : i32
      %dma_start3A_80 = tpu.memref_slice %arg5[%arg0, %add3A_51, %dma_start3A_79] : memref<2x5120x128xf32, #tpu.memory_space<hbm>> -> memref<1x80x128xf32, #tpu.memory_space<hbm>>
      %dma_start3A_81 = tpu.memref_squeeze %dma_start3A_80 : memref<1x80x128xf32, #tpu.memory_space<hbm>> -> memref<80x128xf32, #tpu.memory_space<hbm>>
      tpu.enqueue_dma source(%arg10 : memref<80x128xf32, #tpu.memory_space<vmem>>) target(%dma_start3A_81 : memref<80x128xf32, #tpu.memory_space<hbm>>) target_semaphore(%run_scoped3A : memref<!tpu.dma_semaphore, #tpu.memory_space<semaphore_mem>>)
      %dma_wait3A = arith.constant 0 : i32
      %dma_wait3A_82 = tpu.memref_slice %arg5[%arg0, %add3A_51, %dma_wait3A] : memref<2x5120x128xf32, #tpu.memory_space<hbm>> -> memref<1x80x128xf32, #tpu.memory_space<hbm>>
      %dma_wait3A_83 = tpu.memref_squeeze %dma_wait3A_82 : memref<1x80x128xf32, #tpu.memory_space<hbm>> -> memref<80x128xf32, #tpu.memory_space<hbm>>
      %dma_wait3A_84 = arith.constant 0 : i32
      %dma_wait3A_85 = tpu.memref_slice %arg5[%arg0, %add3A_51, %dma_wait3A_84] : memref<2x5120x128xf32, #tpu.memory_space<hbm>> -> memref<1x80x128xf32, #tpu.memory_space<hbm>>
      %dma_wait3A_86 = tpu.memref_squeeze %dma_wait3A_85 : memref<1x80x128xf32, #tpu.memory_space<hbm>> -> memref<80x128xf32, #tpu.memory_space<hbm>>
      tpu.wait_dma2 semaphore(%run_scoped3A : memref<!tpu.dma_semaphore, #tpu.memory_space<semaphore_mem>>) src(%arg10 : memref<80x128xf32, #tpu.memory_space<vmem>>) dst(%dma_wait3A_86 : memref<80x128xf32, #tpu.memory_space<hbm>>)
      tpu.yield
    }) : () -> ()
    %mul3A_52 = arith.constant 320 : i32
    %mul3A_53 = arith.muli %arg1, %mul3A_52 : i32
    %add3A_54 = arith.constant 80 : i32
    %add3A_55 = arith.addi %mul3A_53, %add3A_54 : i32
    "tpu.region"() ({
      %run_scoped3A = tpu.sem_alloc : memref<!tpu.dma_semaphore, #tpu.memory_space<semaphore_mem>>
      %dma_start3A_76 = arith.constant 0 : i32
      %dma_start3A_77 = tpu.memref_slice %arg11[%add3A_55, %dma_start3A_76] : memref<5128x128xf32, #tpu.memory_space<vmem_shared>> -> memref<80x128xf32, #tpu.memory_space<vmem_shared>>
      %dma_start3A_78 = arith.constant 0 : i32
      %dma_start3A_79 = tpu.memref_slice %arg11[%add3A_55, %dma_start3A_78] : memref<5128x128xf32, #tpu.memory_space<vmem_shared>> -> memref<80x128xf32, #tpu.memory_space<vmem_shared>>
      tpu.enqueue_dma source(%dma_start3A_79 : memref<80x128xf32, #tpu.memory_space<vmem_shared>>) target(%arg10 : memref<80x128xf32, #tpu.memory_space<vmem>>) target_semaphore(%run_scoped3A : memref<!tpu.dma_semaphore, #tpu.memory_space<semaphore_mem>>)
      %dma_wait3A = arith.constant 0 : i32
      %dma_wait3A_80 = tpu.memref_slice %arg11[%add3A_55, %dma_wait3A] : memref<5128x128xf32, #tpu.memory_space<vmem_shared>> -> memref<80x128xf32, #tpu.memory_space<vmem_shared>>
      %dma_wait3A_81 = arith.constant 0 : i32
      %dma_wait3A_82 = tpu.memref_slice %arg11[%add3A_55, %dma_wait3A_81] : memref<5128x128xf32, #tpu.memory_space<vmem_shared>> -> memref<80x128xf32, #tpu.memory_space<vmem_shared>>
      tpu.wait_dma2 semaphore(%run_scoped3A : memref<!tpu.dma_semaphore, #tpu.memory_space<semaphore_mem>>) src(%dma_wait3A_82 : memref<80x128xf32, #tpu.memory_space<vmem_shared>>) dst(%arg10 : memref<80x128xf32, #tpu.memory_space<vmem>>)
      tpu.yield
    }) : () -> ()
    %mul3A_56 = arith.constant 320 : i32
    %mul3A_57 = arith.muli %arg1, %mul3A_56 : i32
    %add3A_58 = arith.constant 80 : i32
    %add3A_59 = arith.addi %mul3A_57, %add3A_58 : i32
    "tpu.region"() ({
      %run_scoped3A = tpu.sem_alloc : memref<!tpu.dma_semaphore, #tpu.memory_space<semaphore_mem>>
      %dma_start3A_76 = arith.constant 0 : i32
      %dma_start3A_77 = tpu.memref_slice %arg5[%arg0, %add3A_59, %dma_start3A_76] : memref<2x5120x128xf32, #tpu.memory_space<hbm>> -> memref<1x80x128xf32, #tpu.memory_space<hbm>>
      %dma_start3A_78 = tpu.memref_squeeze %dma_start3A_77 : memref<1x80x128xf32, #tpu.memory_space<hbm>> -> memref<80x128xf32, #tpu.memory_space<hbm>>
      %dma_start3A_79 = arith.constant 0 : i32
      %dma_start3A_80 = tpu.memref_slice %arg5[%arg0, %add3A_59, %dma_start3A_79] : memref<2x5120x128xf32, #tpu.memory_space<hbm>> -> memref<1x80x128xf32, #tpu.memory_space<hbm>>
      %dma_start3A_81 = tpu.memref_squeeze %dma_start3A_80 : memref<1x80x128xf32, #tpu.memory_space<hbm>> -> memref<80x128xf32, #tpu.memory_space<hbm>>
      tpu.enqueue_dma source(%arg10 : memref<80x128xf32, #tpu.memory_space<vmem>>) target(%dma_start3A_81 : memref<80x128xf32, #tpu.memory_space<hbm>>) target_semaphore(%run_scoped3A : memref<!tpu.dma_semaphore, #tpu.memory_space<semaphore_mem>>)
      %dma_wait3A = arith.constant 0 : i32
      %dma_wait3A_82 = tpu.memref_slice %arg5[%arg0, %add3A_59, %dma_wait3A] : memref<2x5120x128xf32, #tpu.memory_space<hbm>> -> memref<1x80x128xf32, #tpu.memory_space<hbm>>
      %dma_wait3A_83 = tpu.memref_squeeze %dma_wait3A_82 : memref<1x80x128xf32, #tpu.memory_space<hbm>> -> memref<80x128xf32, #tpu.memory_space<hbm>>
      %dma_wait3A_84 = arith.constant 0 : i32
      %dma_wait3A_85 = tpu.memref_slice %arg5[%arg0, %add3A_59, %dma_wait3A_84] : memref<2x5120x128xf32, #tpu.memory_space<hbm>> -> memref<1x80x128xf32, #tpu.memory_space<hbm>>
      %dma_wait3A_86 = tpu.memref_squeeze %dma_wait3A_85 : memref<1x80x128xf32, #tpu.memory_space<hbm>> -> memref<80x128xf32, #tpu.memory_space<hbm>>
      tpu.wait_dma2 semaphore(%run_scoped3A : memref<!tpu.dma_semaphore, #tpu.memory_space<semaphore_mem>>) src(%arg10 : memref<80x128xf32, #tpu.memory_space<vmem>>) dst(%dma_wait3A_86 : memref<80x128xf32, #tpu.memory_space<hbm>>)
      tpu.yield
    }) : () -> ()
    %mul3A_60 = arith.constant 320 : i32
    %mul3A_61 = arith.muli %arg1, %mul3A_60 : i32
    %add3A_62 = arith.constant 160 : i32
    %add3A_63 = arith.addi %mul3A_61, %add3A_62 : i32
    "tpu.region"() ({
      %run_scoped3A = tpu.sem_alloc : memref<!tpu.dma_semaphore, #tpu.memory_space<semaphore_mem>>
      %dma_start3A_76 = arith.constant 0 : i32
      %dma_start3A_77 = tpu.memref_slice %arg11[%add3A_63, %dma_start3A_76] : memref<5128x128xf32, #tpu.memory_space<vmem_shared>> -> memref<80x128xf32, #tpu.memory_space<vmem_shared>>
      %dma_start3A_78 = arith.constant 0 : i32
      %dma_start3A_79 = tpu.memref_slice %arg11[%add3A_63, %dma_start3A_78] : memref<5128x128xf32, #tpu.memory_space<vmem_shared>> -> memref<80x128xf32, #tpu.memory_space<vmem_shared>>
      tpu.enqueue_dma source(%dma_start3A_79 : memref<80x128xf32, #tpu.memory_space<vmem_shared>>) target(%arg10 : memref<80x128xf32, #tpu.memory_space<vmem>>) target_semaphore(%run_scoped3A : memref<!tpu.dma_semaphore, #tpu.memory_space<semaphore_mem>>)
      %dma_wait3A = arith.constant 0 : i32
      %dma_wait3A_80 = tpu.memref_slice %arg11[%add3A_63, %dma_wait3A] : memref<5128x128xf32, #tpu.memory_space<vmem_shared>> -> memref<80x128xf32, #tpu.memory_space<vmem_shared>>
      %dma_wait3A_81 = arith.constant 0 : i32
      %dma_wait3A_82 = tpu.memref_slice %arg11[%add3A_63, %dma_wait3A_81] : memref<5128x128xf32, #tpu.memory_space<vmem_shared>> -> memref<80x128xf32, #tpu.memory_space<vmem_shared>>
      tpu.wait_dma2 semaphore(%run_scoped3A : memref<!tpu.dma_semaphore, #tpu.memory_space<semaphore_mem>>) src(%dma_wait3A_82 : memref<80x128xf32, #tpu.memory_space<vmem_shared>>) dst(%arg10 : memref<80x128xf32, #tpu.memory_space<vmem>>)
      tpu.yield
    }) : () -> ()
    %mul3A_64 = arith.constant 320 : i32
    %mul3A_65 = arith.muli %arg1, %mul3A_64 : i32
    %add3A_66 = arith.constant 160 : i32
    %add3A_67 = arith.addi %mul3A_65, %add3A_66 : i32
    "tpu.region"() ({
      %run_scoped3A = tpu.sem_alloc : memref<!tpu.dma_semaphore, #tpu.memory_space<semaphore_mem>>
      %dma_start3A_76 = arith.constant 0 : i32
      %dma_start3A_77 = tpu.memref_slice %arg5[%arg0, %add3A_67, %dma_start3A_76] : memref<2x5120x128xf32, #tpu.memory_space<hbm>> -> memref<1x80x128xf32, #tpu.memory_space<hbm>>
      %dma_start3A_78 = tpu.memref_squeeze %dma_start3A_77 : memref<1x80x128xf32, #tpu.memory_space<hbm>> -> memref<80x128xf32, #tpu.memory_space<hbm>>
      %dma_start3A_79 = arith.constant 0 : i32
      %dma_start3A_80 = tpu.memref_slice %arg5[%arg0, %add3A_67, %dma_start3A_79] : memref<2x5120x128xf32, #tpu.memory_space<hbm>> -> memref<1x80x128xf32, #tpu.memory_space<hbm>>
      %dma_start3A_81 = tpu.memref_squeeze %dma_start3A_80 : memref<1x80x128xf32, #tpu.memory_space<hbm>> -> memref<80x128xf32, #tpu.memory_space<hbm>>
      tpu.enqueue_dma source(%arg10 : memref<80x128xf32, #tpu.memory_space<vmem>>) target(%dma_start3A_81 : memref<80x128xf32, #tpu.memory_space<hbm>>) target_semaphore(%run_scoped3A : memref<!tpu.dma_semaphore, #tpu.memory_space<semaphore_mem>>)
      %dma_wait3A = arith.constant 0 : i32
      %dma_wait3A_82 = tpu.memref_slice %arg5[%arg0, %add3A_67, %dma_wait3A] : memref<2x5120x128xf32, #tpu.memory_space<hbm>> -> memref<1x80x128xf32, #tpu.memory_space<hbm>>
      %dma_wait3A_83 = tpu.memref_squeeze %dma_wait3A_82 : memref<1x80x128xf32, #tpu.memory_space<hbm>> -> memref<80x128xf32, #tpu.memory_space<hbm>>
      %dma_wait3A_84 = arith.constant 0 : i32
      %dma_wait3A_85 = tpu.memref_slice %arg5[%arg0, %add3A_67, %dma_wait3A_84] : memref<2x5120x128xf32, #tpu.memory_space<hbm>> -> memref<1x80x128xf32, #tpu.memory_space<hbm>>
      %dma_wait3A_86 = tpu.memref_squeeze %dma_wait3A_85 : memref<1x80x128xf32, #tpu.memory_space<hbm>> -> memref<80x128xf32, #tpu.memory_space<hbm>>
      tpu.wait_dma2 semaphore(%run_scoped3A : memref<!tpu.dma_semaphore, #tpu.memory_space<semaphore_mem>>) src(%arg10 : memref<80x128xf32, #tpu.memory_space<vmem>>) dst(%dma_wait3A_86 : memref<80x128xf32, #tpu.memory_space<hbm>>)
      tpu.yield
    }) : () -> ()
    %mul3A_68 = arith.constant 320 : i32
    %mul3A_69 = arith.muli %arg1, %mul3A_68 : i32
    %add3A_70 = arith.constant 240 : i32
    %add3A_71 = arith.addi %mul3A_69, %add3A_70 : i32
    "tpu.region"() ({
      %run_scoped3A = tpu.sem_alloc : memref<!tpu.dma_semaphore, #tpu.memory_space<semaphore_mem>>
      %dma_start3A_76 = arith.constant 0 : i32
      %dma_start3A_77 = tpu.memref_slice %arg11[%add3A_71, %dma_start3A_76] : memref<5128x128xf32, #tpu.memory_space<vmem_shared>> -> memref<80x128xf32, #tpu.memory_space<vmem_shared>>
      %dma_start3A_78 = arith.constant 0 : i32
      %dma_start3A_79 = tpu.memref_slice %arg11[%add3A_71, %dma_start3A_78] : memref<5128x128xf32, #tpu.memory_space<vmem_shared>> -> memref<80x128xf32, #tpu.memory_space<vmem_shared>>
      tpu.enqueue_dma source(%dma_start3A_79 : memref<80x128xf32, #tpu.memory_space<vmem_shared>>) target(%arg10 : memref<80x128xf32, #tpu.memory_space<vmem>>) target_semaphore(%run_scoped3A : memref<!tpu.dma_semaphore, #tpu.memory_space<semaphore_mem>>)
      %dma_wait3A = arith.constant 0 : i32
      %dma_wait3A_80 = tpu.memref_slice %arg11[%add3A_71, %dma_wait3A] : memref<5128x128xf32, #tpu.memory_space<vmem_shared>> -> memref<80x128xf32, #tpu.memory_space<vmem_shared>>
      %dma_wait3A_81 = arith.constant 0 : i32
      %dma_wait3A_82 = tpu.memref_slice %arg11[%add3A_71, %dma_wait3A_81] : memref<5128x128xf32, #tpu.memory_space<vmem_shared>> -> memref<80x128xf32, #tpu.memory_space<vmem_shared>>
      tpu.wait_dma2 semaphore(%run_scoped3A : memref<!tpu.dma_semaphore, #tpu.memory_space<semaphore_mem>>) src(%dma_wait3A_82 : memref<80x128xf32, #tpu.memory_space<vmem_shared>>) dst(%arg10 : memref<80x128xf32, #tpu.memory_space<vmem>>)
      tpu.yield
    }) : () -> ()
    %mul3A_72 = arith.constant 320 : i32
    %mul3A_73 = arith.muli %arg1, %mul3A_72 : i32
    %add3A_74 = arith.constant 240 : i32
    %add3A_75 = arith.addi %mul3A_73, %add3A_74 : i32
    "tpu.region"() ({
      %run_scoped3A = tpu.sem_alloc : memref<!tpu.dma_semaphore, #tpu.memory_space<semaphore_mem>>
      %dma_start3A_76 = arith.constant 0 : i32
      %dma_start3A_77 = tpu.memref_slice %arg5[%arg0, %add3A_75, %dma_start3A_76] : memref<2x5120x128xf32, #tpu.memory_space<hbm>> -> memref<1x80x128xf32, #tpu.memory_space<hbm>>
      %dma_start3A_78 = tpu.memref_squeeze %dma_start3A_77 : memref<1x80x128xf32, #tpu.memory_space<hbm>> -> memref<80x128xf32, #tpu.memory_space<hbm>>
      %dma_start3A_79 = arith.constant 0 : i32
      %dma_start3A_80 = tpu.memref_slice %arg5[%arg0, %add3A_75, %dma_start3A_79] : memref<2x5120x128xf32, #tpu.memory_space<hbm>> -> memref<1x80x128xf32, #tpu.memory_space<hbm>>
      %dma_start3A_81 = tpu.memref_squeeze %dma_start3A_80 : memref<1x80x128xf32, #tpu.memory_space<hbm>> -> memref<80x128xf32, #tpu.memory_space<hbm>>
      tpu.enqueue_dma source(%arg10 : memref<80x128xf32, #tpu.memory_space<vmem>>) target(%dma_start3A_81 : memref<80x128xf32, #tpu.memory_space<hbm>>) target_semaphore(%run_scoped3A : memref<!tpu.dma_semaphore, #tpu.memory_space<semaphore_mem>>)
      %dma_wait3A = arith.constant 0 : i32
      %dma_wait3A_82 = tpu.memref_slice %arg5[%arg0, %add3A_75, %dma_wait3A] : memref<2x5120x128xf32, #tpu.memory_space<hbm>> -> memref<1x80x128xf32, #tpu.memory_space<hbm>>
      %dma_wait3A_83 = tpu.memref_squeeze %dma_wait3A_82 : memref<1x80x128xf32, #tpu.memory_space<hbm>> -> memref<80x128xf32, #tpu.memory_space<hbm>>
      %dma_wait3A_84 = arith.constant 0 : i32
      %dma_wait3A_85 = tpu.memref_slice %arg5[%arg0, %add3A_75, %dma_wait3A_84] : memref<2x5120x128xf32, #tpu.memory_space<hbm>> -> memref<1x80x128xf32, #tpu.memory_space<hbm>>
      %dma_wait3A_86 = tpu.memref_squeeze %dma_wait3A_85 : memref<1x80x128xf32, #tpu.memory_space<hbm>> -> memref<80x128xf32, #tpu.memory_space<hbm>>
      tpu.wait_dma2 semaphore(%run_scoped3A : memref<!tpu.dma_semaphore, #tpu.memory_space<semaphore_mem>>) src(%arg10 : memref<80x128xf32, #tpu.memory_space<vmem>>) dst(%dma_wait3A_86 : memref<80x128xf32, #tpu.memory_space<hbm>>)
      tpu.yield
    }) : () -> ()
    return
  }
}

#map = affine_map<(d0, d1) -> (0, 0)>
#map1 = affine_map<(d0, d1) -> (0)>
#map2 = affine_map<(d0, d1) -> (0, 0, 0)>
module attributes {stable_mosaic.version = 14 : i64} {
  func.func @_agg_body(%arg0: i32, %arg1: i32, %arg2: memref<10000x128xf32, #tpu.memory_space<hbm>>, %arg3: memref<320000xi32, #tpu.memory_space<hbm>>, %arg4: memref<320000xi32, #tpu.memory_space<hbm>>, %arg5: memref<2x5120x128xf32, #tpu.memory_space<hbm>>, %arg6: memref<20000xi32, #tpu.memory_space<vmem>>, %arg7: memref<20000xi32, #tpu.memory_space<vmem>>, %arg8: memref<80xi32, #tpu.memory_space<vmem>>, %arg9: memref<2x80x128xf32, #tpu.memory_space<vmem>>, %arg10: memref<80x128xf32, #tpu.memory_space<vmem>>, %arg11: memref<5128x128xf32, #tpu.memory_space<vmem_shared>>, %arg12: memref<2x!tpu.dma_semaphore, #tpu.memory_space<semaphore_mem>>) attributes {dimension_semantics = [#tpu.dimension_semantics<core_parallel>, #tpu.dimension_semantics<subcore_parallel>], iteration_bounds = array<i64: 2, 16>, scalar_prefetch = 0 : i64, scratch_operands = 7 : i64, tpu.core_type = #tpu.core_type<sc_vector_subcore>, window_params = [{transform_indices = #map}, {transform_indices = #map1}, {transform_indices = #map1}, {transform_indices = #map2}]} {
    %mul3A = arith.constant 5120 : i32
    %mul3A_0 = arith.muli %arg0, %mul3A : i32
    %scan3A = arith.constant 0 : i32
    %scan3A_1 = arith.constant 0 : i32
    %scan3A_2 = arith.constant 80 : i32
    %scan3A_3 = arith.addi %scan3A_1, %scan3A_2 : i32
    %scan3A_4 = arith.constant 1 : i32
    scf.for %scan3A_76 = %scan3A_1 to %scan3A_3 step %scan3A_4  : i32 {
      %broadcast_in_dim3A = arith.constant 0.000000e+00 : f32
      %broadcast_in_dim3A_77 = vector.broadcast %broadcast_in_dim3A : f32 to vector<16xf32>
      %swap3A = arith.index_cast %scan3A_76 : i32 to index
      %swap3A_78 = arith.constant 0 : index
      %swap3A_79 = tpu.vector_load %arg10[%swap3A, %swap3A_78] {strides = array<i32>} : memref<80x128xf32, #tpu.memory_space<vmem>>, vector<1x16xf32>,
      %swap3A_80 = vector.shape_cast %swap3A_79 : vector<1x16xf32> to vector<16xf32>
      %swap3A_81 = vector.shape_cast %broadcast_in_dim3A_77 : vector<16xf32> to vector<1x16xf32>
      tpu.vector_store %arg10[%swap3A, %swap3A_78], %swap3A_81 {strides = array<i32>} : memref<80x128xf32, #tpu.memory_space<vmem>>, vector<1x16xf32>,
      %broadcast_in_dim3A_82 = arith.constant 0.000000e+00 : f32
      %broadcast_in_dim3A_83 = vector.broadcast %broadcast_in_dim3A_82 : f32 to vector<16xf32>
      %swap3A_84 = arith.index_cast %scan3A_76 : i32 to index
      %swap3A_85 = arith.constant 16 : index
      %swap3A_86 = tpu.vector_load %arg10[%swap3A_84, %swap3A_85] {strides = array<i32>} : memref<80x128xf32, #tpu.memory_space<vmem>>, vector<1x16xf32>,
      %swap3A_87 = vector.shape_cast %swap3A_86 : vector<1x16xf32> to vector<16xf32>
      %swap3A_88 = vector.shape_cast %broadcast_in_dim3A_83 : vector<16xf32> to vector<1x16xf32>
      tpu.vector_store %arg10[%swap3A_84, %swap3A_85], %swap3A_88 {strides = array<i32>} : memref<80x128xf32, #tpu.memory_space<vmem>>, vector<1x16xf32>,
      %broadcast_in_dim3A_89 = arith.constant 0.000000e+00 : f32
      %broadcast_in_dim3A_90 = vector.broadcast %broadcast_in_dim3A_89 : f32 to vector<16xf32>
      %swap3A_91 = arith.index_cast %scan3A_76 : i32 to index
      %swap3A_92 = arith.constant 32 : index
      %swap3A_93 = tpu.vector_load %arg10[%swap3A_91, %swap3A_92] {strides = array<i32>} : memref<80x128xf32, #tpu.memory_space<vmem>>, vector<1x16xf32>,
      %swap3A_94 = vector.shape_cast %swap3A_93 : vector<1x16xf32> to vector<16xf32>
      %swap3A_95 = vector.shape_cast %broadcast_in_dim3A_90 : vector<16xf32> to vector<1x16xf32>
      tpu.vector_store %arg10[%swap3A_91, %swap3A_92], %swap3A_95 {strides = array<i32>} : memref<80x128xf32, #tpu.memory_space<vmem>>, vector<1x16xf32>,
      %broadcast_in_dim3A_96 = arith.constant 0.000000e+00 : f32
      %broadcast_in_dim3A_97 = vector.broadcast %broadcast_in_dim3A_96 : f32 to vector<16xf32>
      %swap3A_98 = arith.index_cast %scan3A_76 : i32 to index
      %swap3A_99 = arith.constant 48 : index
      %swap3A_100 = tpu.vector_load %arg10[%swap3A_98, %swap3A_99] {strides = array<i32>} : memref<80x128xf32, #tpu.memory_space<vmem>>, vector<1x16xf32>,
      %swap3A_101 = vector.shape_cast %swap3A_100 : vector<1x16xf32> to vector<16xf32>
      %swap3A_102 = vector.shape_cast %broadcast_in_dim3A_97 : vector<16xf32> to vector<1x16xf32>
      tpu.vector_store %arg10[%swap3A_98, %swap3A_99], %swap3A_102 {strides = array<i32>} : memref<80x128xf32, #tpu.memory_space<vmem>>, vector<1x16xf32>,
      %broadcast_in_dim3A_103 = arith.constant 0.000000e+00 : f32
      %broadcast_in_dim3A_104 = vector.broadcast %broadcast_in_dim3A_103 : f32 to vector<16xf32>
      %swap3A_105 = arith.index_cast %scan3A_76 : i32 to index
      %swap3A_106 = arith.constant 64 : index
      %swap3A_107 = tpu.vector_load %arg10[%swap3A_105, %swap3A_106] {strides = array<i32>} : memref<80x128xf32, #tpu.memory_space<vmem>>, vector<1x16xf32>,
      %swap3A_108 = vector.shape_cast %swap3A_107 : vector<1x16xf32> to vector<16xf32>
      %swap3A_109 = vector.shape_cast %broadcast_in_dim3A_104 : vector<16xf32> to vector<1x16xf32>
      tpu.vector_store %arg10[%swap3A_105, %swap3A_106], %swap3A_109 {strides = array<i32>} : memref<80x128xf32, #tpu.memory_space<vmem>>, vector<1x16xf32>,
      %broadcast_in_dim3A_110 = arith.constant 0.000000e+00 : f32
      %broadcast_in_dim3A_111 = vector.broadcast %broadcast_in_dim3A_110 : f32 to vector<16xf32>
      %swap3A_112 = arith.index_cast %scan3A_76 : i32 to index
      %swap3A_113 = arith.constant 80 : index
      %swap3A_114 = tpu.vector_load %arg10[%swap3A_112, %swap3A_113] {strides = array<i32>} : memref<80x128xf32, #tpu.memory_space<vmem>>, vector<1x16xf32>,
      %swap3A_115 = vector.shape_cast %swap3A_114 : vector<1x16xf32> to vector<16xf32>
      %swap3A_116 = vector.shape_cast %broadcast_in_dim3A_111 : vector<16xf32> to vector<1x16xf32>
      tpu.vector_store %arg10[%swap3A_112, %swap3A_113], %swap3A_116 {strides = array<i32>} : memref<80x128xf32, #tpu.memory_space<vmem>>, vector<1x16xf32>,
      %broadcast_in_dim3A_117 = arith.constant 0.000000e+00 : f32
      %broadcast_in_dim3A_118 = vector.broadcast %broadcast_in_dim3A_117 : f32 to vector<16xf32>
      %swap3A_119 = arith.index_cast %scan3A_76 : i32 to index
      %swap3A_120 = arith.constant 96 : index
      %swap3A_121 = tpu.vector_load %arg10[%swap3A_119, %swap3A_120] {strides = array<i32>} : memref<80x128xf32, #tpu.memory_space<vmem>>, vector<1x16xf32>,
      %swap3A_122 = vector.shape_cast %swap3A_121 : vector<1x16xf32> to vector<16xf32>
      %swap3A_123 = vector.shape_cast %broadcast_in_dim3A_118 : vector<16xf32> to vector<1x16xf32>
      tpu.vector_store %arg10[%swap3A_119, %swap3A_120], %swap3A_123 {strides = array<i32>} : memref<80x128xf32, #tpu.memory_space<vmem>>, vector<1x16xf32>,
      %broadcast_in_dim3A_124 = arith.constant 0.000000e+00 : f32
      %broadcast_in_dim3A_125 = vector.broadcast %broadcast_in_dim3A_124 : f32 to vector<16xf32>
      %swap3A_126 = arith.index_cast %scan3A_76 : i32 to index
      %swap3A_127 = arith.constant 112 : index
      %swap3A_128 = tpu.vector_load %arg10[%swap3A_126, %swap3A_127] {strides = array<i32>} : memref<80x128xf32, #tpu.memory_space<vmem>>, vector<1x16xf32>,
      %swap3A_129 = vector.shape_cast %swap3A_128 : vector<1x16xf32> to vector<16xf32>
      %swap3A_130 = vector.shape_cast %broadcast_in_dim3A_125 : vector<16xf32> to vector<1x16xf32>
      tpu.vector_store %arg10[%swap3A_126, %swap3A_127], %swap3A_130 {strides = array<i32>} : memref<80x128xf32, #tpu.memory_space<vmem>>, vector<1x16xf32>,
    }
    %scan3A_5 = arith.constant 80 : i32
    %mul3A_6 = arith.constant 320 : i32
    %mul3A_7 = arith.muli %arg1, %mul3A_6 : i32
    %add3A = arith.constant 0 : i32
    %add3A_8 = arith.addi %mul3A_7, %add3A : i32
    "tpu.region"() ({
      %run_scoped3A = tpu.sem_alloc : memref<!tpu.dma_semaphore, #tpu.memory_space<semaphore_mem>>
      %dma_start3A_76 = arith.constant 0 : i32
      %dma_start3A_77 = tpu.memref_slice %arg11[%add3A_8, %dma_start3A_76] : memref<5128x128xf32, #tpu.memory_space<vmem_shared>> -> memref<80x128xf32, #tpu.memory_space<vmem_shared>>
      %dma_start3A_78 = arith.constant 0 : i32
      %dma_start3A_79 = tpu.memref_slice %arg11[%add3A_8, %dma_start3A_78] : memref<5128x128xf32, #tpu.memory_space<vmem_shared>> -> memref<80x128xf32, #tpu.memory_space<vmem_shared>>
      tpu.enqueue_dma source(%arg10 : memref<80x128xf32, #tpu.memory_space<vmem>>) target(%dma_start3A_79 : memref<80x128xf32, #tpu.memory_space<vmem_shared>>) target_semaphore(%run_scoped3A : memref<!tpu.dma_semaphore, #tpu.memory_space<semaphore_mem>>)
      %dma_wait3A = arith.constant 0 : i32
      %dma_wait3A_80 = tpu.memref_slice %arg11[%add3A_8, %dma_wait3A] : memref<5128x128xf32, #tpu.memory_space<vmem_shared>> -> memref<80x128xf32, #tpu.memory_space<vmem_shared>>
      %dma_wait3A_81 = arith.constant 0 : i32
      %dma_wait3A_82 = tpu.memref_slice %arg11[%add3A_8, %dma_wait3A_81] : memref<5128x128xf32, #tpu.memory_space<vmem_shared>> -> memref<80x128xf32, #tpu.memory_space<vmem_shared>>
      tpu.wait_dma2 semaphore(%run_scoped3A : memref<!tpu.dma_semaphore, #tpu.memory_space<semaphore_mem>>) src(%arg10 : memref<80x128xf32, #tpu.memory_space<vmem>>) dst(%dma_wait3A_82 : memref<80x128xf32, #tpu.memory_space<vmem_shared>>)
      tpu.yield
    }) : () -> ()
    %mul3A_9 = arith.constant 320 : i32
    %mul3A_10 = arith.muli %arg1, %mul3A_9 : i32
    %add3A_11 = arith.constant 80 : i32
    %add3A_12 = arith.addi %mul3A_10, %add3A_11 : i32
    "tpu.region"() ({
      %run_scoped3A = tpu.sem_alloc : memref<!tpu.dma_semaphore, #tpu.memory_space<semaphore_mem>>
      %dma_start3A_76 = arith.constant 0 : i32
      %dma_start3A_77 = tpu.memref_slice %arg11[%add3A_12, %dma_start3A_76] : memref<5128x128xf32, #tpu.memory_space<vmem_shared>> -> memref<80x128xf32, #tpu.memory_space<vmem_shared>>
      %dma_start3A_78 = arith.constant 0 : i32
      %dma_start3A_79 = tpu.memref_slice %arg11[%add3A_12, %dma_start3A_78] : memref<5128x128xf32, #tpu.memory_space<vmem_shared>> -> memref<80x128xf32, #tpu.memory_space<vmem_shared>>
      tpu.enqueue_dma source(%arg10 : memref<80x128xf32, #tpu.memory_space<vmem>>) target(%dma_start3A_79 : memref<80x128xf32, #tpu.memory_space<vmem_shared>>) target_semaphore(%run_scoped3A : memref<!tpu.dma_semaphore, #tpu.memory_space<semaphore_mem>>)
      %dma_wait3A = arith.constant 0 : i32
      %dma_wait3A_80 = tpu.memref_slice %arg11[%add3A_12, %dma_wait3A] : memref<5128x128xf32, #tpu.memory_space<vmem_shared>> -> memref<80x128xf32, #tpu.memory_space<vmem_shared>>
      %dma_wait3A_81 = arith.constant 0 : i32
      %dma_wait3A_82 = tpu.memref_slice %arg11[%add3A_12, %dma_wait3A_81] : memref<5128x128xf32, #tpu.memory_space<vmem_shared>> -> memref<80x128xf32, #tpu.memory_space<vmem_shared>>
      tpu.wait_dma2 semaphore(%run_scoped3A : memref<!tpu.dma_semaphore, #tpu.memory_space<semaphore_mem>>) src(%arg10 : memref<80x128xf32, #tpu.memory_space<vmem>>) dst(%dma_wait3A_82 : memref<80x128xf32, #tpu.memory_space<vmem_shared>>)
      tpu.yield
    }) : () -> ()
    %mul3A_13 = arith.constant 320 : i32
    %mul3A_14 = arith.muli %arg1, %mul3A_13 : i32
    %add3A_15 = arith.constant 160 : i32
    %add3A_16 = arith.addi %mul3A_14, %add3A_15 : i32
    "tpu.region"() ({
      %run_scoped3A = tpu.sem_alloc : memref<!tpu.dma_semaphore, #tpu.memory_space<semaphore_mem>>
      %dma_start3A_76 = arith.constant 0 : i32
      %dma_start3A_77 = tpu.memref_slice %arg11[%add3A_16, %dma_start3A_76] : memref<5128x128xf32, #tpu.memory_space<vmem_shared>> -> memref<80x128xf32, #tpu.memory_space<vmem_shared>>
      %dma_start3A_78 = arith.constant 0 : i32
      %dma_start3A_79 = tpu.memref_slice %arg11[%add3A_16, %dma_start3A_78] : memref<5128x128xf32, #tpu.memory_space<vmem_shared>> -> memref<80x128xf32, #tpu.memory_space<vmem_shared>>
      tpu.enqueue_dma source(%arg10 : memref<80x128xf32, #tpu.memory_space<vmem>>) target(%dma_start3A_79 : memref<80x128xf32, #tpu.memory_space<vmem_shared>>) target_semaphore(%run_scoped3A : memref<!tpu.dma_semaphore, #tpu.memory_space<semaphore_mem>>)
      %dma_wait3A = arith.constant 0 : i32
      %dma_wait3A_80 = tpu.memref_slice %arg11[%add3A_16, %dma_wait3A] : memref<5128x128xf32, #tpu.memory_space<vmem_shared>> -> memref<80x128xf32, #tpu.memory_space<vmem_shared>>
      %dma_wait3A_81 = arith.constant 0 : i32
      %dma_wait3A_82 = tpu.memref_slice %arg11[%add3A_16, %dma_wait3A_81] : memref<5128x128xf32, #tpu.memory_space<vmem_shared>> -> memref<80x128xf32, #tpu.memory_space<vmem_shared>>
      tpu.wait_dma2 semaphore(%run_scoped3A : memref<!tpu.dma_semaphore, #tpu.memory_space<semaphore_mem>>) src(%arg10 : memref<80x128xf32, #tpu.memory_space<vmem>>) dst(%dma_wait3A_82 : memref<80x128xf32, #tpu.memory_space<vmem_shared>>)
      tpu.yield
    }) : () -> ()
    %mul3A_17 = arith.constant 320 : i32
    %mul3A_18 = arith.muli %arg1, %mul3A_17 : i32
    %add3A_19 = arith.constant 240 : i32
    %add3A_20 = arith.addi %mul3A_18, %add3A_19 : i32
    "tpu.region"() ({
      %run_scoped3A = tpu.sem_alloc : memref<!tpu.dma_semaphore, #tpu.memory_space<semaphore_mem>>
      %dma_start3A_76 = arith.constant 0 : i32
      %dma_start3A_77 = tpu.memref_slice %arg11[%add3A_20, %dma_start3A_76] : memref<5128x128xf32, #tpu.memory_space<vmem_shared>> -> memref<80x128xf32, #tpu.memory_space<vmem_shared>>
      %dma_start3A_78 = arith.constant 0 : i32
      %dma_start3A_79 = tpu.memref_slice %arg11[%add3A_20, %dma_start3A_78] : memref<5128x128xf32, #tpu.memory_space<vmem_shared>> -> memref<80x128xf32, #tpu.memory_space<vmem_shared>>
      tpu.enqueue_dma source(%arg10 : memref<80x128xf32, #tpu.memory_space<vmem>>) target(%dma_start3A_79 : memref<80x128xf32, #tpu.memory_space<vmem_shared>>) target_semaphore(%run_scoped3A : memref<!tpu.dma_semaphore, #tpu.memory_space<semaphore_mem>>)
      %dma_wait3A = arith.constant 0 : i32
      %dma_wait3A_80 = tpu.memref_slice %arg11[%add3A_20, %dma_wait3A] : memref<5128x128xf32, #tpu.memory_space<vmem_shared>> -> memref<80x128xf32, #tpu.memory_space<vmem_shared>>
      %dma_wait3A_81 = arith.constant 0 : i32
      %dma_wait3A_82 = tpu.memref_slice %arg11[%add3A_20, %dma_wait3A_81] : memref<5128x128xf32, #tpu.memory_space<vmem_shared>> -> memref<80x128xf32, #tpu.memory_space<vmem_shared>>
      tpu.wait_dma2 semaphore(%run_scoped3A : memref<!tpu.dma_semaphore, #tpu.memory_space<semaphore_mem>>) src(%arg10 : memref<80x128xf32, #tpu.memory_space<vmem>>) dst(%dma_wait3A_82 : memref<80x128xf32, #tpu.memory_space<vmem_shared>>)
      tpu.yield
    }) : () -> ()
    "tpu.region"() ({
      %run_scoped3A = tpu.sem_alloc : memref<!tpu.dma_semaphore, #tpu.memory_space<semaphore_mem>>
      %dma_start3A_76 = arith.constant 0 : i32
      %dma_start3A_77 = arith.constant 0 : i32
      %dma_start3A_78 = tpu.memref_slice %arg10[%dma_start3A_76, %dma_start3A_77] : memref<80x128xf32, #tpu.memory_space<vmem>> -> memref<8x128xf32, #tpu.memory_space<vmem>>
      %dma_start3A_79 = arith.constant 5120 : i32
      %dma_start3A_80 = arith.constant 0 : i32
      %dma_start3A_81 = tpu.memref_slice %arg11[%dma_start3A_79, %dma_start3A_80] : memref<5128x128xf32, #tpu.memory_space<vmem_shared>> -> memref<8x128xf32, #tpu.memory_space<vmem_shared>>
      %dma_start3A_82 = arith.constant 5120 : i32
      %dma_start3A_83 = arith.constant 0 : i32
      %dma_start3A_84 = tpu.memref_slice %arg11[%dma_start3A_82, %dma_start3A_83] : memref<5128x128xf32, #tpu.memory_space<vmem_shared>> -> memref<8x128xf32, #tpu.memory_space<vmem_shared>>
      %dma_start3A_85 = arith.constant 0 : i32
      %dma_start3A_86 = arith.constant 0 : i32
      %dma_start3A_87 = tpu.memref_slice %arg10[%dma_start3A_85, %dma_start3A_86] : memref<80x128xf32, #tpu.memory_space<vmem>> -> memref<8x128xf32, #tpu.memory_space<vmem>>
      tpu.enqueue_dma source(%dma_start3A_87 : memref<8x128xf32, #tpu.memory_space<vmem>>) target(%dma_start3A_84 : memref<8x128xf32, #tpu.memory_space<vmem_shared>>) target_semaphore(%run_scoped3A : memref<!tpu.dma_semaphore, #tpu.memory_space<semaphore_mem>>)
      %dma_wait3A = arith.constant 0 : i32
      %dma_wait3A_88 = arith.constant 0 : i32
      %dma_wait3A_89 = tpu.memref_slice %arg10[%dma_wait3A, %dma_wait3A_88] : memref<80x128xf32, #tpu.memory_space<vmem>> -> memref<8x128xf32, #tpu.memory_space<vmem>>
      %dma_wait3A_90 = arith.constant 5120 : i32
      %dma_wait3A_91 = arith.constant 0 : i32
      %dma_wait3A_92 = tpu.memref_slice %arg11[%dma_wait3A_90, %dma_wait3A_91] : memref<5128x128xf32, #tpu.memory_space<vmem_shared>> -> memref<8x128xf32, #tpu.memory_space<vmem_shared>>
      %dma_wait3A_93 = arith.constant 5120 : i32
      %dma_wait3A_94 = arith.constant 0 : i32
      %dma_wait3A_95 = tpu.memref_slice %arg11[%dma_wait3A_93, %dma_wait3A_94] : memref<5128x128xf32, #tpu.memory_space<vmem_shared>> -> memref<8x128xf32, #tpu.memory_space<vmem_shared>>
      %dma_wait3A_96 = arith.constant 0 : i32
      %dma_wait3A_97 = arith.constant 0 : i32
      %dma_wait3A_98 = tpu.memref_slice %arg10[%dma_wait3A_96, %dma_wait3A_97] : memref<80x128xf32, #tpu.memory_space<vmem>> -> memref<8x128xf32, #tpu.memory_space<vmem>>
      tpu.wait_dma2 semaphore(%run_scoped3A : memref<!tpu.dma_semaphore, #tpu.memory_space<semaphore_mem>>) src(%dma_wait3A_98 : memref<8x128xf32, #tpu.memory_space<vmem>>) dst(%dma_wait3A_95 : memref<8x128xf32, #tpu.memory_space<vmem_shared>>)
      tpu.yield
    }) : () -> ()
    %mul3A_21 = arith.constant 20000 : i32
    %mul3A_22 = arith.muli %arg1, %mul3A_21 : i32
    "tpu.region"() ({
      %run_scoped3A = tpu.sem_alloc : memref<!tpu.dma_semaphore, #tpu.memory_space<semaphore_mem>>
      %dma_start3A_76 = tpu.memref_slice %arg3[%mul3A_22] : memref<320000xi32, #tpu.memory_space<hbm>> -> memref<20000xi32, #tpu.memory_space<hbm>>
      %dma_start3A_77 = tpu.memref_slice %arg3[%mul3A_22] : memref<320000xi32, #tpu.memory_space<hbm>> -> memref<20000xi32, #tpu.memory_space<hbm>>
      tpu.enqueue_dma source(%dma_start3A_77 : memref<20000xi32, #tpu.memory_space<hbm>>) target(%arg6 : memref<20000xi32, #tpu.memory_space<vmem>>) target_semaphore(%run_scoped3A : memref<!tpu.dma_semaphore, #tpu.memory_space<semaphore_mem>>)
      %dma_wait3A = tpu.memref_slice %arg3[%mul3A_22] : memref<320000xi32, #tpu.memory_space<hbm>> -> memref<20000xi32, #tpu.memory_space<hbm>>
      %dma_wait3A_78 = tpu.memref_slice %arg3[%mul3A_22] : memref<320000xi32, #tpu.memory_space<hbm>> -> memref<20000xi32, #tpu.memory_space<hbm>>
      tpu.wait_dma2 semaphore(%run_scoped3A : memref<!tpu.dma_semaphore, #tpu.memory_space<semaphore_mem>>) src(%dma_wait3A_78 : memref<20000xi32, #tpu.memory_space<hbm>>) dst(%arg6 : memref<20000xi32, #tpu.memory_space<vmem>>)
      tpu.yield
    }) : () -> ()
    %mul3A_23 = arith.constant 20000 : i32
    %mul3A_24 = arith.muli %arg1, %mul3A_23 : i32
    "tpu.region"() ({
      %run_scoped3A = tpu.sem_alloc : memref<!tpu.dma_semaphore, #tpu.memory_space<semaphore_mem>>
      %dma_start3A_76 = tpu.memref_slice %arg4[%mul3A_24] : memref<320000xi32, #tpu.memory_space<hbm>> -> memref<20000xi32, #tpu.memory_space<hbm>>
      %dma_start3A_77 = tpu.memref_slice %arg4[%mul3A_24] : memref<320000xi32, #tpu.memory_space<hbm>> -> memref<20000xi32, #tpu.memory_space<hbm>>
      tpu.enqueue_dma source(%dma_start3A_77 : memref<20000xi32, #tpu.memory_space<hbm>>) target(%arg7 : memref<20000xi32, #tpu.memory_space<vmem>>) target_semaphore(%run_scoped3A : memref<!tpu.dma_semaphore, #tpu.memory_space<semaphore_mem>>)
      %dma_wait3A = tpu.memref_slice %arg4[%mul3A_24] : memref<320000xi32, #tpu.memory_space<hbm>> -> memref<20000xi32, #tpu.memory_space<hbm>>
      %dma_wait3A_78 = tpu.memref_slice %arg4[%mul3A_24] : memref<320000xi32, #tpu.memory_space<hbm>> -> memref<20000xi32, #tpu.memory_space<hbm>>
      tpu.wait_dma2 semaphore(%run_scoped3A : memref<!tpu.dma_semaphore, #tpu.memory_space<semaphore_mem>>) src(%dma_wait3A_78 : memref<20000xi32, #tpu.memory_space<hbm>>) dst(%arg7 : memref<20000xi32, #tpu.memory_space<vmem>>)
      tpu.yield
    }) : () -> ()
    %barrier3A = arith.constant 0 : index
    tpu.barrier barrier_id(%barrier3A)
    %dma_start3A = arith.constant 0 : i32
    %dma_start3A_25 = arith.constant 0 : i32
    %dma_start3A_26 = arith.constant 0 : i32
    %dma_start3A_27 = arith.constant 0 : i32
    %dma_start3A_28 = tpu.memref_slice %arg9[%dma_start3A, %dma_start3A_26, %dma_start3A_27] : memref<2x80x128xf32, #tpu.memory_space<vmem>> -> memref<1x80x128xf32, #tpu.memory_space<vmem>>
    %dma_start3A_29 = tpu.memref_squeeze %dma_start3A_28 : memref<1x80x128xf32, #tpu.memory_space<vmem>> -> memref<80x128xf32, #tpu.memory_space<vmem>>
    %dma_start3A_30 = arith.constant 0 : i32
    %dma_start3A_31 = tpu.memref_slice %arg6[%dma_start3A_30] : memref<20000xi32, #tpu.memory_space<vmem>> -> memref<80xi32, #tpu.memory_space<vmem>>
    %dma_start3A_32 = arith.constant 0 : i32
    %dma_start3A_33 = arith.constant 0 : i32
    %dma_start3A_34 = tpu.memref_slice %arg2[%dma_start3A_32, %dma_start3A_33] : memref<10000x128xf32, #tpu.memory_space<hbm>> -> memref<10000x128xf32, #tpu.memory_space<hbm>>
    %dma_start3A_35 = tpu.memref_slice %arg12[%dma_start3A_25] : memref<2x!tpu.dma_semaphore, #tpu.memory_space<semaphore_mem>> -> memref<1x!tpu.dma_semaphore, #tpu.memory_space<semaphore_mem>>
    %dma_start3A_36 = tpu.memref_squeeze %dma_start3A_35 : memref<1x!tpu.dma_semaphore, #tpu.memory_space<semaphore_mem>> -> memref<!tpu.dma_semaphore, #tpu.memory_space<semaphore_mem>>
    tpu.enqueue_indirect_dma source(%dma_start3A_34 : memref<10000x128xf32, #tpu.memory_space<hbm>>) target(%dma_start3A_29 : memref<80x128xf32, #tpu.memory_space<vmem>>) offsets(%dma_start3A_31 : memref<80xi32, #tpu.memory_space<vmem>>) semaphore(%dma_start3A_36 : memref<!tpu.dma_semaphore, #tpu.memory_space<semaphore_mem>>)
    %scan3A_37 = arith.constant 0 : i32
    %scan3A_38 = arith.constant 0 : i32
    %scan3A_39 = arith.constant 250 : i32
    %scan3A_40 = arith.addi %scan3A_38, %scan3A_39 : i32
    %scan3A_41 = arith.constant 1 : i32
    scf.for %scan3A_76 = %scan3A_38 to %scan3A_40 step %scan3A_41  : i32 {
      %rem3A = arith.constant 2 : i32
      %rem3A_77 = arith.remsi %scan3A_76, %rem3A : i32
      %add3A_78 = arith.constant 1 : i32
      %add3A_79 = arith.addi %scan3A_76, %add3A_78 : i32
      %lt3A = arith.constant 250 : i32
      %lt3A_80 = arith.cmpi slt, %add3A_79, %lt3A : i32
      %convert_element_type3A = arith.extui %lt3A_80 : i1 to i32
      %cond3A = arith.constant 0 : i32
      %cond3A_81 = arith.cmpi ne, %convert_element_type3A, %cond3A : i32
      scf.if %cond3A_81 {
        %add3A_200 = arith.constant 1 : i32
        %add3A_201 = arith.addi %scan3A_76, %add3A_200 : i32
        %sub3A_202 = arith.constant 1 : i32
        %sub3A_203 = arith.subi %sub3A_202, %rem3A_77 : i32
        %mul3A_204 = arith.constant 80 : i32
        %mul3A_205 = arith.muli %add3A_201, %mul3A_204 : i32
        %dma_start3A_206 = arith.constant 0 : i32
        %dma_start3A_207 = arith.constant 0 : i32
        %dma_start3A_208 = tpu.memref_slice %arg9[%sub3A_203, %dma_start3A_206, %dma_start3A_207] : memref<2x80x128xf32, #tpu.memory_space<vmem>> -> memref<1x80x128xf32, #tpu.memory_space<vmem>>
        %dma_start3A_209 = tpu.memref_squeeze %dma_start3A_208 : memref<1x80x128xf32, #tpu.memory_space<vmem>> -> memref<80x128xf32, #tpu.memory_space<vmem>>
        %dma_start3A_210 = tpu.memref_slice %arg6[%mul3A_205] : memref<20000xi32, #tpu.memory_space<vmem>> -> memref<80xi32, #tpu.memory_space<vmem>>
        %dma_start3A_211 = arith.constant 0 : i32
        %dma_start3A_212 = arith.constant 0 : i32
        %dma_start3A_213 = tpu.memref_slice %arg2[%dma_start3A_211, %dma_start3A_212] : memref<10000x128xf32, #tpu.memory_space<hbm>> -> memref<10000x128xf32, #tpu.memory_space<hbm>>
        %dma_start3A_214 = tpu.memref_slice %arg12[%sub3A_203] : memref<2x!tpu.dma_semaphore, #tpu.memory_space<semaphore_mem>> -> memref<1x!tpu.dma_semaphore, #tpu.memory_space<semaphore_mem>>
        %dma_start3A_215 = tpu.memref_squeeze %dma_start3A_214 : memref<1x!tpu.dma_semaphore, #tpu.memory_space<semaphore_mem>> -> memref<!tpu.dma_semaphore, #tpu.memory_space<semaphore_mem>>
        tpu.enqueue_indirect_dma source(%dma_start3A_213 : memref<10000x128xf32, #tpu.memory_space<hbm>>) target(%dma_start3A_209 : memref<80x128xf32, #tpu.memory_space<vmem>>) offsets(%dma_start3A_210 : memref<80xi32, #tpu.memory_space<vmem>>) semaphore(%dma_start3A_215 : memref<!tpu.dma_semaphore, #tpu.memory_space<semaphore_mem>>)
      } else {
      }
      %mul3A_82 = arith.constant 80 : i32
      %mul3A_83 = arith.muli %scan3A_76, %mul3A_82 : i32
      %add3A_84 = arith.constant 0 : i32
      %add3A_85 = arith.addi %mul3A_83, %add3A_84 : i32
      %get3A = arith.index_cast %add3A_85 : i32 to index
      %get3A_86 = tpu.vector_load %arg7[%get3A] {strides = array<i32>} : memref<20000xi32, #tpu.memory_space<vmem>>, vector<16xi32>,
      %get3A_87 = vector.shape_cast %get3A_86 : vector<16xi32> to vector<16xi32>
      %sub3A = vector.broadcast %mul3A_0 : i32 to vector<16xi32>
      %sub3A_88 = arith.subi %get3A_87, %sub3A : vector<16xi32>
      %ge3A = arith.constant 0 : i32
      %ge3A_89 = vector.broadcast %ge3A : i32 to vector<16xi32>
      %ge3A_90 = arith.cmpi sge, %sub3A_88, %ge3A_89 : vector<16xi32>
      %lt3A_91 = arith.constant 5120 : i32
      %lt3A_92 = vector.broadcast %lt3A_91 : i32 to vector<16xi32>
      %lt3A_93 = arith.cmpi slt, %sub3A_88, %lt3A_92 : vector<16xi32>
      %and3A = arith.andi %ge3A_90, %lt3A_93 : vector<16xi1>
      %jit3A = arith.constant 5120 : i32
      %broadcast_in_dim3A = vector.broadcast %jit3A : i32 to vector<16xi32>
      %select_n3A = arith.select %and3A, %sub3A_88, %broadcast_in_dim3A : vector<16xi1>, vector<16xi32>
      %swap3A = arith.constant 0 : index
      %swap3A_94 = tpu.vector_load %arg8[%swap3A] {strides = array<i32>} : memref<80xi32, #tpu.memory_space<vmem>>, vector<16xi32>,
      %swap3A_95 = vector.shape_cast %swap3A_94 : vector<16xi32> to vector<16xi32>
      %swap3A_96 = vector.shape_cast %select_n3A : vector<16xi32> to vector<16xi32>
      tpu.vector_store %arg8[%swap3A], %swap3A_96 {strides = array<i32>} : memref<80xi32, #tpu.memory_space<vmem>>, vector<16xi32>,
      %mul3A_97 = arith.constant 80 : i32
      %mul3A_98 = arith.muli %scan3A_76, %mul3A_97 : i32
      %add3A_99 = arith.constant 16 : i32
      %add3A_100 = arith.addi %mul3A_98, %add3A_99 : i32
      %get3A_101 = arith.index_cast %add3A_100 : i32 to index
      %get3A_102 = tpu.vector_load %arg7[%get3A_101] {strides = array<i32>} : memref<20000xi32, #tpu.memory_space<vmem>>, vector<16xi32>,
      %get3A_103 = vector.shape_cast %get3A_102 : vector<16xi32> to vector<16xi32>
      %sub3A_104 = vector.broadcast %mul3A_0 : i32 to vector<16xi32>
      %sub3A_105 = arith.subi %get3A_103, %sub3A_104 : vector<16xi32>
      %ge3A_106 = arith.constant 0 : i32
      %ge3A_107 = vector.broadcast %ge3A_106 : i32 to vector<16xi32>
      %ge3A_108 = arith.cmpi sge, %sub3A_105, %ge3A_107 : vector<16xi32>
      %lt3A_109 = arith.constant 5120 : i32
      %lt3A_110 = vector.broadcast %lt3A_109 : i32 to vector<16xi32>
      %lt3A_111 = arith.cmpi slt, %sub3A_105, %lt3A_110 : vector<16xi32>
      %and3A_112 = arith.andi %ge3A_108, %lt3A_111 : vector<16xi1>
      %jit3A_113 = arith.constant 5120 : i32
      %broadcast_in_dim3A_114 = vector.broadcast %jit3A_113 : i32 to vector<16xi32>
      %select_n3A_115 = arith.select %and3A_112, %sub3A_105, %broadcast_in_dim3A_114 : vector<16xi1>, vector<16xi32>
      %swap3A_116 = arith.constant 16 : index
      %swap3A_117 = tpu.vector_load %arg8[%swap3A_116] {strides = array<i32>} : memref<80xi32, #tpu.memory_space<vmem>>, vector<16xi32>,
      %swap3A_118 = vector.shape_cast %swap3A_117 : vector<16xi32> to vector<16xi32>
      %swap3A_119 = vector.shape_cast %select_n3A_115 : vector<16xi32> to vector<16xi32>
      tpu.vector_store %arg8[%swap3A_116], %swap3A_119 {strides = array<i32>} : memref<80xi32, #tpu.memory_space<vmem>>, vector<16xi32>,
      %mul3A_120 = arith.constant 80 : i32
      %mul3A_121 = arith.muli %scan3A_76, %mul3A_120 : i32
      %add3A_122 = arith.constant 32 : i32
      %add3A_123 = arith.addi %mul3A_121, %add3A_122 : i32
      %get3A_124 = arith.index_cast %add3A_123 : i32 to index
      %get3A_125 = tpu.vector_load %arg7[%get3A_124] {strides = array<i32>} : memref<20000xi32, #tpu.memory_space<vmem>>, vector<16xi32>,
      %get3A_126 = vector.shape_cast %get3A_125 : vector<16xi32> to vector<16xi32>
      %sub3A_127 = vector.broadcast %mul3A_0 : i32 to vector<16xi32>
      %sub3A_128 = arith.subi %get3A_126, %sub3A_127 : vector<16xi32>
      %ge3A_129 = arith.constant 0 : i32
      %ge3A_130 = vector.broadcast %ge3A_129 : i32 to vector<16xi32>
      %ge3A_131 = arith.cmpi sge, %sub3A_128, %ge3A_130 : vector<16xi32>
      %lt3A_132 = arith.constant 5120 : i32
      %lt3A_133 = vector.broadcast %lt3A_132 : i32 to vector<16xi32>
      %lt3A_134 = arith.cmpi slt, %sub3A_128, %lt3A_133 : vector<16xi32>
      %and3A_135 = arith.andi %ge3A_131, %lt3A_134 : vector<16xi1>
      %jit3A_136 = arith.constant 5120 : i32
      %broadcast_in_dim3A_137 = vector.broadcast %jit3A_136 : i32 to vector<16xi32>
      %select_n3A_138 = arith.select %and3A_135, %sub3A_128, %broadcast_in_dim3A_137 : vector<16xi1>, vector<16xi32>
      %swap3A_139 = arith.constant 32 : index
      %swap3A_140 = tpu.vector_load %arg8[%swap3A_139] {strides = array<i32>} : memref<80xi32, #tpu.memory_space<vmem>>, vector<16xi32>,
      %swap3A_141 = vector.shape_cast %swap3A_140 : vector<16xi32> to vector<16xi32>
      %swap3A_142 = vector.shape_cast %select_n3A_138 : vector<16xi32> to vector<16xi32>
      tpu.vector_store %arg8[%swap3A_139], %swap3A_142 {strides = array<i32>} : memref<80xi32, #tpu.memory_space<vmem>>, vector<16xi32>,
      %mul3A_143 = arith.constant 80 : i32
      %mul3A_144 = arith.muli %scan3A_76, %mul3A_143 : i32
      %add3A_145 = arith.constant 48 : i32
      %add3A_146 = arith.addi %mul3A_144, %add3A_145 : i32
      %get3A_147 = arith.index_cast %add3A_146 : i32 to index
      %get3A_148 = tpu.vector_load %arg7[%get3A_147] {strides = array<i32>} : memref<20000xi32, #tpu.memory_space<vmem>>, vector<16xi32>,
      %get3A_149 = vector.shape_cast %get3A_148 : vector<16xi32> to vector<16xi32>
      %sub3A_150 = vector.broadcast %mul3A_0 : i32 to vector<16xi32>
      %sub3A_151 = arith.subi %get3A_149, %sub3A_150 : vector<16xi32>
      %ge3A_152 = arith.constant 0 : i32
      %ge3A_153 = vector.broadcast %ge3A_152 : i32 to vector<16xi32>
      %ge3A_154 = arith.cmpi sge, %sub3A_151, %ge3A_153 : vector<16xi32>
      %lt3A_155 = arith.constant 5120 : i32
      %lt3A_156 = vector.broadcast %lt3A_155 : i32 to vector<16xi32>
      %lt3A_157 = arith.cmpi slt, %sub3A_151, %lt3A_156 : vector<16xi32>
      %and3A_158 = arith.andi %ge3A_154, %lt3A_157 : vector<16xi1>
      %jit3A_159 = arith.constant 5120 : i32
      %broadcast_in_dim3A_160 = vector.broadcast %jit3A_159 : i32 to vector<16xi32>
      %select_n3A_161 = arith.select %and3A_158, %sub3A_151, %broadcast_in_dim3A_160 : vector<16xi1>, vector<16xi32>
      %swap3A_162 = arith.constant 48 : index
      %swap3A_163 = tpu.vector_load %arg8[%swap3A_162] {strides = array<i32>} : memref<80xi32, #tpu.memory_space<vmem>>, vector<16xi32>,
      %swap3A_164 = vector.shape_cast %swap3A_163 : vector<16xi32> to vector<16xi32>
      %swap3A_165 = vector.shape_cast %select_n3A_161 : vector<16xi32> to vector<16xi32>
      tpu.vector_store %arg8[%swap3A_162], %swap3A_165 {strides = array<i32>} : memref<80xi32, #tpu.memory_space<vmem>>, vector<16xi32>,
      %mul3A_166 = arith.constant 80 : i32
      %mul3A_167 = arith.muli %scan3A_76, %mul3A_166 : i32
      %add3A_168 = arith.constant 64 : i32
      %add3A_169 = arith.addi %mul3A_167, %add3A_168 : i32
      %get3A_170 = arith.index_cast %add3A_169 : i32 to index
      %get3A_171 = tpu.vector_load %arg7[%get3A_170] {strides = array<i32>} : memref<20000xi32, #tpu.memory_space<vmem>>, vector<16xi32>,
      %get3A_172 = vector.shape_cast %get3A_171 : vector<16xi32> to vector<16xi32>
      %sub3A_173 = vector.broadcast %mul3A_0 : i32 to vector<16xi32>
      %sub3A_174 = arith.subi %get3A_172, %sub3A_173 : vector<16xi32>
      %ge3A_175 = arith.constant 0 : i32
      %ge3A_176 = vector.broadcast %ge3A_175 : i32 to vector<16xi32>
      %ge3A_177 = arith.cmpi sge, %sub3A_174, %ge3A_176 : vector<16xi32>
      %lt3A_178 = arith.constant 5120 : i32
      %lt3A_179 = vector.broadcast %lt3A_178 : i32 to vector<16xi32>
      %lt3A_180 = arith.cmpi slt, %sub3A_174, %lt3A_179 : vector<16xi32>
      %and3A_181 = arith.andi %ge3A_177, %lt3A_180 : vector<16xi1>
      %jit3A_182 = arith.constant 5120 : i32
      %broadcast_in_dim3A_183 = vector.broadcast %jit3A_182 : i32 to vector<16xi32>
      %select_n3A_184 = arith.select %and3A_181, %sub3A_174, %broadcast_in_dim3A_183 : vector<16xi1>, vector<16xi32>
      %swap3A_185 = arith.constant 64 : index
      %swap3A_186 = tpu.vector_load %arg8[%swap3A_185] {strides = array<i32>} : memref<80xi32, #tpu.memory_space<vmem>>, vector<16xi32>,
      %swap3A_187 = vector.shape_cast %swap3A_186 : vector<16xi32> to vector<16xi32>
      %swap3A_188 = vector.shape_cast %select_n3A_184 : vector<16xi32> to vector<16xi32>
      tpu.vector_store %arg8[%swap3A_185], %swap3A_188 {strides = array<i32>} : memref<80xi32, #tpu.memory_space<vmem>>, vector<16xi32>,
      %mul3A_189 = arith.constant 80 : i32
      %mul3A_190 = arith.muli %scan3A_76, %mul3A_189 : i32
      %dma_wait3A = arith.constant 0 : i32
      %dma_wait3A_191 = arith.constant 0 : i32
      %dma_wait3A_192 = tpu.memref_slice %arg9[%rem3A_77, %dma_wait3A, %dma_wait3A_191] : memref<2x80x128xf32, #tpu.memory_space<vmem>> -> memref<1x80x128xf32, #tpu.memory_space<vmem>>
      %dma_wait3A_193 = tpu.memref_squeeze %dma_wait3A_192 : memref<1x80x128xf32, #tpu.memory_space<vmem>> -> memref<80x128xf32, #tpu.memory_space<vmem>>
      %dma_wait3A_194 = tpu.memref_slice %arg6[%mul3A_190] : memref<20000xi32, #tpu.memory_space<vmem>> -> memref<80xi32, #tpu.memory_space<vmem>>
      %dma_wait3A_195 = arith.constant 0 : i32
      %dma_wait3A_196 = arith.constant 0 : i32
      %dma_wait3A_197 = tpu.memref_slice %arg2[%dma_wait3A_195, %dma_wait3A_196] : memref<10000x128xf32, #tpu.memory_space<hbm>> -> memref<10000x128xf32, #tpu.memory_space<hbm>>
      %dma_wait3A_198 = tpu.memref_slice %arg12[%rem3A_77] : memref<2x!tpu.dma_semaphore, #tpu.memory_space<semaphore_mem>> -> memref<1x!tpu.dma_semaphore, #tpu.memory_space<semaphore_mem>>
      %dma_wait3A_199 = tpu.memref_squeeze %dma_wait3A_198 : memref<1x!tpu.dma_semaphore, #tpu.memory_space<semaphore_mem>> -> memref<!tpu.dma_semaphore, #tpu.memory_space<semaphore_mem>>
      tpu.wait_indirect_dma semaphore(%dma_wait3A_199 : memref<!tpu.dma_semaphore, #tpu.memory_space<semaphore_mem>>) src(%dma_wait3A_197 : memref<10000x128xf32, #tpu.memory_space<hbm>>) dst(%dma_wait3A_193 : memref<80x128xf32, #tpu.memory_space<vmem>>)
      "tpu.region"() ({
        %run_scoped3A = tpu.sem_alloc : memref<!tpu.dma_semaphore, #tpu.memory_space<semaphore_mem>>
        %dma_start3A_200 = arith.constant 0 : i32
        %dma_start3A_201 = arith.constant 0 : i32
        %dma_start3A_202 = tpu.memref_slice %arg9[%rem3A_77, %dma_start3A_200, %dma_start3A_201] : memref<2x80x128xf32, #tpu.memory_space<vmem>> -> memref<1x80x128xf32, #tpu.memory_space<vmem>>
        %dma_start3A_203 = tpu.memref_squeeze %dma_start3A_202 : memref<1x80x128xf32, #tpu.memory_space<vmem>> -> memref<80x128xf32, #tpu.memory_space<vmem>>
        %dma_start3A_204 = arith.constant 0 : i32
        %dma_start3A_205 = arith.constant 0 : i32
        %dma_start3A_206 = tpu.memref_slice %arg11[%dma_start3A_204, %dma_start3A_205] : memref<5128x128xf32, #tpu.memory_space<vmem_shared>> -> memref<5128x128xf32, #tpu.memory_space<vmem_shared>>
        tpu.enqueue_indirect_dma source(%dma_start3A_203 : memref<80x128xf32, #tpu.memory_space<vmem>>) target(%dma_start3A_206 : memref<5128x128xf32, #tpu.memory_space<vmem_shared>>) offsets(%arg8 : memref<80xi32, #tpu.memory_space<vmem>>) semaphore(%run_scoped3A : memref<!tpu.dma_semaphore, #tpu.memory_space<semaphore_mem>>) {add = true}
        %dma_wait3A_207 = arith.constant 0 : i32
        %dma_wait3A_208 = arith.constant 0 : i32
        %dma_wait3A_209 = tpu.memref_slice %arg9[%rem3A_77, %dma_wait3A_207, %dma_wait3A_208] : memref<2x80x128xf32, #tpu.memory_space<vmem>> -> memref<1x80x128xf32, #tpu.memory_space<vmem>>
        %dma_wait3A_210 = tpu.memref_squeeze %dma_wait3A_209 : memref<1x80x128xf32, #tpu.memory_space<vmem>> -> memref<80x128xf32, #tpu.memory_space<vmem>>
        %dma_wait3A_211 = arith.constant 0 : i32
        %dma_wait3A_212 = arith.constant 0 : i32
        %dma_wait3A_213 = tpu.memref_slice %arg11[%dma_wait3A_211, %dma_wait3A_212] : memref<5128x128xf32, #tpu.memory_space<vmem_shared>> -> memref<5128x128xf32, #tpu.memory_space<vmem_shared>>
        tpu.wait_indirect_dma semaphore(%run_scoped3A : memref<!tpu.dma_semaphore, #tpu.memory_space<semaphore_mem>>) src(%dma_wait3A_210 : memref<80x128xf32, #tpu.memory_space<vmem>>) dst(%dma_wait3A_213 : memref<5128x128xf32, #tpu.memory_space<vmem_shared>>)
        tpu.yield
      }) : () -> ()
    }
    %scan3A_42 = arith.constant 250 : i32
    %barrier3A_43 = arith.constant 0 : index
    tpu.barrier barrier_id(%barrier3A_43)
    %mul3A_44 = arith.constant 320 : i32
    %mul3A_45 = arith.muli %arg1, %mul3A_44 : i32
    %add3A_46 = arith.constant 0 : i32
    %add3A_47 = arith.addi %mul3A_45, %add3A_46 : i32
    "tpu.region"() ({
      %run_scoped3A = tpu.sem_alloc : memref<!tpu.dma_semaphore, #tpu.memory_space<semaphore_mem>>
      %dma_start3A_76 = arith.constant 0 : i32
      %dma_start3A_77 = tpu.memref_slice %arg11[%add3A_47, %dma_start3A_76] : memref<5128x128xf32, #tpu.memory_space<vmem_shared>> -> memref<80x128xf32, #tpu.memory_space<vmem_shared>>
      %dma_start3A_78 = arith.constant 0 : i32
      %dma_start3A_79 = tpu.memref_slice %arg11[%add3A_47, %dma_start3A_78] : memref<5128x128xf32, #tpu.memory_space<vmem_shared>> -> memref<80x128xf32, #tpu.memory_space<vmem_shared>>
      tpu.enqueue_dma source(%dma_start3A_79 : memref<80x128xf32, #tpu.memory_space<vmem_shared>>) target(%arg10 : memref<80x128xf32, #tpu.memory_space<vmem>>) target_semaphore(%run_scoped3A : memref<!tpu.dma_semaphore, #tpu.memory_space<semaphore_mem>>)
      %dma_wait3A = arith.constant 0 : i32
      %dma_wait3A_80 = tpu.memref_slice %arg11[%add3A_47, %dma_wait3A] : memref<5128x128xf32, #tpu.memory_space<vmem_shared>> -> memref<80x128xf32, #tpu.memory_space<vmem_shared>>
      %dma_wait3A_81 = arith.constant 0 : i32
      %dma_wait3A_82 = tpu.memref_slice %arg11[%add3A_47, %dma_wait3A_81] : memref<5128x128xf32, #tpu.memory_space<vmem_shared>> -> memref<80x128xf32, #tpu.memory_space<vmem_shared>>
      tpu.wait_dma2 semaphore(%run_scoped3A : memref<!tpu.dma_semaphore, #tpu.memory_space<semaphore_mem>>) src(%dma_wait3A_82 : memref<80x128xf32, #tpu.memory_space<vmem_shared>>) dst(%arg10 : memref<80x128xf32, #tpu.memory_space<vmem>>)
      tpu.yield
    }) : () -> ()
    %mul3A_48 = arith.constant 320 : i32
    %mul3A_49 = arith.muli %arg1, %mul3A_48 : i32
    %add3A_50 = arith.constant 0 : i32
    %add3A_51 = arith.addi %mul3A_49, %add3A_50 : i32
    "tpu.region"() ({
      %run_scoped3A = tpu.sem_alloc : memref<!tpu.dma_semaphore, #tpu.memory_space<semaphore_mem>>
      %dma_start3A_76 = arith.constant 0 : i32
      %dma_start3A_77 = tpu.memref_slice %arg5[%arg0, %add3A_51, %dma_start3A_76] : memref<2x5120x128xf32, #tpu.memory_space<hbm>> -> memref<1x80x128xf32, #tpu.memory_space<hbm>>
      %dma_start3A_78 = tpu.memref_squeeze %dma_start3A_77 : memref<1x80x128xf32, #tpu.memory_space<hbm>> -> memref<80x128xf32, #tpu.memory_space<hbm>>
      %dma_start3A_79 = arith.constant 0 : i32
      %dma_start3A_80 = tpu.memref_slice %arg5[%arg0, %add3A_51, %dma_start3A_79] : memref<2x5120x128xf32, #tpu.memory_space<hbm>> -> memref<1x80x128xf32, #tpu.memory_space<hbm>>
      %dma_start3A_81 = tpu.memref_squeeze %dma_start3A_80 : memref<1x80x128xf32, #tpu.memory_space<hbm>> -> memref<80x128xf32, #tpu.memory_space<hbm>>
      tpu.enqueue_dma source(%arg10 : memref<80x128xf32, #tpu.memory_space<vmem>>) target(%dma_start3A_81 : memref<80x128xf32, #tpu.memory_space<hbm>>) target_semaphore(%run_scoped3A : memref<!tpu.dma_semaphore, #tpu.memory_space<semaphore_mem>>)
      %dma_wait3A = arith.constant 0 : i32
      %dma_wait3A_82 = tpu.memref_slice %arg5[%arg0, %add3A_51, %dma_wait3A] : memref<2x5120x128xf32, #tpu.memory_space<hbm>> -> memref<1x80x128xf32, #tpu.memory_space<hbm>>
      %dma_wait3A_83 = tpu.memref_squeeze %dma_wait3A_82 : memref<1x80x128xf32, #tpu.memory_space<hbm>> -> memref<80x128xf32, #tpu.memory_space<hbm>>
      %dma_wait3A_84 = arith.constant 0 : i32
      %dma_wait3A_85 = tpu.memref_slice %arg5[%arg0, %add3A_51, %dma_wait3A_84] : memref<2x5120x128xf32, #tpu.memory_space<hbm>> -> memref<1x80x128xf32, #tpu.memory_space<hbm>>
      %dma_wait3A_86 = tpu.memref_squeeze %dma_wait3A_85 : memref<1x80x128xf32, #tpu.memory_space<hbm>> -> memref<80x128xf32, #tpu.memory_space<hbm>>
      tpu.wait_dma2 semaphore(%run_scoped3A : memref<!tpu.dma_semaphore, #tpu.memory_space<semaphore_mem>>) src(%arg10 : memref<80x128xf32, #tpu.memory_space<vmem>>) dst(%dma_wait3A_86 : memref<80x128xf32, #tpu.memory_space<hbm>>)
      tpu.yield
    }) : () -> ()
    %mul3A_52 = arith.constant 320 : i32
    %mul3A_53 = arith.muli %arg1, %mul3A_52 : i32
    %add3A_54 = arith.constant 80 : i32
    %add3A_55 = arith.addi %mul3A_53, %add3A_54 : i32
    "tpu.region"() ({
      %run_scoped3A = tpu.sem_alloc : memref<!tpu.dma_semaphore, #tpu.memory_space<semaphore_mem>>
      %dma_start3A_76 = arith.constant 0 : i32
      %dma_start3A_77 = tpu.memref_slice %arg11[%add3A_55, %dma_start3A_76] : memref<5128x128xf32, #tpu.memory_space<vmem_shared>> -> memref<80x128xf32, #tpu.memory_space<vmem_shared>>
      %dma_start3A_78 = arith.constant 0 : i32
      %dma_start3A_79 = tpu.memref_slice %arg11[%add3A_55, %dma_start3A_78] : memref<5128x128xf32, #tpu.memory_space<vmem_shared>> -> memref<80x128xf32, #tpu.memory_space<vmem_shared>>
      tpu.enqueue_dma source(%dma_start3A_79 : memref<80x128xf32, #tpu.memory_space<vmem_shared>>) target(%arg10 : memref<80x128xf32, #tpu.memory_space<vmem>>) target_semaphore(%run_scoped3A : memref<!tpu.dma_semaphore, #tpu.memory_space<semaphore_mem>>)
      %dma_wait3A = arith.constant 0 : i32
      %dma_wait3A_80 = tpu.memref_slice %arg11[%add3A_55, %dma_wait3A] : memref<5128x128xf32, #tpu.memory_space<vmem_shared>> -> memref<80x128xf32, #tpu.memory_space<vmem_shared>>
      %dma_wait3A_81 = arith.constant 0 : i32
      %dma_wait3A_82 = tpu.memref_slice %arg11[%add3A_55, %dma_wait3A_81] : memref<5128x128xf32, #tpu.memory_space<vmem_shared>> -> memref<80x128xf32, #tpu.memory_space<vmem_shared>>
      tpu.wait_dma2 semaphore(%run_scoped3A : memref<!tpu.dma_semaphore, #tpu.memory_space<semaphore_mem>>) src(%dma_wait3A_82 : memref<80x128xf32, #tpu.memory_space<vmem_shared>>) dst(%arg10 : memref<80x128xf32, #tpu.memory_space<vmem>>)
      tpu.yield
    }) : () -> ()
    %mul3A_56 = arith.constant 320 : i32
    %mul3A_57 = arith.muli %arg1, %mul3A_56 : i32
    %add3A_58 = arith.constant 80 : i32
    %add3A_59 = arith.addi %mul3A_57, %add3A_58 : i32
    "tpu.region"() ({
      %run_scoped3A = tpu.sem_alloc : memref<!tpu.dma_semaphore, #tpu.memory_space<semaphore_mem>>
      %dma_start3A_76 = arith.constant 0 : i32
      %dma_start3A_77 = tpu.memref_slice %arg5[%arg0, %add3A_59, %dma_start3A_76] : memref<2x5120x128xf32, #tpu.memory_space<hbm>> -> memref<1x80x128xf32, #tpu.memory_space<hbm>>
      %dma_start3A_78 = tpu.memref_squeeze %dma_start3A_77 : memref<1x80x128xf32, #tpu.memory_space<hbm>> -> memref<80x128xf32, #tpu.memory_space<hbm>>
      %dma_start3A_79 = arith.constant 0 : i32
      %dma_start3A_80 = tpu.memref_slice %arg5[%arg0, %add3A_59, %dma_start3A_79] : memref<2x5120x128xf32, #tpu.memory_space<hbm>> -> memref<1x80x128xf32, #tpu.memory_space<hbm>>
      %dma_start3A_81 = tpu.memref_squeeze %dma_start3A_80 : memref<1x80x128xf32, #tpu.memory_space<hbm>> -> memref<80x128xf32, #tpu.memory_space<hbm>>
      tpu.enqueue_dma source(%arg10 : memref<80x128xf32, #tpu.memory_space<vmem>>) target(%dma_start3A_81 : memref<80x128xf32, #tpu.memory_space<hbm>>) target_semaphore(%run_scoped3A : memref<!tpu.dma_semaphore, #tpu.memory_space<semaphore_mem>>)
      %dma_wait3A = arith.constant 0 : i32
      %dma_wait3A_82 = tpu.memref_slice %arg5[%arg0, %add3A_59, %dma_wait3A] : memref<2x5120x128xf32, #tpu.memory_space<hbm>> -> memref<1x80x128xf32, #tpu.memory_space<hbm>>
      %dma_wait3A_83 = tpu.memref_squeeze %dma_wait3A_82 : memref<1x80x128xf32, #tpu.memory_space<hbm>> -> memref<80x128xf32, #tpu.memory_space<hbm>>
      %dma_wait3A_84 = arith.constant 0 : i32
      %dma_wait3A_85 = tpu.memref_slice %arg5[%arg0, %add3A_59, %dma_wait3A_84] : memref<2x5120x128xf32, #tpu.memory_space<hbm>> -> memref<1x80x128xf32, #tpu.memory_space<hbm>>
      %dma_wait3A_86 = tpu.memref_squeeze %dma_wait3A_85 : memref<1x80x128xf32, #tpu.memory_space<hbm>> -> memref<80x128xf32, #tpu.memory_space<hbm>>
      tpu.wait_dma2 semaphore(%run_scoped3A : memref<!tpu.dma_semaphore, #tpu.memory_space<semaphore_mem>>) src(%arg10 : memref<80x128xf32, #tpu.memory_space<vmem>>) dst(%dma_wait3A_86 : memref<80x128xf32, #tpu.memory_space<hbm>>)
      tpu.yield
    }) : () -> ()
    %mul3A_60 = arith.constant 320 : i32
    %mul3A_61 = arith.muli %arg1, %mul3A_60 : i32
    %add3A_62 = arith.constant 160 : i32
    %add3A_63 = arith.addi %mul3A_61, %add3A_62 : i32
    "tpu.region"() ({
      %run_scoped3A = tpu.sem_alloc : memref<!tpu.dma_semaphore, #tpu.memory_space<semaphore_mem>>
      %dma_start3A_76 = arith.constant 0 : i32
      %dma_start3A_77 = tpu.memref_slice %arg11[%add3A_63, %dma_start3A_76] : memref<5128x128xf32, #tpu.memory_space<vmem_shared>> -> memref<80x128xf32, #tpu.memory_space<vmem_shared>>
      %dma_start3A_78 = arith.constant 0 : i32
      %dma_start3A_79 = tpu.memref_slice %arg11[%add3A_63, %dma_start3A_78] : memref<5128x128xf32, #tpu.memory_space<vmem_shared>> -> memref<80x128xf32, #tpu.memory_space<vmem_shared>>
      tpu.enqueue_dma source(%dma_start3A_79 : memref<80x128xf32, #tpu.memory_space<vmem_shared>>) target(%arg10 : memref<80x128xf32, #tpu.memory_space<vmem>>) target_semaphore(%run_scoped3A : memref<!tpu.dma_semaphore, #tpu.memory_space<semaphore_mem>>)
      %dma_wait3A = arith.constant 0 : i32
      %dma_wait3A_80 = tpu.memref_slice %arg11[%add3A_63, %dma_wait3A] : memref<5128x128xf32, #tpu.memory_space<vmem_shared>> -> memref<80x128xf32, #tpu.memory_space<vmem_shared>>
      %dma_wait3A_81 = arith.constant 0 : i32
      %dma_wait3A_82 = tpu.memref_slice %arg11[%add3A_63, %dma_wait3A_81] : memref<5128x128xf32, #tpu.memory_space<vmem_shared>> -> memref<80x128xf32, #tpu.memory_space<vmem_shared>>
      tpu.wait_dma2 semaphore(%run_scoped3A : memref<!tpu.dma_semaphore, #tpu.memory_space<semaphore_mem>>) src(%dma_wait3A_82 : memref<80x128xf32, #tpu.memory_space<vmem_shared>>) dst(%arg10 : memref<80x128xf32, #tpu.memory_space<vmem>>)
      tpu.yield
    }) : () -> ()
    %mul3A_64 = arith.constant 320 : i32
    %mul3A_65 = arith.muli %arg1, %mul3A_64 : i32
    %add3A_66 = arith.constant 160 : i32
    %add3A_67 = arith.addi %mul3A_65, %add3A_66 : i32
    "tpu.region"() ({
      %run_scoped3A = tpu.sem_alloc : memref<!tpu.dma_semaphore, #tpu.memory_space<semaphore_mem>>
      %dma_start3A_76 = arith.constant 0 : i32
      %dma_start3A_77 = tpu.memref_slice %arg5[%arg0, %add3A_67, %dma_start3A_76] : memref<2x5120x128xf32, #tpu.memory_space<hbm>> -> memref<1x80x128xf32, #tpu.memory_space<hbm>>
      %dma_start3A_78 = tpu.memref_squeeze %dma_start3A_77 : memref<1x80x128xf32, #tpu.memory_space<hbm>> -> memref<80x128xf32, #tpu.memory_space<hbm>>
      %dma_start3A_79 = arith.constant 0 : i32
      %dma_start3A_80 = tpu.memref_slice %arg5[%arg0, %add3A_67, %dma_start3A_79] : memref<2x5120x128xf32, #tpu.memory_space<hbm>> -> memref<1x80x128xf32, #tpu.memory_space<hbm>>
      %dma_start3A_81 = tpu.memref_squeeze %dma_start3A_80 : memref<1x80x128xf32, #tpu.memory_space<hbm>> -> memref<80x128xf32, #tpu.memory_space<hbm>>
      tpu.enqueue_dma source(%arg10 : memref<80x128xf32, #tpu.memory_space<vmem>>) target(%dma_start3A_81 : memref<80x128xf32, #tpu.memory_space<hbm>>) target_semaphore(%run_scoped3A : memref<!tpu.dma_semaphore, #tpu.memory_space<semaphore_mem>>)
      %dma_wait3A = arith.constant 0 : i32
      %dma_wait3A_82 = tpu.memref_slice %arg5[%arg0, %add3A_67, %dma_wait3A] : memref<2x5120x128xf32, #tpu.memory_space<hbm>> -> memref<1x80x128xf32, #tpu.memory_space<hbm>>
      %dma_wait3A_83 = tpu.memref_squeeze %dma_wait3A_82 : memref<1x80x128xf32, #tpu.memory_space<hbm>> -> memref<80x128xf32, #tpu.memory_space<hbm>>
      %dma_wait3A_84 = arith.constant 0 : i32
      %dma_wait3A_85 = tpu.memref_slice %arg5[%arg0, %add3A_67, %dma_wait3A_84] : memref<2x5120x128xf32, #tpu.memory_space<hbm>> -> memref<1x80x128xf32, #tpu.memory_space<hbm>>
      %dma_wait3A_86 = tpu.memref_squeeze %dma_wait3A_85 : memref<1x80x128xf32, #tpu.memory_space<hbm>> -> memref<80x128xf32, #tpu.memory_space<hbm>>
      tpu.wait_dma2 semaphore(%run_scoped3A : memref<!tpu.dma_semaphore, #tpu.memory_space<semaphore_mem>>) src(%arg10 : memref<80x128xf32, #tpu.memory_space<vmem>>) dst(%dma_wait3A_86 : memref<80x128xf32, #tpu.memory_space<hbm>>)
      tpu.yield
    }) : () -> ()
    %mul3A_68 = arith.constant 320 : i32
    %mul3A_69 = arith.muli %arg1, %mul3A_68 : i32
    %add3A_70 = arith.constant 240 : i32
    %add3A_71 = arith.addi %mul3A_69, %add3A_70 : i32
    "tpu.region"() ({
      %run_scoped3A = tpu.sem_alloc : memref<!tpu.dma_semaphore, #tpu.memory_space<semaphore_mem>>
      %dma_start3A_76 = arith.constant 0 : i32
      %dma_start3A_77 = tpu.memref_slice %arg11[%add3A_71, %dma_start3A_76] : memref<5128x128xf32, #tpu.memory_space<vmem_shared>> -> memref<80x128xf32, #tpu.memory_space<vmem_shared>>
      %dma_start3A_78 = arith.constant 0 : i32
      %dma_start3A_79 = tpu.memref_slice %arg11[%add3A_71, %dma_start3A_78] : memref<5128x128xf32, #tpu.memory_space<vmem_shared>> -> memref<80x128xf32, #tpu.memory_space<vmem_shared>>
      tpu.enqueue_dma source(%dma_start3A_79 : memref<80x128xf32, #tpu.memory_space<vmem_shared>>) target(%arg10 : memref<80x128xf32, #tpu.memory_space<vmem>>) target_semaphore(%run_scoped3A : memref<!tpu.dma_semaphore, #tpu.memory_space<semaphore_mem>>)
      %dma_wait3A = arith.constant 0 : i32
      %dma_wait3A_80 = tpu.memref_slice %arg11[%add3A_71, %dma_wait3A] : memref<5128x128xf32, #tpu.memory_space<vmem_shared>> -> memref<80x128xf32, #tpu.memory_space<vmem_shared>>
      %dma_wait3A_81 = arith.constant 0 : i32
      %dma_wait3A_82 = tpu.memref_slice %arg11[%add3A_71, %dma_wait3A_81] : memref<5128x128xf32, #tpu.memory_space<vmem_shared>> -> memref<80x128xf32, #tpu.memory_space<vmem_shared>>
      tpu.wait_dma2 semaphore(%run_scoped3A : memref<!tpu.dma_semaphore, #tpu.memory_space<semaphore_mem>>) src(%dma_wait3A_82 : memref<80x128xf32, #tpu.memory_space<vmem_shared>>) dst(%arg10 : memref<80x128xf32, #tpu.memory_space<vmem>>)
      tpu.yield
    }) : () -> ()
    %mul3A_72 = arith.constant 320 : i32
    %mul3A_73 = arith.muli %arg1, %mul3A_72 : i32
    %add3A_74 = arith.constant 240 : i32
    %add3A_75 = arith.addi %mul3A_73, %add3A_74 : i32
    "tpu.region"() ({
      %run_scoped3A = tpu.sem_alloc : memref<!tpu.dma_semaphore, #tpu.memory_space<semaphore_mem>>
      %dma_start3A_76 = arith.constant 0 : i32
      %dma_start3A_77 = tpu.memref_slice %arg5[%arg0, %add3A_75, %dma_start3A_76] : memref<2x5120x128xf32, #tpu.memory_space<hbm>> -> memref<1x80x128xf32, #tpu.memory_space<hbm>>
      %dma_start3A_78 = tpu.memref_squeeze %dma_start3A_77 : memref<1x80x128xf32, #tpu.memory_space<hbm>> -> memref<80x128xf32, #tpu.memory_space<hbm>>
      %dma_start3A_79 = arith.constant 0 : i32
      %dma_start3A_80 = tpu.memref_slice %arg5[%arg0, %add3A_75, %dma_start3A_79] : memref<2x5120x128xf32, #tpu.memory_space<hbm>> -> memref<1x80x128xf32, #tpu.memory_space<hbm>>
      %dma_start3A_81 = tpu.memref_squeeze %dma_start3A_80 : memref<1x80x128xf32, #tpu.memory_space<hbm>> -> memref<80x128xf32, #tpu.memory_space<hbm>>
      tpu.enqueue_dma source(%arg10 : memref<80x128xf32, #tpu.memory_space<vmem>>) target(%dma_start3A_81 : memref<80x128xf32, #tpu.memory_space<hbm>>) target_semaphore(%run_scoped3A : memref<!tpu.dma_semaphore, #tpu.memory_space<semaphore_mem>>)
      %dma_wait3A = arith.constant 0 : i32
      %dma_wait3A_82 = tpu.memref_slice %arg5[%arg0, %add3A_75, %dma_wait3A] : memref<2x5120x128xf32, #tpu.memory_space<hbm>> -> memref<1x80x128xf32, #tpu.memory_space<hbm>>
      %dma_wait3A_83 = tpu.memref_squeeze %dma_wait3A_82 : memref<1x80x128xf32, #tpu.memory_space<hbm>> -> memref<80x128xf32, #tpu.memory_space<hbm>>
      %dma_wait3A_84 = arith.constant 0 : i32
      %dma_wait3A_85 = tpu.memref_slice %arg5[%arg0, %add3A_75, %dma_wait3A_84] : memref<2x5120x128xf32, #tpu.memory_space<hbm>> -> memref<1x80x128xf32, #tpu.memory_space<hbm>>
      %dma_wait3A_86 = tpu.memref_squeeze %dma_wait3A_85 : memref<1x80x128xf32, #tpu.memory_space<hbm>> -> memref<80x128xf32, #tpu.memory_space<hbm>>
      tpu.wait_dma2 semaphore(%run_scoped3A : memref<!tpu.dma_semaphore, #tpu.memory_space<semaphore_mem>>) src(%arg10 : memref<80x128xf32, #tpu.memory_space<vmem>>) dst(%dma_wait3A_86 : memref<80x128xf32, #tpu.memory_space<hbm>>)
      tpu.yield
    }) : () -> ()
    return
  }
}

module attributes {stable_mosaic.version = 14 : i64} {
  func.func @_pre_body(%arg0: i32, %arg1: memref<2000x128xf32, #tpu.memory_space<vmem>>, %arg2: memref<2000x128xf32, #tpu.memory_space<vmem>>, %arg3: memref<1x128xf32, #tpu.memory_space<vmem>>, %arg4: memref<1x128xf32, #tpu.memory_space<vmem>>, %arg5: memref<1x128xf32, #tpu.memory_space<vmem>>, %arg6: memref<1x128xf32, #tpu.memory_space<vmem>>, %arg7: memref<128x128xf32, #tpu.memory_space<vmem>>, %arg8: memref<2000x128xf32, #tpu.memory_space<vmem>>) attributes {dimension_semantics = [#tpu.dimension_semantics<arbitrary>], iteration_bounds = array<i64: 5>, scalar_prefetch = 0 : i64, scratch_operands = 0 : i64, tpu.core_type = #tpu.core_type<tc>, window_params = [{transform_indices = @transform_0, window_bounds = array<i64: 2000, 128>}, {transform_indices = @transform_1, window_bounds = array<i64: 2000, 128>}, {pipeline_mode = #tpu.pipeline_mode<synchronous>, transform_indices = @transform_2, window_bounds = array<i64: 1, 128>}, {pipeline_mode = #tpu.pipeline_mode<synchronous>, transform_indices = @transform_3, window_bounds = array<i64: 1, 128>}, {pipeline_mode = #tpu.pipeline_mode<synchronous>, transform_indices = @transform_4, window_bounds = array<i64: 1, 128>}, {pipeline_mode = #tpu.pipeline_mode<synchronous>, transform_indices = @transform_5, window_bounds = array<i64: 1, 128>}, {pipeline_mode = #tpu.pipeline_mode<synchronous>, transform_indices = @transform_6, window_bounds = array<i64: 128, 128>}, {transform_indices = @transform_7, window_bounds = array<i64: 2000, 128>}]} {
    %get3A = arith.constant 0 : index
    %get3A_0 = arith.constant 0 : index
    %get3A_1 = vector.load %arg1[%get3A, %get3A_0] : memref<2000x128xf32, #tpu.memory_space<vmem>>, vector<2000x128xf32>
    %get3A_2 = arith.constant 0 : index
    %get3A_3 = arith.constant 0 : index
    %get3A_4 = vector.load %arg5[%get3A_2, %get3A_3] : memref<1x128xf32, #tpu.memory_space<vmem>>, vector<1x128xf32>
    %sub3A = vector.broadcast %get3A_4 : vector<1x128xf32> to vector<2000x128xf32>
    %sub3A_5 = arith.subf %get3A_1, %sub3A : vector<2000x128xf32>
    %get3A_6 = arith.constant 0 : index
    %get3A_7 = arith.constant 0 : index
    %get3A_8 = vector.load %arg6[%get3A_6, %get3A_7] : memref<1x128xf32, #tpu.memory_space<vmem>>, vector<1x128xf32>
    %add3A = arith.constant 9.99999974E-6 : f32
    %add3A_9 = vector.broadcast %add3A : f32 to vector<1x128xf32>
    %add3A_10 = arith.addf %get3A_8, %add3A_9 : vector<1x128xf32>
    %rsqrt3A = math.rsqrt %add3A_10 : vector<1x128xf32>
    %mul3A = vector.broadcast %rsqrt3A : vector<1x128xf32> to vector<2000x128xf32>
    %mul3A_11 = arith.mulf %sub3A_5, %mul3A : vector<2000x128xf32>
    %get3A_12 = arith.constant 0 : index
    %get3A_13 = arith.constant 0 : index
    %get3A_14 = vector.load %arg3[%get3A_12, %get3A_13] : memref<1x128xf32, #tpu.memory_space<vmem>>, vector<1x128xf32>
    %mul3A_15 = vector.broadcast %get3A_14 : vector<1x128xf32> to vector<2000x128xf32>
    %mul3A_16 = arith.mulf %mul3A_11, %mul3A_15 : vector<2000x128xf32>
    %get3A_17 = arith.constant 0 : index
    %get3A_18 = arith.constant 0 : index
    %get3A_19 = vector.load %arg4[%get3A_17, %get3A_18] : memref<1x128xf32, #tpu.memory_space<vmem>>, vector<1x128xf32>
    %add3A_20 = vector.broadcast %get3A_19 : vector<1x128xf32> to vector<2000x128xf32>
    %add3A_21 = arith.addf %mul3A_16, %add3A_20 : vector<2000x128xf32>
    %max3A = arith.constant 0.000000e+00 : f32
    %max3A_22 = vector.broadcast %max3A : f32 to vector<2000x128xf32>
    %max3A_23 = arith.maximumf %add3A_21, %max3A_22 : vector<2000x128xf32>
    %get3A_24 = arith.constant 0 : index
    %get3A_25 = arith.constant 0 : index
    %get3A_26 = vector.load %arg7[%get3A_24, %get3A_25] : memref<128x128xf32, #tpu.memory_space<vmem>>, vector<128x128xf32>
    %dot_general3A = arith.constant dense<0.000000e+00> : vector<2000x128xf32>
    %dot_general3A_27 = tpu.matmul %max3A_23, %get3A_26, %dot_general3A {dimension_numbers = #tpu.dot_dimension_numbers<[1], [0], [0], [1], [0, 0, 1, 1], [], []>, precision = #tpu.contract_precision<fp32>, transpose_lhs_hint = false} : vector<2000x128xf32>, vector<128x128xf32>, vector<2000x128xf32> -> vector<2000x128xf32>
    %get3A_28 = arith.constant 0 : index
    %get3A_29 = arith.constant 0 : index
    %get3A_30 = vector.load %arg2[%get3A_28, %get3A_29] : memref<2000x128xf32, #tpu.memory_space<vmem>>, vector<2000x1xf32>
    %add3A_31 = arith.constant 1.000000e+00 : f32
    %add3A_32 = vector.broadcast %add3A_31 : f32 to vector<2000x1xf32>
    %add3A_33 = arith.addf %get3A_30, %add3A_32 : vector<2000x1xf32>
    %rsqrt3A_34 = math.rsqrt %add3A_33 : vector<2000x1xf32>
    %mul3A_35 = vector.broadcast %rsqrt3A_34 : vector<2000x1xf32> to vector<2000x128xf32>
    %mul3A_36 = arith.mulf %dot_general3A_27, %mul3A_35 : vector<2000x128xf32>
    %swap3A = arith.constant 0 : index
    %swap3A_37 = arith.constant 0 : index
    %swap3A_38 = vector.load %arg8[%swap3A, %swap3A_37] : memref<2000x128xf32, #tpu.memory_space<vmem>>, vector<2000x128xf32>
    tpu.vector_store %arg8[%swap3A, %swap3A_37], %mul3A_36 {strides = array<i32>} : memref<2000x128xf32, #tpu.memory_space<vmem>>, vector<2000x128xf32>,
    return
  }
  func.func @transform_0(%arg0: i32) -> (i32, i32) {
    %c0_i32 = arith.constant 0 : i32
    %c0_i32_0 = arith.constant 0 : i32
    return %arg0, %c0_i32 : i32, i32
  }
  func.func @transform_1(%arg0: i32) -> (i32, i32) {
    %c0_i32 = arith.constant 0 : i32
    %c0_i32_0 = arith.constant 0 : i32
    return %arg0, %c0_i32 : i32, i32
  }
  func.func @transform_2(%arg0: i32) -> (i32, i32) {
    %c0_i32 = arith.constant 0 : i32
    %c0_i32_0 = arith.constant 0 : i32
    %c0_i32_1 = arith.constant 0 : i32
    return %c0_i32, %c0_i32_0 : i32, i32
  }
  func.func @transform_3(%arg0: i32) -> (i32, i32) {
    %c0_i32 = arith.constant 0 : i32
    %c0_i32_0 = arith.constant 0 : i32
    %c0_i32_1 = arith.constant 0 : i32
    return %c0_i32, %c0_i32_0 : i32, i32
  }
  func.func @transform_4(%arg0: i32) -> (i32, i32) {
    %c0_i32 = arith.constant 0 : i32
    %c0_i32_0 = arith.constant 0 : i32
    %c0_i32_1 = arith.constant 0 : i32
    return %c0_i32, %c0_i32_0 : i32, i32
  }
  func.func @transform_5(%arg0: i32) -> (i32, i32) {
    %c0_i32 = arith.constant 0 : i32
    %c0_i32_0 = arith.constant 0 : i32
    %c0_i32_1 = arith.constant 0 : i32
    return %c0_i32, %c0_i32_0 : i32, i32
  }
  func.func @transform_6(%arg0: i32) -> (i32, i32) {
    %c0_i32 = arith.constant 0 : i32
    %c0_i32_0 = arith.constant 0 : i32
    %c0_i32_1 = arith.constant 0 : i32
    return %c0_i32, %c0_i32_0 : i32, i32
  }
  func.func @transform_7(%arg0: i32) -> (i32, i32) {
    %c0_i32 = arith.constant 0 : i32
    %c0_i32_0 = arith.constant 0 : i32
    return %arg0, %c0_i32 : i32, i32
  }
}

module attributes {stable_mosaic.version = 14 : i64} {
  func.func @_mid_body(%arg0: i32, %arg1: memref<2000x128xf32, #tpu.memory_space<vmem>>, %arg2: memref<2000x128xf32, #tpu.memory_space<vmem>>, %arg3: memref<2000x128xf32, #tpu.memory_space<vmem>>, %arg4: memref<2000x128xf32, #tpu.memory_space<vmem>>, %arg5: memref<1x128xf32, #tpu.memory_space<vmem>>, %arg6: memref<1x128xf32, #tpu.memory_space<vmem>>, %arg7: memref<1x128xf32, #tpu.memory_space<vmem>>, %arg8: memref<1x128xf32, #tpu.memory_space<vmem>>, %arg9: memref<1x128xf32, #tpu.memory_space<vmem>>, %arg10: memref<128x128xf32, #tpu.memory_space<vmem>>, %arg11: memref<2000x128xf32, #tpu.memory_space<vmem>>, %arg12: memref<2000x128xf32, #tpu.memory_space<vmem>>) attributes {dimension_semantics = [#tpu.dimension_semantics<arbitrary>], iteration_bounds = array<i64: 5>, scalar_prefetch = 0 : i64, scratch_operands = 0 : i64, tpu.core_type = #tpu.core_type<tc>, window_params = [{transform_indices = @transform_0, window_bounds = array<i64: 2000, 128>}, {transform_indices = @transform_1, window_bounds = array<i64: 2000, 128>}, {transform_indices = @transform_2, window_bounds = array<i64: 2000, 128>}, {transform_indices = @transform_3, window_bounds = array<i64: 2000, 128>}, {pipeline_mode = #tpu.pipeline_mode<synchronous>, transform_indices = @transform_4, window_bounds = array<i64: 1, 128>}, {pipeline_mode = #tpu.pipeline_mode<synchronous>, transform_indices = @transform_5, window_bounds = array<i64: 1, 128>}, {pipeline_mode = #tpu.pipeline_mode<synchronous>, transform_indices = @transform_6, window_bounds = array<i64: 1, 128>}, {pipeline_mode = #tpu.pipeline_mode<synchronous>, transform_indices = @transform_7, window_bounds = array<i64: 1, 128>}, {pipeline_mode = #tpu.pipeline_mode<synchronous>, transform_indices = @transform_8, window_bounds = array<i64: 1, 128>}, {pipeline_mode = #tpu.pipeline_mode<synchronous>, transform_indices = @transform_9, window_bounds = array<i64: 128, 128>}, {transform_indices = @transform_10, window_bounds = array<i64: 2000, 128>}, {transform_indices = @transform_11, window_bounds = array<i64: 2000, 128>}]} {
    %get3A = arith.constant 0 : index
    %get3A_0 = arith.constant 0 : index
    %get3A_1 = vector.load %arg4[%get3A, %get3A_0] : memref<2000x128xf32, #tpu.memory_space<vmem>>, vector<2000x1xf32>
    %add3A = arith.constant 1.000000e+00 : f32
    %add3A_2 = vector.broadcast %add3A : f32 to vector<2000x1xf32>
    %add3A_3 = arith.addf %get3A_1, %add3A_2 : vector<2000x1xf32>
    %rsqrt3A = math.rsqrt %add3A_3 : vector<2000x1xf32>
    %get3A_4 = arith.constant 0 : index
    %get3A_5 = arith.constant 0 : index
    %get3A_6 = vector.load %arg1[%get3A_4, %get3A_5] : memref<2000x128xf32, #tpu.memory_space<vmem>>, vector<2000x128xf32>
    %get3A_7 = arith.constant 0 : index
    %get3A_8 = arith.constant 0 : index
    %get3A_9 = vector.load %arg2[%get3A_7, %get3A_8] : memref<2000x128xf32, #tpu.memory_space<vmem>>, vector<2000x128xf32>
    %get3A_10 = arith.constant 0 : index
    %get3A_11 = arith.constant 0 : index
    %get3A_12 = vector.load %arg3[%get3A_10, %get3A_11] : memref<2000x128xf32, #tpu.memory_space<vmem>>, vector<2000x128xf32>
    %add3A_13 = arith.addf %get3A_9, %get3A_12 : vector<2000x128xf32>
    %mul3A = vector.broadcast %rsqrt3A : vector<2000x1xf32> to vector<2000x128xf32>
    %mul3A_14 = arith.mulf %mul3A, %add3A_13 : vector<2000x128xf32>
    %add3A_15 = arith.addf %get3A_6, %mul3A_14 : vector<2000x128xf32>
    %get3A_16 = arith.constant 0 : index
    %get3A_17 = arith.constant 0 : index
    %get3A_18 = vector.load %arg5[%get3A_16, %get3A_17] : memref<1x128xf32, #tpu.memory_space<vmem>>, vector<1x128xf32>
    %add3A_19 = vector.broadcast %get3A_18 : vector<1x128xf32> to vector<2000x128xf32>
    %add3A_20 = arith.addf %add3A_15, %add3A_19 : vector<2000x128xf32>
    %swap3A = arith.constant 0 : index
    %swap3A_21 = arith.constant 0 : index
    %swap3A_22 = vector.load %arg11[%swap3A, %swap3A_21] : memref<2000x128xf32, #tpu.memory_space<vmem>>, vector<2000x128xf32>
    tpu.vector_store %arg11[%swap3A, %swap3A_21], %add3A_20 {strides = array<i32>} : memref<2000x128xf32, #tpu.memory_space<vmem>>, vector<2000x128xf32>,
    %get3A_23 = arith.constant 0 : index
    %get3A_24 = arith.constant 0 : index
    %get3A_25 = vector.load %arg8[%get3A_23, %get3A_24] : memref<1x128xf32, #tpu.memory_space<vmem>>, vector<1x128xf32>
    %sub3A = vector.broadcast %get3A_25 : vector<1x128xf32> to vector<2000x128xf32>
    %sub3A_26 = arith.subf %add3A_20, %sub3A : vector<2000x128xf32>
    %get3A_27 = arith.constant 0 : index
    %get3A_28 = arith.constant 0 : index
    %get3A_29 = vector.load %arg9[%get3A_27, %get3A_28] : memref<1x128xf32, #tpu.memory_space<vmem>>, vector<1x128xf32>
    %add3A_30 = arith.constant 9.99999974E-6 : f32
    %add3A_31 = vector.broadcast %add3A_30 : f32 to vector<1x128xf32>
    %add3A_32 = arith.addf %get3A_29, %add3A_31 : vector<1x128xf32>
    %rsqrt3A_33 = math.rsqrt %add3A_32 : vector<1x128xf32>
    %mul3A_34 = vector.broadcast %rsqrt3A_33 : vector<1x128xf32> to vector<2000x128xf32>
    %mul3A_35 = arith.mulf %sub3A_26, %mul3A_34 : vector<2000x128xf32>
    %get3A_36 = arith.constant 0 : index
    %get3A_37 = arith.constant 0 : index
    %get3A_38 = vector.load %arg6[%get3A_36, %get3A_37] : memref<1x128xf32, #tpu.memory_space<vmem>>, vector<1x128xf32>
    %mul3A_39 = vector.broadcast %get3A_38 : vector<1x128xf32> to vector<2000x128xf32>
    %mul3A_40 = arith.mulf %mul3A_35, %mul3A_39 : vector<2000x128xf32>
    %get3A_41 = arith.constant 0 : index
    %get3A_42 = arith.constant 0 : index
    %get3A_43 = vector.load %arg7[%get3A_41, %get3A_42] : memref<1x128xf32, #tpu.memory_space<vmem>>, vector<1x128xf32>
    %add3A_44 = vector.broadcast %get3A_43 : vector<1x128xf32> to vector<2000x128xf32>
    %add3A_45 = arith.addf %mul3A_40, %add3A_44 : vector<2000x128xf32>
    %max3A = arith.constant 0.000000e+00 : f32
    %max3A_46 = vector.broadcast %max3A : f32 to vector<2000x128xf32>
    %max3A_47 = arith.maximumf %add3A_45, %max3A_46 : vector<2000x128xf32>
    %get3A_48 = arith.constant 0 : index
    %get3A_49 = arith.constant 0 : index
    %get3A_50 = vector.load %arg10[%get3A_48, %get3A_49] : memref<128x128xf32, #tpu.memory_space<vmem>>, vector<128x128xf32>
    %dot_general3A = arith.constant dense<0.000000e+00> : vector<2000x128xf32>
    %dot_general3A_51 = tpu.matmul %max3A_47, %get3A_50, %dot_general3A {dimension_numbers = #tpu.dot_dimension_numbers<[1], [0], [0], [1], [0, 0, 1, 1], [], []>, precision = #tpu.contract_precision<fp32>, transpose_lhs_hint = false} : vector<2000x128xf32>, vector<128x128xf32>, vector<2000x128xf32> -> vector<2000x128xf32>
    %mul3A_52 = vector.broadcast %rsqrt3A : vector<2000x1xf32> to vector<2000x128xf32>
    %mul3A_53 = arith.mulf %dot_general3A_51, %mul3A_52 : vector<2000x128xf32>
    %swap3A_54 = arith.constant 0 : index
    %swap3A_55 = arith.constant 0 : index
    %swap3A_56 = vector.load %arg12[%swap3A_54, %swap3A_55] : memref<2000x128xf32, #tpu.memory_space<vmem>>, vector<2000x128xf32>
    tpu.vector_store %arg12[%swap3A_54, %swap3A_55], %mul3A_53 {strides = array<i32>} : memref<2000x128xf32, #tpu.memory_space<vmem>>, vector<2000x128xf32>,
    return
  }
  func.func @transform_0(%arg0: i32) -> (i32, i32) {
    %c0_i32 = arith.constant 0 : i32
    %c0_i32_0 = arith.constant 0 : i32
    return %arg0, %c0_i32 : i32, i32
  }
  func.func @transform_1(%arg0: i32) -> (i32, i32) {
    %c0_i32 = arith.constant 0 : i32
    %c0_i32_0 = arith.constant 0 : i32
    return %arg0, %c0_i32 : i32, i32
  }
  func.func @transform_2(%arg0: i32) -> (i32, i32) {
    %c0_i32 = arith.constant 0 : i32
    %c0_i32_0 = arith.constant 0 : i32
    return %arg0, %c0_i32 : i32, i32
  }
  func.func @transform_3(%arg0: i32) -> (i32, i32) {
    %c0_i32 = arith.constant 0 : i32
    %c0_i32_0 = arith.constant 0 : i32
    return %arg0, %c0_i32 : i32, i32
  }
  func.func @transform_4(%arg0: i32) -> (i32, i32) {
    %c0_i32 = arith.constant 0 : i32
    %c0_i32_0 = arith.constant 0 : i32
    %c0_i32_1 = arith.constant 0 : i32
    return %c0_i32, %c0_i32_0 : i32, i32
  }
  func.func @transform_5(%arg0: i32) -> (i32, i32) {
    %c0_i32 = arith.constant 0 : i32
    %c0_i32_0 = arith.constant 0 : i32
    %c0_i32_1 = arith.constant 0 : i32
    return %c0_i32, %c0_i32_0 : i32, i32
  }
  func.func @transform_6(%arg0: i32) -> (i32, i32) {
    %c0_i32 = arith.constant 0 : i32
    %c0_i32_0 = arith.constant 0 : i32
    %c0_i32_1 = arith.constant 0 : i32
    return %c0_i32, %c0_i32_0 : i32, i32
  }
  func.func @transform_7(%arg0: i32) -> (i32, i32) {
    %c0_i32 = arith.constant 0 : i32
    %c0_i32_0 = arith.constant 0 : i32
    %c0_i32_1 = arith.constant 0 : i32
    return %c0_i32, %c0_i32_0 : i32, i32
  }
  func.func @transform_8(%arg0: i32) -> (i32, i32) {
    %c0_i32 = arith.constant 0 : i32
    %c0_i32_0 = arith.constant 0 : i32
    %c0_i32_1 = arith.constant 0 : i32
    return %c0_i32, %c0_i32_0 : i32, i32
  }
  func.func @transform_9(%arg0: i32) -> (i32, i32) {
    %c0_i32 = arith.constant 0 : i32
    %c0_i32_0 = arith.constant 0 : i32
    %c0_i32_1 = arith.constant 0 : i32
    return %c0_i32, %c0_i32_0 : i32, i32
  }
  func.func @transform_10(%arg0: i32) -> (i32, i32) {
    %c0_i32 = arith.constant 0 : i32
    %c0_i32_0 = arith.constant 0 : i32
    return %arg0, %c0_i32 : i32, i32
  }
  func.func @transform_11(%arg0: i32) -> (i32, i32) {
    %c0_i32 = arith.constant 0 : i32
    %c0_i32_0 = arith.constant 0 : i32
    return %arg0, %c0_i32 : i32, i32
  }
}

module attributes {stable_mosaic.version = 14 : i64} {
  func.func @_post_body(%arg0: i32, %arg1: memref<2000x128xf32, #tpu.memory_space<vmem>>, %arg2: memref<2000x128xf32, #tpu.memory_space<vmem>>, %arg3: memref<2000x128xf32, #tpu.memory_space<vmem>>, %arg4: memref<2000x128xf32, #tpu.memory_space<vmem>>, %arg5: memref<1x128xf32, #tpu.memory_space<vmem>>, %arg6: memref<128x128xf32, #tpu.memory_space<vmem>>, %arg7: memref<1x128xf32, #tpu.memory_space<vmem>>, %arg8: memref<2000x128xf32, #tpu.memory_space<vmem>>) attributes {dimension_semantics = [#tpu.dimension_semantics<arbitrary>], iteration_bounds = array<i64: 5>, scalar_prefetch = 0 : i64, scratch_operands = 0 : i64, tpu.core_type = #tpu.core_type<tc>, window_params = [{transform_indices = @transform_0, window_bounds = array<i64: 2000, 128>}, {transform_indices = @transform_1, window_bounds = array<i64: 2000, 128>}, {transform_indices = @transform_2, window_bounds = array<i64: 2000, 128>}, {transform_indices = @transform_3, window_bounds = array<i64: 2000, 128>}, {pipeline_mode = #tpu.pipeline_mode<synchronous>, transform_indices = @transform_4, window_bounds = array<i64: 1, 128>}, {pipeline_mode = #tpu.pipeline_mode<synchronous>, transform_indices = @transform_5, window_bounds = array<i64: 128, 128>}, {pipeline_mode = #tpu.pipeline_mode<synchronous>, transform_indices = @transform_6, window_bounds = array<i64: 1, 128>}, {transform_indices = @transform_7, window_bounds = array<i64: 2000, 128>}]} {
    %get3A = arith.constant 0 : index
    %get3A_0 = arith.constant 0 : index
    %get3A_1 = vector.load %arg4[%get3A, %get3A_0] : memref<2000x128xf32, #tpu.memory_space<vmem>>, vector<2000x1xf32>
    %add3A = arith.constant 1.000000e+00 : f32
    %add3A_2 = vector.broadcast %add3A : f32 to vector<2000x1xf32>
    %add3A_3 = arith.addf %get3A_1, %add3A_2 : vector<2000x1xf32>
    %rsqrt3A = math.rsqrt %add3A_3 : vector<2000x1xf32>
    %get3A_4 = arith.constant 0 : index
    %get3A_5 = arith.constant 0 : index
    %get3A_6 = vector.load %arg1[%get3A_4, %get3A_5] : memref<2000x128xf32, #tpu.memory_space<vmem>>, vector<2000x128xf32>
    %get3A_7 = arith.constant 0 : index
    %get3A_8 = arith.constant 0 : index
    %get3A_9 = vector.load %arg2[%get3A_7, %get3A_8] : memref<2000x128xf32, #tpu.memory_space<vmem>>, vector<2000x128xf32>
    %get3A_10 = arith.constant 0 : index
    %get3A_11 = arith.constant 0 : index
    %get3A_12 = vector.load %arg3[%get3A_10, %get3A_11] : memref<2000x128xf32, #tpu.memory_space<vmem>>, vector<2000x128xf32>
    %add3A_13 = arith.addf %get3A_9, %get3A_12 : vector<2000x128xf32>
    %mul3A = vector.broadcast %rsqrt3A : vector<2000x1xf32> to vector<2000x128xf32>
    %mul3A_14 = arith.mulf %mul3A, %add3A_13 : vector<2000x128xf32>
    %add3A_15 = arith.addf %get3A_6, %mul3A_14 : vector<2000x128xf32>
    %get3A_16 = arith.constant 0 : index
    %get3A_17 = arith.constant 0 : index
    %get3A_18 = vector.load %arg5[%get3A_16, %get3A_17] : memref<1x128xf32, #tpu.memory_space<vmem>>, vector<1x128xf32>
    %add3A_19 = vector.broadcast %get3A_18 : vector<1x128xf32> to vector<2000x128xf32>
    %add3A_20 = arith.addf %add3A_15, %add3A_19 : vector<2000x128xf32>
    %get3A_21 = arith.constant 0 : index
    %get3A_22 = arith.constant 0 : index
    %get3A_23 = vector.load %arg6[%get3A_21, %get3A_22] : memref<128x128xf32, #tpu.memory_space<vmem>>, vector<128x128xf32>
    %dot_general3A = arith.constant dense<0.000000e+00> : vector<2000x128xf32>
    %dot_general3A_24 = tpu.matmul %add3A_20, %get3A_23, %dot_general3A {dimension_numbers = #tpu.dot_dimension_numbers<[1], [0], [0], [1], [0, 0, 1, 1], [], []>, precision = #tpu.contract_precision<fp32>, transpose_lhs_hint = false} : vector<2000x128xf32>, vector<128x128xf32>, vector<2000x128xf32> -> vector<2000x128xf32>
    %get3A_25 = arith.constant 0 : index
    %get3A_26 = arith.constant 0 : index
    %get3A_27 = vector.load %arg7[%get3A_25, %get3A_26] : memref<1x128xf32, #tpu.memory_space<vmem>>, vector<1x128xf32>
    %add3A_28 = vector.broadcast %get3A_27 : vector<1x128xf32> to vector<2000x128xf32>
    %add3A_29 = arith.addf %dot_general3A_24, %add3A_28 : vector<2000x128xf32>
    %swap3A = arith.constant 0 : index
    %swap3A_30 = arith.constant 0 : index
    %swap3A_31 = vector.load %arg8[%swap3A, %swap3A_30] : memref<2000x128xf32, #tpu.memory_space<vmem>>, vector<2000x128xf32>
    tpu.vector_store %arg8[%swap3A, %swap3A_30], %add3A_29 {strides = array<i32>} : memref<2000x128xf32, #tpu.memory_space<vmem>>, vector<2000x128xf32>,
    return
  }
  func.func @transform_0(%arg0: i32) -> (i32, i32) {
    %c0_i32 = arith.constant 0 : i32
    %c0_i32_0 = arith.constant 0 : i32
    return %arg0, %c0_i32 : i32, i32
  }
  func.func @transform_1(%arg0: i32) -> (i32, i32) {
    %c0_i32 = arith.constant 0 : i32
    %c0_i32_0 = arith.constant 0 : i32
    return %arg0, %c0_i32 : i32, i32
  }
  func.func @transform_2(%arg0: i32) -> (i32, i32) {
    %c0_i32 = arith.constant 0 : i32
    %c0_i32_0 = arith.constant 0 : i32
    return %arg0, %c0_i32 : i32, i32
  }
  func.func @transform_3(%arg0: i32) -> (i32, i32) {
    %c0_i32 = arith.constant 0 : i32
    %c0_i32_0 = arith.constant 0 : i32
    return %arg0, %c0_i32 : i32, i32
  }
  func.func @transform_4(%arg0: i32) -> (i32, i32) {
    %c0_i32 = arith.constant 0 : i32
    %c0_i32_0 = arith.constant 0 : i32
    %c0_i32_1 = arith.constant 0 : i32
    return %c0_i32, %c0_i32_0 : i32, i32
  }
  func.func @transform_5(%arg0: i32) -> (i32, i32) {
    %c0_i32 = arith.constant 0 : i32
    %c0_i32_0 = arith.constant 0 : i32
    %c0_i32_1 = arith.constant 0 : i32
    return %c0_i32, %c0_i32_0 : i32, i32
  }
  func.func @transform_6(%arg0: i32) -> (i32, i32) {
    %c0_i32 = arith.constant 0 : i32
    %c0_i32_0 = arith.constant 0 : i32
    %c0_i32_1 = arith.constant 0 : i32
    return %c0_i32, %c0_i32_0 : i32, i32
  }
  func.func @transform_7(%arg0: i32) -> (i32, i32) {
    %c0_i32 = arith.constant 0 : i32
    %c0_i32_0 = arith.constant 0 : i32
    return %arg0, %c0_i32 : i32, i32
  }
}

</mosaic_0001>

<sc_bundles>
// kernel: kernel.11.cloned.1.call-start
scs
__scs_entry_jumppad:
0x0: {  	(pc) =	sbr.rel $0x88, $3  }
0x1: {  	(tag) =	ssettag $0x0;
	lr =	simm.s32 $0x1  }
0x2: {  	[smem:$0x3F91] =	sst lr;
	_ =	strace $0xD0000000  }
0x3: {  	_ = 	snop  }
0x4: {  	_ = 	snop  }
0x5: {  	_ = 	snop  }
0x6: {  	_ = 	snop  }
0x7: {  	_ = 	snop  }
__scs_overlays_trampoline_lowered:
0x8: {  	[smem:$0x3FA0] =	sst s0  }
0x9: {  	[smem:$0x3FA1] =	sst s1  }
0xa: {  	[smem:$0x3FA2] =	sst s2  }
0xb: {  	[smem:$0x3FA3] =	sst s3  }
0xc: {  	[smem:$0x3FA4] =	sst s4  }
0xd: {  	[smem:$0x3FA5] =	sst s5  }
0xe: {  	[smem:$0x3FA6] =	sst s6  }
0xf: {  	[smem:$0x3FA7] =	sst s7  }
0x10: {  	[smem:$0x3FA8] =	sst s8  }
0x11: {  	[smem:$0x3FA9] =	sst s9;
	s0 =	simm.s32 @!p0 $0x0  }
0x12: {  	s1 =	sld [smem:$0x3F8F];
	s0 =	simm.s32 @p0 $0x1  }
0x13: {  	[smem:$0x3FAA] =	sst s0;
	s0 =	simm.s32 @!p1 $0x0  }
0x14: {  	s2 =	sld [smem:$0x3F8E];
	s0 =	simm.s32 @p1 $0x1  }
0x15: {  	[smem:$0x3FAB] =	sst s0;
	s0 =	simm.s32 @!p2 $0x0  }
0x16: {  	s3 =	sld [smem:$0x3FDB];
	s0 =	simm.s32 @p2 $0x1  }
0x17: {  	s4 =	simm.s32 $0x1BF5;
	[smem:$0x3FAD] =	sst s0  }
0x18: {  	s0 =	sld [smem:$0x3F90];
	_ =	swait.ge [sflag:s4], $0x0  }
0x19: {  	s7 =	sld [smem:$0x3F91]  }
0x1a: {  	s8 =	sadd.s32 $0xFFFFE003, lr  }
0x1b: {  	s9 =	sadd.s32 $0xFFFFFEF7, lr;
	s5 =	simm.s32 $0xFFFFFFFF;
	p2 =	slt.u32 s8, $0xFFFFF086  }
0x1c: {  	p1 =	slt.u32 s9, $0xF7A;
	s5 =	simm.s32 @!p2 $0x0  }
0x1d: {  	s5 =	simm.s32 @p1 $0x1;
	p0 =	seq.s32 s7, s2  }
0x1e: {  	s7 =	smul.u32 @!p0 $0xF7A, s2;
	p2 =	seq.s32 @!p0 s5, $0x0  }
0x1f: {  	s9 =	smul.u32 $0xF7A, s1;
	s8 =	simm.s32 @!p0 $0x1BF5;
	p2 =	por !p2, p0  }
0x20: {  	[sflag:s8] =	ssyncset.s32 @!p0 $0xFFFFF086;
	s6 =	sadd.s32 @!p0 s3, s7;
	s7 =	simm.s32 @!p0 $0x108  }
0x21: {  	s3 =	sadd.s32 s3, s9;
	s6 =	sadd.s32 @!p0 $0x88, s6;
	s7 =	simm.s32 @p2 $0x1082  }
0x22: {  	[simem:s7], [sflag:s8] =	dma.local @!p0 [hbm:s6], $0xF7A  }
0x23: {  	s9 =	sor.u32 $0xD0000000, s2;
	s6 =	simm.s32 $0x108;
	_ =	swait.ge @!p0 [sflag:s8], $0x0  }
0x24: {  	s3 =	sadd.s32 $0x88, s3;
	s6 =	simm.s32 @!p1 $0x1082;
	[sflag:s4] =	ssyncset.s32 $0xFFFFF086  }
0x25: {  	[simem:s6], [sflag:s4] =	dma.local [hbm:s3], $0xF7A  }
0x26: {  	[smem:$0x3F91] =	sst s1;
	(tag) =	ssettag s2;
	_ =	strace s9  }
0x27: {  	s1 =	sld [smem:$0x3FA1]  }
0x28: {  	s2 =	sld [smem:$0x3FA2]  }
0x29: {  	s4 =	sld [smem:$0x3FA4]  }
0x2a: {  	p0 =	seq.s32 s5, $0x0;
	s5 =	sld [smem:$0x3FA5]  }
0x2b: {  	s6 =	sld [smem:$0x3FA6]  }
0x2c: {  	s7 =	sld [smem:$0x3FA7]  }
0x2d: {  	s3 =	simm.s32 $0x108;
	s8 =	sld [smem:$0x3FA8]  }
0x2e: {  	s3 =	simm.s32 @!p0 $0x1082;
	s9 =	sld [smem:$0x3FA9]  }
0x2f: {  	lr =	sadd.s32 s0, s3;
	s0 =	sld [smem:$0x3FA0]  }
0x30: {  	s3 =	sld [smem:$0x3FA3]  }
0x31: {  	[smem:$0x3FAC] =	sst s10  }
0x32: {  	s10 =	sld [smem:$0x3FAA];
	_ =	sdelay $0x3  }
0x33: {  	p0 =	seq.s32 s10, $0x1;
	s10 =	sld [smem:$0x3FAC];
	_ =	sdelay $0x3  }
0x34: {  	[smem:$0x3FAC] =	sst s10  }
0x35: {  	s10 =	sld [smem:$0x3FAB];
	_ =	sdelay $0x3  }
0x36: {  	p1 =	seq.s32 s10, $0x1;
	s10 =	sld [smem:$0x3FAC];
	_ =	sdelay $0x3  }
0x37: {  	[smem:$0x3FAC] =	sst s10  }
0x38: {  	s10 =	sld [smem:$0x3FAD]  }
0x39: {  	_ = 	snop;
	(pc) =	sbr.ind lr, $3  }
0x3a: {  	_ = 	snop  }
0x3b: {  	_ = 	snop  }
0x3c: {  	p2 =	seq.s32 s10, $0x1;
	s10 =	sld [smem:$0x3FAC]  }
0x3d: {  	_ =	shalt  }
0x3e: {  	_ =	shalt  }
0x3f: {  	_ =	shalt  }
0x40: {  	_ =	shalt  }
0x41: {  	_ =	shalt  }
0x42: {  	_ =	shalt  }
0x43: {  	_ =	shalt  }
0x44: {  	_ =	shalt  }
0x45: {  	_ =	shalt  }
0x46: {  	_ =	shalt  }
0x47: {  	_ =	shalt  }
0x48: {  	_ =	shalt  }
0x49: {  	_ =	shalt  }
0x4a: {  	_ =	shalt  }
0x4b: {  	_ =	shalt  }
0x4c: {  	_ =	shalt  }
0x4d: {  	_ =	shalt  }
0x4e: {  	_ =	shalt  }
0x4f: {  	_ =	shalt  }
0x50: {  	_ =	shalt  }
0x51: {  	_ =	shalt  }
0x52: {  	_ =	shalt  }
0x53: {  	_ =	shalt  }
0x54: {  	_ =	shalt  }
0x55: {  	_ =	shalt  }
0x56: {  	_ =	shalt  }
0x57: {  	_ =	shalt  }
0x58: {  	_ =	shalt  }
0x59: {  	_ =	shalt  }
0x5a: {  	_ =	shalt  }
0x5b: {  	_ =	shalt  }
0x5c: {  	_ =	shalt  }
0x5d: {  	_ =	shalt  }
0x5e: {  	_ =	shalt  }
0x5f: {  	_ =	shalt  }
0x60: {  	_ =	shalt  }
0x61: {  	_ =	shalt  }
0x62: {  	_ =	shalt  }
0x63: {  	_ =	shalt  }
0x64: {  	_ =	shalt  }
0x65: {  	_ =	shalt  }
0x66: {  	_ =	shalt  }
0x67: {  	_ =	shalt  }
0x68: {  	_ =	shalt  }
0x69: {  	_ =	shalt  }
0x6a: {  	_ =	shalt  }
0x6b: {  	_ =	shalt  }
0x6c: {  	_ =	shalt  }
0x6d: {  	_ =	shalt  }
0x6e: {  	_ =	shalt  }
0x6f: {  	_ =	shalt  }
0x70: {  	_ =	shalt  }
0x71: {  	_ =	shalt  }
0x72: {  	_ =	shalt  }
0x73: {  	_ =	shalt  }
0x74: {  	_ =	shalt  }
0x75: {  	_ =	shalt  }
0x76: {  	_ =	shalt  }
0x77: {  	_ =	shalt  }
0x78: {  	_ =	shalt  }
0x79: {  	_ =	shalt  }
0x7a: {  	_ =	shalt  }
0x7b: {  	_ =	shalt  }
0x7c: {  	_ =	shalt  }
0x7d: {  	_ =	shalt  }
0x7e: {  	_ =	shalt  }
0x7f: {  	_ =	shalt  }
0x80: {  	_ =	shalt  }
0x81: {  	_ =	shalt  }
0x82: {  	_ =	shalt  }
0x83: {  	_ =	shalt  }
0x84: {  	_ =	shalt  }
0x85: {  	_ =	shalt  }
0x86: {  	_ =	shalt  }
0x87: {  	_ =	shalt  }
.Lfunc_end0:
.L_simem_size_0:
called_computation.1_lowered:
.L_overlay_start_0:
0x88: {  	s2 =	sld [smem:$0x3FD9]  }
0x89: {  	s3 =	sld [smem:$0x3FFE];
	_ =	sdelay $0x1  }
0x8a: {  	s1 =	srdreg.scid  }
0x8b: {  	s0 =	sand.u32 $0x1, s1  }
0x8c: {  	s17 =	sshll.u32 s0, $0xA;
	s2 =	sadd.s32 s3, s2  }
0x8d: {  	s2 =	sadd.s32 s2, s17  }
0x8e: {  	[smem:$0x3FB8] =	sst s2  }
0x8f: {  	_ = 	snop  }
0x90: {  	s2 =	sld [smem:$0x3FD0];
	(tm) =	ssettm $0x1  }
0x91: {  	s18 =	sld [smem:$0x3FFB];
	_ =	sdelay $0x3  }
0x92: {  	_ =	strace s18  }
0x93: {  	s3 =	sld [smem:$0x3FFC];
	_ =	sdelay $0x3  }
0x94: {  	_ =	strace s3  }
0x95: {  	s3 =	sld [smem:$0x3FFD];
	_ =	sdelay $0x3  }
0x96: {  	_ =	strace s3  }
0x97: {  	_ =	strace $0x8FFFFFFF  }
0x98: {  	s19 =	sld [smem:$0x3FDB];
	_ =	sdelay $0x1  }
0x99: {  	s4 =	simm.s32 $_scs_section_size  }
0x9a: {  	s5 =	simm.s32 $_size__tile_overlayer_lowered;
	s6 =	simm.s32 $_tile_overlayer_lowered  }
0x9b: {  	s22 =	simm.s32 $0x1BFF;
	s21 =	sshll.u32 s6, $0x1;
	s3 =	sadd.s32 s4, s19  }
0x9c: {  	s7 =	simm.s32 $0x0;
	s20 =	sshll.u32 s5, $0x1;
	s5 =	sadd.s32 s21, s3  }
0x9d: {  	[timem:s7], [sflag:s22] =	dma.local [hbm:s5], s20  }
0x9e: {  	_ =	swait.ge [sflag:s22], s20  }
0x9f: {  	s4 =	ssub.s32 $0x0, s20;
	[sflag:s22] =	ssyncset.done $0x0  }
0xa0: {  	[sflag:s22] =	ssyncadd.s32 s4;
	_ =	sdelay $0x1  }
0xa1: {  	s23 =	simm.s32 $0x1B8B  }
0xa2: {  	_ =	swait.ge [sflag:s23], $0x1  }
0xa3: {  	[sflag:s23] =	ssyncset.done $0x0  }
0xa4: {  	s25 =	simm.s32 $0x1B8E;
	s24 =	sld [smem:$0x3FFE];
	[sflag:s23] =	ssyncadd.s32 $0xFFFFFFFF  }
0xa5: {  	s26 =	simm.s32 $execute0_lowered;
	[smem:$0x3FD2] =	sst s25  }
0xa6: {  	s5 =	sshll.u32 s26, $0x1;
	_ =	strace $0x80000049;
	[dreg:$0x1] =	wrdreg $0xFFFFFFFF  }
0xa7: {  	s28 =	simm.s32 $_size_execute0_lowered;
	s3 =	sadd.s32 s3, s5;
	[dreg:$0x0] =	wrdreg $0x0  }
0xa8: {  	s5 =	sshll.u32 s28, $0x1;
	[dreg:$0x2] =	wrdreg s3  }
0xa9: {  	[dreg:$0x3] =	wrdreg s5  }
0xaa: {  	[dreg:$0x4] =	wrdreg $0xC0  }
0xab: {  	_ =	task [dreg:s7], $0x5FFFF  }
0xac: {  	[dreg:$0x1] =	wrdreg $0xFFFFFFFF  }
0xad: {  	[dreg:$0x0] =	wrdreg $0x60  }
0xae: {  	[dreg:$0x2] =	wrdreg s2  }
0xaf: {  	[dreg:$0x3] =	wrdreg s24  }
0xb0: {  	[dreg:$0x4] =	wrdreg $0x115800  }
0xb1: {  	[dreg:$0x5] =	wrdreg $0x9  }
0xb2: {  	_ =	task.clear_ibuf [dreg:s7], $0x6FFFF;
	_ =	strace $0x90000049  }
0xb3: {  	s29 =	simm.s32 $0x9;
	_ =	strace $0x8000004B  }
0xb4: {  	_ =	swait.ge [sflag:s29], $0x1  }
0xb5: {  	[sflag:s29] =	ssyncadd.s32 $0xFFFFFFFF  }
0xb6: {  	_ =	strace $0x9000004B  }
0xb7: {  	_ =	sfence  }
0xb8: {  	s30 =	sld [smem:$0x0];
	_ =	sdelay $0x2  }
0xb9: {  	s31 =	sshll.u32 s1, $0xD;
	s1 =	sshrl.u32 s1, $0x2  }
0xba: {  	s3 =	sand.u32 $0x4000, s31;
	s1 =	sadd.s32 s1, s30  }
0xbb: {  	s0 =	sor.u32 s3, s0;
	s1 =	sshll.u32 s1, $0x11  }
0xbc: {  	s0 =	sor.u32 s1, s0  }
0xbd: {  	s0 =	sadd.s32 $0x8F2B, s0  }
0xbe: {  	[sflag:s0] =	ssyncadd.remote.s32 $0x1  }
0xbf: {  	_ =	sfence.sel $0xFFFF  }
0xc0: {  	[dreg:$0x0] =	wrdreg $0xFFFFFFFF;
	(pc) =	sbr.abs _section_cstart, $3  }
0xc1: {  	[dreg:$0x1] =	wrdreg $0xFFFFFFFF  }
0xc2: {  	_ =	task.clear_ibuf [dreg:s7], $0x2FFFF;
	_ =	strace $0x9FFFFFFF  }
0xc3: {  	(tm) =	ssettm $0x7FFFFFFF  }
tec
execute0_lowered:
.L_overlay_start_1:
0x0: {  	(tag) =	ssettag $0x1  }
0x1: {  	s1 =	rddreg [dreg:$0x0]  }
0x2: {  	s0 =	rddreg [dreg:$0x1]  }
0x3: {  	s3 =	rddreg [dreg:$0x2];
	s4 =	simm.s32 $0x0;
	s9 =	stileid.u32  }
0x4: {  	s5 =	srdreg.scid;
	s18 =	simm.s32 $0x3;
	s21 =	simm.s32 $0x50  }
0x5: {  	s22 =	simm.s32 $0x9D00;
	s23 =	simm.s32 $0x2;
	s2 =	smul.u32 $0x9C4, s9  }
0x6: {  	s24 =	simm.s32 $0xC580;
	s25 =	simm.s32 $0x0;
	s7 =	smul.u32 $0x28000, s9  }
0x7: {  	[smem:$0x7FF] =	sst s4;
	s6 =	sand.u32 $0x1, s5;
	s9 =	smul.u32 $0xA000, s9  }
0x8: {  	_ =	strace $0x8000004A;
	s5 =	ssub.s32 $0x2, s6;
	s19 =	smul.u32 $0x1400, s6  }
0x9: {  	s14 =	smul.u32 $0xA0000, s6;
	s2 =	sadd.s32 s2, s0;
	s0 =	sadd.s32 $0x3EE00, s0  }
0xa: {  	s8 =	sshrl.u32 s5, $0x1;
	s28 =	sshrl.u32 s7, $0x2;
	s13 =	sadd.s32 $0x2800, s9  }
0xb: {  	s15 =	sadd.s32 $0x5000, s9;
	s17 =	sadd.s32 $0x7800, s9;
	s16 =	ssub.s32 s5, s8  }
0xc: {  	s5 =	sadd.s32 s28, s3;
	s6 =	sadd.s32 s13, s3;
	s7 =	sadd.s32 s15, s3  }
0xd: {  	s8 =	sadd.s32 s17, s3;
	s11 =	sadd.s32 s9, s14;
	s9 =	sadd.s32 $0xA0000, s3  }
0xe: {  	s10 =	sadd.s32 $0x4000, s2;
	s29 =	sadd.s32 s14, s13;
	s15 =	sadd.s32 s14, s15  }
0xf: {  	s14 =	sadd.s32 s14, s17;
	s17 =	simm.s32 $0xED80;
	s12 =	sshrl.u32 s11, $0x3  }
0x10: {  	s11 =	sadd.s32 $0xDE00, s2;
	s2 =	sshrl.u32 s29, $0x3;
	s30 =	sshrl.u32 s15, $0x3  }
0x11: {  	s31 =	sshrl.u32 s14, $0x3;
	s16 =	smax.u32 s16, $0x1;
	s12 =	sadd.s32 s0, s12  }
0x12: {  	v1 =	vimm.f32 $0.0e+00;
	v0 =	vmov s19;
	s13 =	sadd.s32 s0, s2;
	s14 =	sadd.s32 s0, s30;
	s15 =	sadd.s32 s0, s31  }
.LBB2_1:
0x13: {  	s0 =	simm.s32 $0x0;
	s2 =	simm.s32 $0x200  }
.LBB2_2:
0x14: {  	p0 =	sne.s32 s2, $0x9E00;
	[tilespmem:s0+$0xEDF0] =	vst v1  }
0x15: {  	[tilespmem:s0+$0xED80] =	vst v1  }
0x16: {  	[tilespmem:s0+$0xED90] =	vst v1  }
.Ltmp0:
0x17: {  	[tilespmem:s0+$0xEDA0] =	vst v1;
	(pc) =	sbr.rel @p0 .LBB2_2-.Ltmp0, $4  }
0x18: {  	[tilespmem:s0+$0xEDB0] =	vst v1  }
0x19: {  	[tilespmem:s0+$0xEDC0] =	vst v1  }
0x1a: {  	[tilespmem:s0+$0xEDD0] =	vst v1  }
0x1b: {  	[tilespmem:s0+$0xEDE0] =	vst v1;
	s0 =	sshra.s32 s2, $0x2;
	s2 =	sadd.s32 $0x200, s2  }
0x1c: {  	[tilespmem:s0+$0xEDF0] =	vst v1  }
0x1d: {  	[tilespmem:s0+$0xED80] =	vst v1  }
0x1e: {  	[tilespmem:s0+$0xED90] =	vst v1  }
0x1f: {  	[tilespmem:s0+$0xEDA0] =	vst v1  }
0x20: {  	[tilespmem:s0+$0xEDB0] =	vst v1  }
0x21: {  	[tilespmem:s0+$0xEDC0] =	vst v1  }
0x22: {  	[tilespmem:s0+$0xEDD0] =	vst v1  }
0x23: {  	[tilespmem:s0+$0xEDE0] =	vst v1  }
0x24: {  	[spmem:s5] =	stream.linear.scatter [tilespmem:s17], [sflag:$0x3], $0x2800, $0x38;
	[tilespmem:$0x1B5C0] =	vst v63  }
0x25: {  	_ =	swait.ge [sflag:s18], $0x2800  }
0x26: {  	[sflag:s18] =	ssyncset.done $0x0  }
0x27: {  	[sflag:s18] =	ssyncadd.s32 $0xFFFFD800  }
0x28: {  	[spmem:s6] =	stream.linear.scatter [tilespmem:s17], [sflag:$0x3], $0x2800, $0x38;
	[tilespmem:$0x1B5C0] =	vst v63  }
0x29: {  	_ =	swait.ge [sflag:s18], $0x2800  }
0x2a: {  	[sflag:s18] =	ssyncset.done $0x0  }
0x2b: {  	[sflag:s18] =	ssyncadd.s32 $0xFFFFD800  }
0x2c: {  	[spmem:s7] =	stream.linear.scatter [tilespmem:s17], [sflag:$0x3], $0x2800, $0x38;
	[tilespmem:$0x1B5C0] =	vst v63  }
0x2d: {  	_ =	swait.ge [sflag:s18], $0x2800  }
0x2e: {  	[sflag:s18] =	ssyncset.done $0x0  }
0x2f: {  	[sflag:s18] =	ssyncadd.s32 $0xFFFFD800  }
0x30: {  	[spmem:s8] =	stream.linear.scatter [tilespmem:s17], [sflag:$0x3], $0x2800, $0x38;
	[tilespmem:$0x1B5C0] =	vst v63  }
0x31: {  	_ =	swait.ge [sflag:s18], $0x2800  }
0x32: {  	[sflag:s18] =	ssyncset.done $0x0  }
0x33: {  	[sflag:s18] =	ssyncadd.s32 $0xFFFFD800  }
0x34: {  	[spmem:s9] =	stream.linear.scatter [tilespmem:s17], [sflag:$0x3], $0x400, $0x38;
	[tilespmem:$0x1B5C0] =	vst v63  }
0x35: {  	_ =	swait.ge [sflag:s18], $0x400  }
0x36: {  	[sflag:s18] =	ssyncset.done $0x0  }
0x37: {  	s0 =	simm.s32 $0x0;
	[sflag:s18] =	ssyncadd.s32 $0xFFFFFC00  }
0x38: {  	[tilespmem:s0], [sflag:$0x3] =	stream.linear.gather [hbm4b:s10+s0], $0x4E20, $0x38;
	[tilespmem:$0x1B5C0] =	vst v63  }
0x39: {  	_ =	swait.ge [sflag:s18], $0x4E20  }
0x3a: {  	[sflag:s18] =	ssyncset.done $0x0  }
0x3b: {  	s2 =	simm.s32 $0x4E80;
	[sflag:s18] =	ssyncadd.s32 $0xFFFFB1E0  }
0x3c: {  	[tilespmem:s2], [sflag:$0x3] =	stream.linear.gather [hbm4b:s11+s0], $0x4E20, $0x38;
	[tilespmem:$0x1B5C0] =	vst v63  }
0x3d: {  	_ =	swait.ge [sflag:s18], $0x4E20  }
0x3e: {  	s2 =	sand.u32 $0x1, s0;
	[sflag:s18] =	ssyncset.done $0x0  }
0x3f: {  	s26 =	simm.s32 $0x50;
	s19 =	sxor.u32 $0x1, s2;
	[sflag:s18] =	ssyncadd.s32 $0xFFFFB1E0  }
0x40: {  	s20 =	simm.s32 $0x9D80;
	s28 =	smul.u32 $0xA000, s19;
	[bflag:$0x0] =	sbarrier.arrive $0xFFFF  }
0x41: {  	[tilespmem:s20], [sflag:$0x1] =	stream.indirect.gather [hbm4b:s1+s26], $0x80, s0, s26, $0xb8;
	[tilespmem:$0x1B5C0] =	vst v63  }
0x42: {  	s20 =	sshrl.u32 s28, $0x2  }
0x43: {  	s19 =	sadd.s32 $0x1, s19;
	s28 =	simm.s32 $0x4EA0;
	s0 =	sadd.s32 $0x9D80, s20  }
0x44: {  	[tilespmem:s0], [sflag:s19] =	stream.indirect.gather [hbm4b:s1+s21], $0x80, s26, s21, $0xb8;
	[tilespmem:$0x1B5C0] =	vst v63  }
0x45: {  	v2 =	vld [tilespmem:s28+$0xFFFFFFE0];
	_ =	sdelay $0x4  }
0x46: {  	v2 =	vsub.s32 v2, v0  }
0x47: {  	v2 =	vmin.u32 v2, $0x1400  }
0x48: {  	[tilespmem:$0x9D00] =	vst v2  }
0x49: {  	v2 =	vld [tilespmem:s28+$0xFFFFFFF0];
	_ =	sdelay $0x4  }
0x4a: {  	v2 =	vsub.s32 v2, v0  }
0x4b: {  	v2 =	vmin.u32 v2, $0x1400  }
0x4c: {  	[tilespmem:$0x9D10] =	vst v2  }
0x4d: {  	v2 =	vld [tilespmem:s28+$0x0];
	_ =	sdelay $0x4  }
0x4e: {  	v2 =	vsub.s32 v2, v0  }
0x4f: {  	v2 =	vmin.u32 v2, $0x1400  }
0x50: {  	[tilespmem:$0x9D20] =	vst v2  }
0x51: {  	v2 =	vld [tilespmem:s28+$0x10];
	_ =	sdelay $0x4  }
0x52: {  	v2 =	vsub.s32 v2, v0  }
0x53: {  	v2 =	vmin.u32 v2, $0x1400  }
0x54: {  	[tilespmem:$0x9D30] =	vst v2  }
0x55: {  	v2 =	vld [tilespmem:s28+$0x20];
	_ =	sdelay $0x4  }
0x56: {  	v2 =	vsub.s32 v2, v0  }
0x57: {  	s31 =	simm.s32 $0x2;
	s20 =	smul.u32 $0xA000, s2;
	s26 =	simm.s32 $0x1;
	v2 =	vmin.u32 v2, $0x1400  }
0x58: {  	s30 =	simm.s32 $0xA0;
	s26 =	sand.u32 $0x1, s26;
	s28 =	sadd.s32 $0x1, s2;
	[tilespmem:$0x9D40] =	vst v2  }
0x59: {  	s0 =	sshrl.u32 s20, $0x2;
	s19 =	smul.u32 $0xA000, s26;
	_ =	swait.ge [sflag:s28], $0x2800  }
0x5a: {  	s0 =	sadd.s32 $0x9D80, s0;
	s2 =	sxor.u32 $0x1, s26;
	[sflag:s28] =	ssyncset.done $0x0  }
0x5b: {  	s29 =	smul.u32 $0xA000, s2;
	[sflag:s28] =	ssyncadd.s32 $0xFFFFD800;
	s28 =	simm.s32 $0x4EF0  }
0x5c: {  	[spmem:s3] =	stream.indirect.scatter.add.f32 [tilespmem:s0], [sflag:$0x3], $0x80, s22, s21, $0xb8;
	[tilespmem:$0x1B5C0] =	vst v63  }
0x5d: {  	s0 =	sshrl.u32 s29, $0x2;
	s29 =	sshrl.u32 s19, $0x2;
	_ =	swait.ge [sflag:s18], $0x2800  }
.LBB2_4:
0x5e: {  	s20 =	sadd.s32 $0x9D80, s0  }
0x5f: {  	[sflag:s18] =	ssyncset.done $0x0;
	s0 =	smov.u32 s31;
	s19 =	sadd.s32 $0x1, s31  }
0x60: {  	p0 =	sne.s32 s31, $0xF8;
	s2 =	sadd.s32 $0x1, s2;
	[sflag:s18] =	ssyncadd.s32 $0xFFFFD800  }
0x61: {  	[tilespmem:s20], [sflag:s2] =	stream.indirect.gather [hbm4b:s1+s21], $0x80, s30, s21, $0xb8;
	[tilespmem:$0x1B5C0] =	vst v63  }
0x62: {  	v2 =	vld [tilespmem:s28+$0xFFFFFFE0];
	_ =	sdelay $0x4  }
0x63: {  	v2 =	vsub.s32 v2, v0  }
0x64: {  	v2 =	vmin.u32 v2, $0x1400  }
0x65: {  	[tilespmem:$0x9D00] =	vst v2  }
0x66: {  	v2 =	vld [tilespmem:s28+$0xFFFFFFF0];
	_ =	sdelay $0x4  }
0x67: {  	v2 =	vsub.s32 v2, v0  }
0x68: {  	v2 =	vmin.u32 v2, $0x1400  }
0x69: {  	[tilespmem:$0x9D10] =	vst v2  }
0x6a: {  	v2 =	vld [tilespmem:s28+$0x0];
	_ =	sdelay $0x4  }
0x6b: {  	v2 =	vsub.s32 v2, v0  }
0x6c: {  	v2 =	vmin.u32 v2, $0x1400  }
0x6d: {  	[tilespmem:$0x9D20] =	vst v2  }
0x6e: {  	v2 =	vld [tilespmem:s28+$0x10];
	_ =	sdelay $0x4  }
0x6f: {  	v2 =	vsub.s32 v2, v0  }
0x70: {  	v2 =	vmin.u32 v2, $0x1400  }
0x71: {  	[tilespmem:$0x9D30] =	vst v2  }
0x72: {  	v2 =	vld [tilespmem:s28+$0x20];
	_ =	sdelay $0x4  }
0x73: {  	s20 =	sadd.s32 $0x9D80, s29;
	s29 =	sadd.s32 $0x1, s26;
	s26 =	sand.u32 $0x1, s0;
	v2 =	vsub.s32 v2, v0  }
0x74: {  	s2 =	sxor.u32 $0x1, s26;
	v2 =	vmin.u32 v2, $0x1400  }
0x75: {  	s0 =	smul.u32 $0xA000, s2;
	s28 =	sadd.s32 $0x50, s28;
	[tilespmem:$0x9D40] =	vst v2  }
.Ltmp1:
0x76: {  	_ =	swait.ge [sflag:s29], $0x2800;
	(pc) =	sbr.rel @p0 .LBB2_4-.Ltmp1, $4  }
0x77: {  	s31 =	smul.u32 $0xA000, s26;
	[sflag:s29] =	ssyncset.done $0x0  }
0x78: {  	s30 =	sadd.s32 $0x50, s30;
	s0 =	sshrl.u32 s0, $0x2;
	[sflag:s29] =	ssyncadd.s32 $0xFFFFD800  }
0x79: {  	[spmem:s3] =	stream.indirect.scatter.add.f32 [tilespmem:s20], [sflag:$0x3], $0x80, s22, s21, $0xb8;
	[tilespmem:$0x1B5C0] =	vst v63  }
0x7a: {  	s29 =	sshrl.u32 s31, $0x2;
	s31 =	smov.u32 s19;
	_ =	swait.ge [sflag:s18], $0x2800  }
0x7b: {  	[sflag:s18] =	ssyncset.done $0x0  }
0x7c: {  	s0 =	sadd.s32 $0x9D80, s0;
	s2 =	sadd.s32 $0x1, s2;
	[sflag:s18] =	ssyncadd.s32 $0xFFFFD800  }
0x7d: {  	[tilespmem:s0], [sflag:s2] =	stream.indirect.gather [hbm4b:s1+s21], $0x80, s30, s21, $0xb8;
	[tilespmem:$0x1B5C0] =	vst v63  }
0x7e: {  	v2 =	vld [tilespmem:s28+$0xFFFFFFE0];
	_ =	sdelay $0x4  }
0x7f: {  	v2 =	vsub.s32 v2, v0  }
0x80: {  	v2 =	vmin.u32 v2, $0x1400  }
0x81: {  	[tilespmem:$0x9D00] =	vst v2  }
0x82: {  	v2 =	vld [tilespmem:s28+$0xFFFFFFF0];
	_ =	sdelay $0x4  }
0x83: {  	v2 =	vsub.s32 v2, v0  }
0x84: {  	v2 =	vmin.u32 v2, $0x1400  }
0x85: {  	[tilespmem:$0x9D10] =	vst v2  }
0x86: {  	v2 =	vld [tilespmem:s28+$0x0];
	_ =	sdelay $0x4  }
0x87: {  	v2 =	vsub.s32 v2, v0  }
0x88: {  	v2 =	vmin.u32 v2, $0x1400  }
0x89: {  	[tilespmem:$0x9D20] =	vst v2  }
0x8a: {  	v2 =	vld [tilespmem:s28+$0x10];
	_ =	sdelay $0x4  }
0x8b: {  	v2 =	vsub.s32 v2, v0  }
0x8c: {  	v2 =	vmin.u32 v2, $0x1400  }
0x8d: {  	[tilespmem:$0x9D30] =	vst v2  }
0x8e: {  	v2 =	vld [tilespmem:s28+$0x20];
	_ =	sdelay $0x4  }
0x8f: {  	v2 =	vsub.s32 v2, v0  }
0x90: {  	v2 =	vmin.u32 v2, $0x1400  }
0x91: {  	s30 =	sadd.s32 $0x1, s26;
	[tilespmem:$0x9D40] =	vst v2  }
0x92: {  	_ =	swait.ge [sflag:s30], $0x2800  }
0x93: {  	[sflag:s30] =	ssyncset.done $0x0  }
0x94: {  	s31 =	sadd.s32 $0x9D80, s29;
	[sflag:s30] =	ssyncadd.s32 $0xFFFFD800  }
0x95: {  	[spmem:s3] =	stream.indirect.scatter.add.f32 [tilespmem:s31], [sflag:$0x3], $0x80, s22, s21, $0xb8;
	[tilespmem:$0x1B5C0] =	vst v63  }
0x96: {  	_ =	swait.ge [sflag:s18], $0x2800  }
0x97: {  	[sflag:s18] =	ssyncset.done $0x0  }
0x98: {  	[sflag:s18] =	ssyncadd.s32 $0xFFFFD800  }
0x99: {  	v2 =	vld [tilespmem:$0x9C50]  }
0x9a: {  	v3 =	vld [tilespmem:$0x9C60]  }
0x9b: {  	v4 =	vld [tilespmem:$0x9C70]  }
0x9c: {  	v5 =	vld [tilespmem:$0x9C80]  }
0x9d: {  	v6 =	vld [tilespmem:$0x9C90]  }
0x9e: {  	v2 =	vsub.s32 v2, v0  }
0x9f: {  	v3 =	vsub.s32 v3, v0;
	v2 =	vmin.u32 v2, $0x1400  }
0xa0: {  	[tilespmem:$0x9D00] =	vst v2;
	v2 =	vmin.u32 v3, $0x1400;
	v3 =	vsub.s32 v4, v0  }
0xa1: {  	[tilespmem:$0x9D10] =	vst v2;
	v2 =	vmin.u32 v3, $0x1400;
	v3 =	vsub.s32 v5, v0  }
0xa2: {  	[tilespmem:$0x9D20] =	vst v2;
	v2 =	vmin.u32 v3, $0x1400;
	v3 =	vsub.s32 v6, v0  }
0xa3: {  	[tilespmem:$0x9D30] =	vst v2;
	v2 =	vmin.u32 v3, $0x1400  }
0xa4: {  	[tilespmem:$0x9D40] =	vst v2  }
0xa5: {  	_ =	swait.ge [sflag:s23], $0x2800  }
0xa6: {  	[sflag:s23] =	ssyncset.done $0x0  }
0xa7: {  	[sflag:s23] =	ssyncadd.s32 $0xFFFFD800  }
0xa8: {  	[spmem:s3] =	stream.indirect.scatter.add.f32 [tilespmem:s24], [sflag:$0x3], $0x80, s22, s21, $0xb8;
	[tilespmem:$0x1B5C0] =	vst v63  }
0xa9: {  	_ =	swait.ge [sflag:s18], $0x2800  }
0xaa: {  	[sflag:s18] =	ssyncset.done $0x0  }
0xab: {  	[sflag:s18] =	ssyncadd.s32 $0xFFFFD800  }
0xac: {  	[bflag:$0x0] =	sbarrier.arrive $0xFFFF  }
0xad: {  	[tilespmem:s17], [sflag:$0x3] =	stream.linear.gather [spmem:s5], $0x2800, $0x38;
	[tilespmem:$0x1B5C0] =	vst v63  }
0xae: {  	_ =	swait.ge [sflag:s18], $0x2800  }
0xaf: {  	[sflag:s18] =	ssyncset.done $0x0  }
0xb0: {  	[sflag:s18] =	ssyncadd.s32 $0xFFFFD800  }
0xb1: {  	[hbm4b:s12+s4] =	stream.linear.scatter [tilespmem:s17], [sflag:$0x3], $0x2800, $0x38;
	[tilespmem:$0x1B5C0] =	vst v63  }
0xb2: {  	_ =	swait.ge [sflag:s18], $0x2800  }
0xb3: {  	[sflag:s18] =	ssyncset.done $0x0  }
0xb4: {  	[sflag:s18] =	ssyncadd.s32 $0xFFFFD800  }
0xb5: {  	[tilespmem:s17], [sflag:$0x3] =	stream.linear.gather [spmem:s6], $0x2800, $0x38;
	[tilespmem:$0x1B5C0] =	vst v63  }
0xb6: {  	_ =	swait.ge [sflag:s18], $0x2800  }
0xb7: {  	[sflag:s18] =	ssyncset.done $0x0  }
0xb8: {  	[sflag:s18] =	ssyncadd.s32 $0xFFFFD800  }
0xb9: {  	[hbm4b:s13+s4] =	stream.linear.scatter [tilespmem:s17], [sflag:$0x3], $0x2800, $0x38;
	[tilespmem:$0x1B5C0] =	vst v63  }
0xba: {  	_ =	swait.ge [sflag:s18], $0x2800  }
0xbb: {  	[sflag:s18] =	ssyncset.done $0x0  }
0xbc: {  	[sflag:s18] =	ssyncadd.s32 $0xFFFFD800  }
0xbd: {  	[tilespmem:s17], [sflag:$0x3] =	stream.linear.gather [spmem:s7], $0x2800, $0x38;
	[tilespmem:$0x1B5C0] =	vst v63  }
0xbe: {  	_ =	swait.ge [sflag:s18], $0x2800  }
0xbf: {  	[sflag:s18] =	ssyncset.done $0x0  }
0xc0: {  	[sflag:s18] =	ssyncadd.s32 $0xFFFFD800  }
0xc1: {  	[hbm4b:s14+s4] =	stream.linear.scatter [tilespmem:s17], [sflag:$0x3], $0x2800, $0x38;
	[tilespmem:$0x1B5C0] =	vst v63  }
0xc2: {  	_ =	swait.ge [sflag:s18], $0x2800  }
0xc3: {  	[sflag:s18] =	ssyncset.done $0x0  }
0xc4: {  	[sflag:s18] =	ssyncadd.s32 $0xFFFFD800  }
0xc5: {  	[tilespmem:s17], [sflag:$0x3] =	stream.linear.gather [spmem:s8], $0x2800, $0x38;
	[tilespmem:$0x1B5C0] =	vst v63  }
0xc6: {  	s25 =	sadd.s32 $0x1, s25;
	_ =	swait.ge [sflag:s18], $0x2800  }
0xc7: {  	p0 =	sne.s32 s25, s16;
	[sflag:s18] =	ssyncset.done $0x0  }
.Ltmp2:
0xc8: {  	[sflag:s18] =	ssyncadd.s32 $0xFFFFD800;
	(pc) =	sbr.rel @p0 .LBB2_1-.Ltmp2, $4  }
0xc9: {  	[hbm4b:s15+s4] =	stream.linear.scatter [tilespmem:s17], [sflag:$0x3], $0x2800, $0x38;
	[tilespmem:$0x1B5C0] =	vst v63  }
0xca: {  	_ =	swait.ge [sflag:s18], $0x2800  }
0xcb: {  	[sflag:s18] =	ssyncset.done $0x0  }
0xcc: {  	[sflag:s18] =	ssyncadd.s32 $0xFFFFD800  }
0xcd: {  	_ =	sfence.sel $0x180000  }
0xce: {  	[bflag:$0x0] =	sbarrier.arrive $0xFFFF  }
0xcf: {  	_ =	strace $0x9000004A  }
0xd0: {  	s0 =	stileid.u32;
	[bflag:$0x2] =	sbarrier.arrive $0xFFFF  }
0xd1: {  	p0 =	sne.s32 s0, $0x0;
	s0 =	rddreg [dreg:$0x3]  }
0xd2: {  	s0 =	sadd.s32 @!p0 $0x100000, s0  }
0xd3: {  	[sflag:s0] =	ssyncadd.tile.s32 @!p0 $0x1;
	_ =	shalt  }
.Lfunc_end2:
_tile_overlayer_lowered:
.L_overlay_start_2:
0xd4: {  	(tag) =	ssettag $0x2  }
0xd5: {  	s0 =	rddreg [dreg:$0x0];
	s2 =	stileid.u32  }
0xd6: {  	s1 =	rddreg [dreg:$0x1];
	p0 =	sne.s32 s2, $0x0  }
0xd7: {  	s3 =	rddreg [dreg:$0x2];
	[bflag:$0x3] =	sbarrier.arrive $0xFFFF;
	s2 =	simm.s32 @!p0 $0x1C03  }
0xd8: {  	[timem:s3], [sflag:s2] =	dma.local @!p0 [hbm:s0], s1  }
0xd9: {  	s0 =	simm.s32 @!p0 $0x3  }
0xda: {  	_ =	swait.ge @!p0 [sflag:s0], s1  }
0xdb: {  	s1 =	ssub.s32 @!p0 $0x0, s1;
	[sflag:s0] =	ssyncset.done @!p0 $0x0  }
0xdc: {  	[sflag:s0] =	ssyncadd.s32 @!p0 s1  }
0xdd: {  	[bflag:$0x3] =	sbarrier.arrive $0xFFFF  }
0xde: {  	_ =	shalt  }

// kernel: kernel.14.cloned.1.call-start
scs
__scs_entry_jumppad:
0x0: {  	(pc) =	sbr.rel $0x88, $3  }
0x1: {  	(tag) =	ssettag $0x0;
	lr =	simm.s32 $0x1  }
0x2: {  	[smem:$0x3F91] =	sst lr;
	_ =	strace $0xD0000000  }
0x3: {  	_ = 	snop  }
0x4: {  	_ = 	snop  }
0x5: {  	_ = 	snop  }
0x6: {  	_ = 	snop  }
0x7: {  	_ = 	snop  }
__scs_overlays_trampoline_lowered:
0x8: {  	[smem:$0x3FA0] =	sst s0  }
0x9: {  	[smem:$0x3FA1] =	sst s1  }
0xa: {  	[smem:$0x3FA2] =	sst s2  }
0xb: {  	[smem:$0x3FA3] =	sst s3  }
0xc: {  	[smem:$0x3FA4] =	sst s4  }
0xd: {  	[smem:$0x3FA5] =	sst s5  }
0xe: {  	[smem:$0x3FA6] =	sst s6  }
0xf: {  	[smem:$0x3FA7] =	sst s7  }
0x10: {  	[smem:$0x3FA8] =	sst s8  }
0x11: {  	[smem:$0x3FA9] =	sst s9;
	s0 =	simm.s32 @!p0 $0x0  }
0x12: {  	s1 =	sld [smem:$0x3F8F];
	s0 =	simm.s32 @p0 $0x1  }
0x13: {  	[smem:$0x3FAA] =	sst s0;
	s0 =	simm.s32 @!p1 $0x0  }
0x14: {  	s2 =	sld [smem:$0x3F8E];
	s0 =	simm.s32 @p1 $0x1  }
0x15: {  	[smem:$0x3FAB] =	sst s0;
	s0 =	simm.s32 @!p2 $0x0  }
0x16: {  	s3 =	sld [smem:$0x3FDB];
	s0 =	simm.s32 @p2 $0x1  }
0x17: {  	s4 =	simm.s32 $0x1BF5;
	[smem:$0x3FAD] =	sst s0  }
0x18: {  	s0 =	sld [smem:$0x3F90];
	_ =	swait.ge [sflag:s4], $0x0  }
0x19: {  	s7 =	sld [smem:$0x3F91]  }
0x1a: {  	s8 =	sadd.s32 $0xFFFFE003, lr  }
0x1b: {  	s9 =	sadd.s32 $0xFFFFFEF7, lr;
	s5 =	simm.s32 $0xFFFFFFFF;
	p2 =	slt.u32 s8, $0xFFFFF086  }
0x1c: {  	p1 =	slt.u32 s9, $0xF7A;
	s5 =	simm.s32 @!p2 $0x0  }
0x1d: {  	s5 =	simm.s32 @p1 $0x1;
	p0 =	seq.s32 s7, s2  }
0x1e: {  	s7 =	smul.u32 @!p0 $0xF7A, s2;
	p2 =	seq.s32 @!p0 s5, $0x0  }
0x1f: {  	s9 =	smul.u32 $0xF7A, s1;
	s8 =	simm.s32 @!p0 $0x1BF5;
	p2 =	por !p2, p0  }
0x20: {  	[sflag:s8] =	ssyncset.s32 @!p0 $0xFFFFF086;
	s6 =	sadd.s32 @!p0 s3, s7;
	s7 =	simm.s32 @!p0 $0x108  }
0x21: {  	s3 =	sadd.s32 s3, s9;
	s6 =	sadd.s32 @!p0 $0x88, s6;
	s7 =	simm.s32 @p2 $0x1082  }
0x22: {  	[simem:s7], [sflag:s8] =	dma.local @!p0 [hbm:s6], $0xF7A  }
0x23: {  	s9 =	sor.u32 $0xD0000000, s2;
	s6 =	simm.s32 $0x108;
	_ =	swait.ge @!p0 [sflag:s8], $0x0  }
0x24: {  	s3 =	sadd.s32 $0x88, s3;
	s6 =	simm.s32 @!p1 $0x1082;
	[sflag:s4] =	ssyncset.s32 $0xFFFFF086  }
0x25: {  	[simem:s6], [sflag:s4] =	dma.local [hbm:s3], $0xF7A  }
0x26: {  	[smem:$0x3F91] =	sst s1;
	(tag) =	ssettag s2;
	_ =	strace s9  }
0x27: {  	s1 =	sld [smem:$0x3FA1]  }
0x28: {  	s2 =	sld [smem:$0x3FA2]  }
0x29: {  	s4 =	sld [smem:$0x3FA4]  }
0x2a: {  	p0 =	seq.s32 s5, $0x0;
	s5 =	sld [smem:$0x3FA5]  }
0x2b: {  	s6 =	sld [smem:$0x3FA6]  }
0x2c: {  	s7 =	sld [smem:$0x3FA7]  }
0x2d: {  	s3 =	simm.s32 $0x108;
	s8 =	sld [smem:$0x3FA8]  }
0x2e: {  	s3 =	simm.s32 @!p0 $0x1082;
	s9 =	sld [smem:$0x3FA9]  }
0x2f: {  	lr =	sadd.s32 s0, s3;
	s0 =	sld [smem:$0x3FA0]  }
0x30: {  	s3 =	sld [smem:$0x3FA3]  }
0x31: {  	[smem:$0x3FAC] =	sst s10  }
0x32: {  	s10 =	sld [smem:$0x3FAA];
	_ =	sdelay $0x3  }
0x33: {  	p0 =	seq.s32 s10, $0x1;
	s10 =	sld [smem:$0x3FAC];
	_ =	sdelay $0x3  }
0x34: {  	[smem:$0x3FAC] =	sst s10  }
0x35: {  	s10 =	sld [smem:$0x3FAB];
	_ =	sdelay $0x3  }
0x36: {  	p1 =	seq.s32 s10, $0x1;
	s10 =	sld [smem:$0x3FAC];
	_ =	sdelay $0x3  }
0x37: {  	[smem:$0x3FAC] =	sst s10  }
0x38: {  	s10 =	sld [smem:$0x3FAD]  }
0x39: {  	_ = 	snop;
	(pc) =	sbr.ind lr, $3  }
0x3a: {  	_ = 	snop  }
0x3b: {  	_ = 	snop  }
0x3c: {  	p2 =	seq.s32 s10, $0x1;
	s10 =	sld [smem:$0x3FAC]  }
0x3d: {  	_ =	shalt  }
0x3e: {  	_ =	shalt  }
0x3f: {  	_ =	shalt  }
0x40: {  	_ =	shalt  }
0x41: {  	_ =	shalt  }
0x42: {  	_ =	shalt  }
0x43: {  	_ =	shalt  }
0x44: {  	_ =	shalt  }
0x45: {  	_ =	shalt  }
0x46: {  	_ =	shalt  }
0x47: {  	_ =	shalt  }
0x48: {  	_ =	shalt  }
0x49: {  	_ =	shalt  }
0x4a: {  	_ =	shalt  }
0x4b: {  	_ =	shalt  }
0x4c: {  	_ =	shalt  }
0x4d: {  	_ =	shalt  }
0x4e: {  	_ =	shalt  }
0x4f: {  	_ =	shalt  }
0x50: {  	_ =	shalt  }
0x51: {  	_ =	shalt  }
0x52: {  	_ =	shalt  }
0x53: {  	_ =	shalt  }
0x54: {  	_ =	shalt  }
0x55: {  	_ =	shalt  }
0x56: {  	_ =	shalt  }
0x57: {  	_ =	shalt  }
0x58: {  	_ =	shalt  }
0x59: {  	_ =	shalt  }
0x5a: {  	_ =	shalt  }
0x5b: {  	_ =	shalt  }
0x5c: {  	_ =	shalt  }
0x5d: {  	_ =	shalt  }
0x5e: {  	_ =	shalt  }
0x5f: {  	_ =	shalt  }
0x60: {  	_ =	shalt  }
0x61: {  	_ =	shalt  }
0x62: {  	_ =	shalt  }
0x63: {  	_ =	shalt  }
0x64: {  	_ =	shalt  }
0x65: {  	_ =	shalt  }
0x66: {  	_ =	shalt  }
0x67: {  	_ =	shalt  }
0x68: {  	_ =	shalt  }
0x69: {  	_ =	shalt  }
0x6a: {  	_ =	shalt  }
0x6b: {  	_ =	shalt  }
0x6c: {  	_ =	shalt  }
0x6d: {  	_ =	shalt  }
0x6e: {  	_ =	shalt  }
0x6f: {  	_ =	shalt  }
0x70: {  	_ =	shalt  }
0x71: {  	_ =	shalt  }
0x72: {  	_ =	shalt  }
0x73: {  	_ =	shalt  }
0x74: {  	_ =	shalt  }
0x75: {  	_ =	shalt  }
0x76: {  	_ =	shalt  }
0x77: {  	_ =	shalt  }
0x78: {  	_ =	shalt  }
0x79: {  	_ =	shalt  }
0x7a: {  	_ =	shalt  }
0x7b: {  	_ =	shalt  }
0x7c: {  	_ =	shalt  }
0x7d: {  	_ =	shalt  }
0x7e: {  	_ =	shalt  }
0x7f: {  	_ =	shalt  }
0x80: {  	_ =	shalt  }
0x81: {  	_ =	shalt  }
0x82: {  	_ =	shalt  }
0x83: {  	_ =	shalt  }
0x84: {  	_ =	shalt  }
0x85: {  	_ =	shalt  }
0x86: {  	_ =	shalt  }
0x87: {  	_ =	shalt  }
.Lfunc_end0:
.L_simem_size_0:
called_computation.2_lowered:
.L_overlay_start_0:
0x88: {  	s2 =	sld [smem:$0x3FD9]  }
0x89: {  	s3 =	sld [smem:$0x3FFE];
	_ =	sdelay $0x1  }
0x8a: {  	s1 =	srdreg.scid  }
0x8b: {  	s0 =	sand.u32 $0x1, s1  }
0x8c: {  	s17 =	sshll.u32 s0, $0xA;
	s2 =	sadd.s32 s3, s2  }
0x8d: {  	s2 =	sadd.s32 s2, s17  }
0x8e: {  	[smem:$0x3FB8] =	sst s2  }
0x8f: {  	_ = 	snop  }
0x90: {  	s2 =	sld [smem:$0x3FD0];
	(tm) =	ssettm $0x1  }
0x91: {  	s18 =	sld [smem:$0x3FFB];
	_ =	sdelay $0x3  }
0x92: {  	_ =	strace s18  }
0x93: {  	s3 =	sld [smem:$0x3FFC];
	_ =	sdelay $0x3  }
0x94: {  	_ =	strace s3  }
0x95: {  	s3 =	sld [smem:$0x3FFD];
	_ =	sdelay $0x3  }
0x96: {  	_ =	strace s3  }
0x97: {  	_ =	strace $0x8FFFFFFF  }
0x98: {  	s19 =	sld [smem:$0x3FDB];
	_ =	sdelay $0x1  }
0x99: {  	s4 =	simm.s32 $_scs_section_size  }
0x9a: {  	s5 =	simm.s32 $_size__tile_overlayer_lowered;
	s6 =	simm.s32 $_tile_overlayer_lowered  }
0x9b: {  	s22 =	simm.s32 $0x1BFF;
	s21 =	sshll.u32 s6, $0x1;
	s3 =	sadd.s32 s4, s19  }
0x9c: {  	s7 =	simm.s32 $0x0;
	s20 =	sshll.u32 s5, $0x1;
	s5 =	sadd.s32 s21, s3  }
0x9d: {  	[timem:s7], [sflag:s22] =	dma.local [hbm:s5], s20  }
0x9e: {  	_ =	swait.ge [sflag:s22], s20  }
0x9f: {  	s4 =	ssub.s32 $0x0, s20;
	[sflag:s22] =	ssyncset.done $0x0  }
0xa0: {  	[sflag:s22] =	ssyncadd.s32 s4;
	_ =	sdelay $0x1  }
0xa1: {  	s23 =	simm.s32 $0x1B8B  }
0xa2: {  	_ =	swait.ge [sflag:s23], $0x1  }
0xa3: {  	[sflag:s23] =	ssyncset.done $0x0  }
0xa4: {  	s25 =	simm.s32 $0x1B8E;
	s24 =	sld [smem:$0x3FFE];
	[sflag:s23] =	ssyncadd.s32 $0xFFFFFFFF  }
0xa5: {  	s26 =	simm.s32 $execute0_lowered;
	[smem:$0x3FD2] =	sst s25  }
0xa6: {  	s5 =	sshll.u32 s26, $0x1;
	_ =	strace $0x8000004C;
	[dreg:$0x1] =	wrdreg $0xFFFFFFFF  }
0xa7: {  	s28 =	simm.s32 $_size_execute0_lowered;
	s3 =	sadd.s32 s3, s5;
	[dreg:$0x0] =	wrdreg $0x0  }
0xa8: {  	s5 =	sshll.u32 s28, $0x1;
	[dreg:$0x2] =	wrdreg s3  }
0xa9: {  	[dreg:$0x3] =	wrdreg s5  }
0xaa: {  	[dreg:$0x4] =	wrdreg $0xC0  }
0xab: {  	_ =	task [dreg:s7], $0x5FFFF  }
0xac: {  	[dreg:$0x1] =	wrdreg $0xFFFFFFFF  }
0xad: {  	[dreg:$0x0] =	wrdreg $0x60  }
0xae: {  	[dreg:$0x2] =	wrdreg s2  }
0xaf: {  	[dreg:$0x3] =	wrdreg s24  }
0xb0: {  	[dreg:$0x4] =	wrdreg $0x115800  }
0xb1: {  	[dreg:$0x5] =	wrdreg $0x9  }
0xb2: {  	_ =	task.clear_ibuf [dreg:s7], $0x6FFFF;
	_ =	strace $0x9000004C  }
0xb3: {  	s29 =	simm.s32 $0x9;
	_ =	strace $0x8000004E  }
0xb4: {  	_ =	swait.ge [sflag:s29], $0x1  }
0xb5: {  	[sflag:s29] =	ssyncadd.s32 $0xFFFFFFFF  }
0xb6: {  	_ =	strace $0x9000004E  }
0xb7: {  	_ =	sfence  }
0xb8: {  	s30 =	sld [smem:$0x0];
	_ =	sdelay $0x2  }
0xb9: {  	s31 =	sshll.u32 s1, $0xD;
	s1 =	sshrl.u32 s1, $0x2  }
0xba: {  	s3 =	sand.u32 $0x4000, s31;
	s1 =	sadd.s32 s1, s30  }
0xbb: {  	s0 =	sor.u32 s3, s0;
	s1 =	sshll.u32 s1, $0x11  }
0xbc: {  	s0 =	sor.u32 s1, s0  }
0xbd: {  	s0 =	sadd.s32 $0x8F2B, s0  }
0xbe: {  	[sflag:s0] =	ssyncadd.remote.s32 $0x1  }
0xbf: {  	_ =	sfence.sel $0xFFFF  }
0xc0: {  	[dreg:$0x0] =	wrdreg $0xFFFFFFFF;
	(pc) =	sbr.abs _section_cstart, $3  }
0xc1: {  	[dreg:$0x1] =	wrdreg $0xFFFFFFFF  }
0xc2: {  	_ =	task.clear_ibuf [dreg:s7], $0x2FFFF;
	_ =	strace $0x9FFFFFFF  }
0xc3: {  	(tm) =	ssettm $0x7FFFFFFF  }
tec
execute0_lowered:
.L_overlay_start_1:
0x0: {  	(tag) =	ssettag $0x1  }
0x1: {  	s1 =	rddreg [dreg:$0x0]  }
0x2: {  	s0 =	rddreg [dreg:$0x1]  }
0x3: {  	s3 =	rddreg [dreg:$0x2];
	s4 =	simm.s32 $0x0;
	s9 =	stileid.u32  }
0x4: {  	s5 =	srdreg.scid;
	s18 =	simm.s32 $0x3;
	s21 =	simm.s32 $0x50  }
0x5: {  	s22 =	simm.s32 $0x9D00;
	s23 =	simm.s32 $0x2;
	s2 =	smul.u32 $0x9C4, s9  }
0x6: {  	s24 =	simm.s32 $0xC580;
	s25 =	simm.s32 $0x0;
	s7 =	smul.u32 $0x28000, s9  }
0x7: {  	[smem:$0x7FF] =	sst s4;
	s6 =	sand.u32 $0x1, s5;
	s9 =	smul.u32 $0xA000, s9  }
0x8: {  	_ =	strace $0x8000004D;
	s5 =	ssub.s32 $0x2, s6;
	s19 =	smul.u32 $0x1400, s6  }
0x9: {  	s14 =	smul.u32 $0xA0000, s6;
	s2 =	sadd.s32 s2, s0;
	s0 =	sadd.s32 $0x3EE00, s0  }
0xa: {  	s8 =	sshrl.u32 s5, $0x1;
	s28 =	sshrl.u32 s7, $0x2;
	s13 =	sadd.s32 $0x2800, s9  }
0xb: {  	s15 =	sadd.s32 $0x5000, s9;
	s17 =	sadd.s32 $0x7800, s9;
	s16 =	ssub.s32 s5, s8  }
0xc: {  	s5 =	sadd.s32 s28, s3;
	s6 =	sadd.s32 s13, s3;
	s7 =	sadd.s32 s15, s3  }
0xd: {  	s8 =	sadd.s32 s17, s3;
	s11 =	sadd.s32 s9, s14;
	s9 =	sadd.s32 $0xA0000, s3  }
0xe: {  	s10 =	sadd.s32 $0x4000, s2;
	s29 =	sadd.s32 s14, s13;
	s15 =	sadd.s32 s14, s15  }
0xf: {  	s14 =	sadd.s32 s14, s17;
	s17 =	simm.s32 $0xED80;
	s12 =	sshrl.u32 s11, $0x3  }
0x10: {  	s11 =	sadd.s32 $0xDE00, s2;
	s2 =	sshrl.u32 s29, $0x3;
	s30 =	sshrl.u32 s15, $0x3  }
0x11: {  	s31 =	sshrl.u32 s14, $0x3;
	s16 =	smax.u32 s16, $0x1;
	s12 =	sadd.s32 s0, s12  }
0x12: {  	v1 =	vimm.f32 $0.0e+00;
	v0 =	vmov s19;
	s13 =	sadd.s32 s0, s2;
	s14 =	sadd.s32 s0, s30;
	s15 =	sadd.s32 s0, s31  }
.LBB2_1:
0x13: {  	s0 =	simm.s32 $0x0;
	s2 =	simm.s32 $0x200  }
.LBB2_2:
0x14: {  	p0 =	sne.s32 s2, $0x9E00;
	[tilespmem:s0+$0xEDF0] =	vst v1  }
0x15: {  	[tilespmem:s0+$0xED80] =	vst v1  }
0x16: {  	[tilespmem:s0+$0xED90] =	vst v1  }
.Ltmp0:
0x17: {  	[tilespmem:s0+$0xEDA0] =	vst v1;
	(pc) =	sbr.rel @p0 .LBB2_2-.Ltmp0, $4  }
0x18: {  	[tilespmem:s0+$0xEDB0] =	vst v1  }
0x19: {  	[tilespmem:s0+$0xEDC0] =	vst v1  }
0x1a: {  	[tilespmem:s0+$0xEDD0] =	vst v1  }
0x1b: {  	[tilespmem:s0+$0xEDE0] =	vst v1;
	s0 =	sshra.s32 s2, $0x2;
	s2 =	sadd.s32 $0x200, s2  }
0x1c: {  	[tilespmem:s0+$0xEDF0] =	vst v1  }
0x1d: {  	[tilespmem:s0+$0xED80] =	vst v1  }
0x1e: {  	[tilespmem:s0+$0xED90] =	vst v1  }
0x1f: {  	[tilespmem:s0+$0xEDA0] =	vst v1  }
0x20: {  	[tilespmem:s0+$0xEDB0] =	vst v1  }
0x21: {  	[tilespmem:s0+$0xEDC0] =	vst v1  }
0x22: {  	[tilespmem:s0+$0xEDD0] =	vst v1  }
0x23: {  	[tilespmem:s0+$0xEDE0] =	vst v1  }
0x24: {  	[spmem:s5] =	stream.linear.scatter [tilespmem:s17], [sflag:$0x3], $0x2800, $0x38;
	[tilespmem:$0x1B5C0] =	vst v63  }
0x25: {  	_ =	swait.ge [sflag:s18], $0x2800  }
0x26: {  	[sflag:s18] =	ssyncset.done $0x0  }
0x27: {  	[sflag:s18] =	ssyncadd.s32 $0xFFFFD800  }
0x28: {  	[spmem:s6] =	stream.linear.scatter [tilespmem:s17], [sflag:$0x3], $0x2800, $0x38;
	[tilespmem:$0x1B5C0] =	vst v63  }
0x29: {  	_ =	swait.ge [sflag:s18], $0x2800  }
0x2a: {  	[sflag:s18] =	ssyncset.done $0x0  }
0x2b: {  	[sflag:s18] =	ssyncadd.s32 $0xFFFFD800  }
0x2c: {  	[spmem:s7] =	stream.linear.scatter [tilespmem:s17], [sflag:$0x3], $0x2800, $0x38;
	[tilespmem:$0x1B5C0] =	vst v63  }
0x2d: {  	_ =	swait.ge [sflag:s18], $0x2800  }
0x2e: {  	[sflag:s18] =	ssyncset.done $0x0  }
0x2f: {  	[sflag:s18] =	ssyncadd.s32 $0xFFFFD800  }
0x30: {  	[spmem:s8] =	stream.linear.scatter [tilespmem:s17], [sflag:$0x3], $0x2800, $0x38;
	[tilespmem:$0x1B5C0] =	vst v63  }
0x31: {  	_ =	swait.ge [sflag:s18], $0x2800  }
0x32: {  	[sflag:s18] =	ssyncset.done $0x0  }
0x33: {  	[sflag:s18] =	ssyncadd.s32 $0xFFFFD800  }
0x34: {  	[spmem:s9] =	stream.linear.scatter [tilespmem:s17], [sflag:$0x3], $0x400, $0x38;
	[tilespmem:$0x1B5C0] =	vst v63  }
0x35: {  	_ =	swait.ge [sflag:s18], $0x400  }
0x36: {  	[sflag:s18] =	ssyncset.done $0x0  }
0x37: {  	s0 =	simm.s32 $0x0;
	[sflag:s18] =	ssyncadd.s32 $0xFFFFFC00  }
0x38: {  	[tilespmem:s0], [sflag:$0x3] =	stream.linear.gather [hbm4b:s10+s0], $0x4E20, $0x38;
	[tilespmem:$0x1B5C0] =	vst v63  }
0x39: {  	_ =	swait.ge [sflag:s18], $0x4E20  }
0x3a: {  	[sflag:s18] =	ssyncset.done $0x0  }
0x3b: {  	s2 =	simm.s32 $0x4E80;
	[sflag:s18] =	ssyncadd.s32 $0xFFFFB1E0  }
0x3c: {  	[tilespmem:s2], [sflag:$0x3] =	stream.linear.gather [hbm4b:s11+s0], $0x4E20, $0x38;
	[tilespmem:$0x1B5C0] =	vst v63  }
0x3d: {  	_ =	swait.ge [sflag:s18], $0x4E20  }
0x3e: {  	s2 =	sand.u32 $0x1, s0;
	[sflag:s18] =	ssyncset.done $0x0  }
0x3f: {  	s26 =	simm.s32 $0x50;
	s19 =	sxor.u32 $0x1, s2;
	[sflag:s18] =	ssyncadd.s32 $0xFFFFB1E0  }
0x40: {  	s20 =	simm.s32 $0x9D80;
	s28 =	smul.u32 $0xA000, s19;
	[bflag:$0x0] =	sbarrier.arrive $0xFFFF  }
0x41: {  	[tilespmem:s20], [sflag:$0x1] =	stream.indirect.gather [hbm4b:s1+s26], $0x80, s0, s26, $0xb8;
	[tilespmem:$0x1B5C0] =	vst v63  }
0x42: {  	s20 =	sshrl.u32 s28, $0x2  }
0x43: {  	s19 =	sadd.s32 $0x1, s19;
	s28 =	simm.s32 $0x4EA0;
	s0 =	sadd.s32 $0x9D80, s20  }
0x44: {  	[tilespmem:s0], [sflag:s19] =	stream.indirect.gather [hbm4b:s1+s21], $0x80, s26, s21, $0xb8;
	[tilespmem:$0x1B5C0] =	vst v63  }
0x45: {  	v2 =	vld [tilespmem:s28+$0xFFFFFFE0];
	_ =	sdelay $0x4  }
0x46: {  	v2 =	vsub.s32 v2, v0  }
0x47: {  	v2 =	vmin.u32 v2, $0x1400  }
0x48: {  	[tilespmem:$0x9D00] =	vst v2  }
0x49: {  	v2 =	vld [tilespmem:s28+$0xFFFFFFF0];
	_ =	sdelay $0x4  }
0x4a: {  	v2 =	vsub.s32 v2, v0  }
0x4b: {  	v2 =	vmin.u32 v2, $0x1400  }
0x4c: {  	[tilespmem:$0x9D10] =	vst v2  }
0x4d: {  	v2 =	vld [tilespmem:s28+$0x0];
	_ =	sdelay $0x4  }
0x4e: {  	v2 =	vsub.s32 v2, v0  }
0x4f: {  	v2 =	vmin.u32 v2, $0x1400  }
0x50: {  	[tilespmem:$0x9D20] =	vst v2  }
0x51: {  	v2 =	vld [tilespmem:s28+$0x10];
	_ =	sdelay $0x4  }
0x52: {  	v2 =	vsub.s32 v2, v0  }
0x53: {  	v2 =	vmin.u32 v2, $0x1400  }
0x54: {  	[tilespmem:$0x9D30] =	vst v2  }
0x55: {  	v2 =	vld [tilespmem:s28+$0x20];
	_ =	sdelay $0x4  }
0x56: {  	v2 =	vsub.s32 v2, v0  }
0x57: {  	s31 =	simm.s32 $0x2;
	s20 =	smul.u32 $0xA000, s2;
	s26 =	simm.s32 $0x1;
	v2 =	vmin.u32 v2, $0x1400  }
0x58: {  	s30 =	simm.s32 $0xA0;
	s26 =	sand.u32 $0x1, s26;
	s28 =	sadd.s32 $0x1, s2;
	[tilespmem:$0x9D40] =	vst v2  }
0x59: {  	s0 =	sshrl.u32 s20, $0x2;
	s19 =	smul.u32 $0xA000, s26;
	_ =	swait.ge [sflag:s28], $0x2800  }
0x5a: {  	s0 =	sadd.s32 $0x9D80, s0;
	s2 =	sxor.u32 $0x1, s26;
	[sflag:s28] =	ssyncset.done $0x0  }
0x5b: {  	s29 =	smul.u32 $0xA000, s2;
	[sflag:s28] =	ssyncadd.s32 $0xFFFFD800;
	s28 =	simm.s32 $0x4EF0  }
0x5c: {  	[spmem:s3] =	stream.indirect.scatter.add.f32 [tilespmem:s0], [sflag:$0x3], $0x80, s22, s21, $0xb8;
	[tilespmem:$0x1B5C0] =	vst v63  }
0x5d: {  	s0 =	sshrl.u32 s29, $0x2;
	s29 =	sshrl.u32 s19, $0x2;
	_ =	swait.ge [sflag:s18], $0x2800  }
.LBB2_4:
0x5e: {  	s20 =	sadd.s32 $0x9D80, s0  }
0x5f: {  	[sflag:s18] =	ssyncset.done $0x0;
	s0 =	smov.u32 s31;
	s19 =	sadd.s32 $0x1, s31  }
0x60: {  	p0 =	sne.s32 s31, $0xF8;
	s2 =	sadd.s32 $0x1, s2;
	[sflag:s18] =	ssyncadd.s32 $0xFFFFD800  }
0x61: {  	[tilespmem:s20], [sflag:s2] =	stream.indirect.gather [hbm4b:s1+s21], $0x80, s30, s21, $0xb8;
	[tilespmem:$0x1B5C0] =	vst v63  }
0x62: {  	v2 =	vld [tilespmem:s28+$0xFFFFFFE0];
	_ =	sdelay $0x4  }
0x63: {  	v2 =	vsub.s32 v2, v0  }
0x64: {  	v2 =	vmin.u32 v2, $0x1400  }
0x65: {  	[tilespmem:$0x9D00] =	vst v2  }
0x66: {  	v2 =	vld [tilespmem:s28+$0xFFFFFFF0];
	_ =	sdelay $0x4  }
0x67: {  	v2 =	vsub.s32 v2, v0  }
0x68: {  	v2 =	vmin.u32 v2, $0x1400  }
0x69: {  	[tilespmem:$0x9D10] =	vst v2  }
0x6a: {  	v2 =	vld [tilespmem:s28+$0x0];
	_ =	sdelay $0x4  }
0x6b: {  	v2 =	vsub.s32 v2, v0  }
0x6c: {  	v2 =	vmin.u32 v2, $0x1400  }
0x6d: {  	[tilespmem:$0x9D20] =	vst v2  }
0x6e: {  	v2 =	vld [tilespmem:s28+$0x10];
	_ =	sdelay $0x4  }
0x6f: {  	v2 =	vsub.s32 v2, v0  }
0x70: {  	v2 =	vmin.u32 v2, $0x1400  }
0x71: {  	[tilespmem:$0x9D30] =	vst v2  }
0x72: {  	v2 =	vld [tilespmem:s28+$0x20];
	_ =	sdelay $0x4  }
0x73: {  	s20 =	sadd.s32 $0x9D80, s29;
	s29 =	sadd.s32 $0x1, s26;
	s26 =	sand.u32 $0x1, s0;
	v2 =	vsub.s32 v2, v0  }
0x74: {  	s2 =	sxor.u32 $0x1, s26;
	v2 =	vmin.u32 v2, $0x1400  }
0x75: {  	s0 =	smul.u32 $0xA000, s2;
	s28 =	sadd.s32 $0x50, s28;
	[tilespmem:$0x9D40] =	vst v2  }
.Ltmp1:
0x76: {  	_ =	swait.ge [sflag:s29], $0x2800;
	(pc) =	sbr.rel @p0 .LBB2_4-.Ltmp1, $4  }
0x77: {  	s31 =	smul.u32 $0xA000, s26;
	[sflag:s29] =	ssyncset.done $0x0  }
0x78: {  	s30 =	sadd.s32 $0x50, s30;
	s0 =	sshrl.u32 s0, $0x2;
	[sflag:s29] =	ssyncadd.s32 $0xFFFFD800  }
0x79: {  	[spmem:s3] =	stream.indirect.scatter.add.f32 [tilespmem:s20], [sflag:$0x3], $0x80, s22, s21, $0xb8;
	[tilespmem:$0x1B5C0] =	vst v63  }
0x7a: {  	s29 =	sshrl.u32 s31, $0x2;
	s31 =	smov.u32 s19;
	_ =	swait.ge [sflag:s18], $0x2800  }
0x7b: {  	[sflag:s18] =	ssyncset.done $0x0  }
0x7c: {  	s0 =	sadd.s32 $0x9D80, s0;
	s2 =	sadd.s32 $0x1, s2;
	[sflag:s18] =	ssyncadd.s32 $0xFFFFD800  }
0x7d: {  	[tilespmem:s0], [sflag:s2] =	stream.indirect.gather [hbm4b:s1+s21], $0x80, s30, s21, $0xb8;
	[tilespmem:$0x1B5C0] =	vst v63  }
0x7e: {  	v2 =	vld [tilespmem:s28+$0xFFFFFFE0];
	_ =	sdelay $0x4  }
0x7f: {  	v2 =	vsub.s32 v2, v0  }
0x80: {  	v2 =	vmin.u32 v2, $0x1400  }
0x81: {  	[tilespmem:$0x9D00] =	vst v2  }
0x82: {  	v2 =	vld [tilespmem:s28+$0xFFFFFFF0];
	_ =	sdelay $0x4  }
0x83: {  	v2 =	vsub.s32 v2, v0  }
0x84: {  	v2 =	vmin.u32 v2, $0x1400  }
0x85: {  	[tilespmem:$0x9D10] =	vst v2  }
0x86: {  	v2 =	vld [tilespmem:s28+$0x0];
	_ =	sdelay $0x4  }
0x87: {  	v2 =	vsub.s32 v2, v0  }
0x88: {  	v2 =	vmin.u32 v2, $0x1400  }
0x89: {  	[tilespmem:$0x9D20] =	vst v2  }
0x8a: {  	v2 =	vld [tilespmem:s28+$0x10];
	_ =	sdelay $0x4  }
0x8b: {  	v2 =	vsub.s32 v2, v0  }
0x8c: {  	v2 =	vmin.u32 v2, $0x1400  }
0x8d: {  	[tilespmem:$0x9D30] =	vst v2  }
0x8e: {  	v2 =	vld [tilespmem:s28+$0x20];
	_ =	sdelay $0x4  }
0x8f: {  	v2 =	vsub.s32 v2, v0  }
0x90: {  	v2 =	vmin.u32 v2, $0x1400  }
0x91: {  	s30 =	sadd.s32 $0x1, s26;
	[tilespmem:$0x9D40] =	vst v2  }
0x92: {  	_ =	swait.ge [sflag:s30], $0x2800  }
0x93: {  	[sflag:s30] =	ssyncset.done $0x0  }
0x94: {  	s31 =	sadd.s32 $0x9D80, s29;
	[sflag:s30] =	ssyncadd.s32 $0xFFFFD800  }
0x95: {  	[spmem:s3] =	stream.indirect.scatter.add.f32 [tilespmem:s31], [sflag:$0x3], $0x80, s22, s21, $0xb8;
	[tilespmem:$0x1B5C0] =	vst v63  }
0x96: {  	_ =	swait.ge [sflag:s18], $0x2800  }
0x97: {  	[sflag:s18] =	ssyncset.done $0x0  }
0x98: {  	[sflag:s18] =	ssyncadd.s32 $0xFFFFD800  }
0x99: {  	v2 =	vld [tilespmem:$0x9C50]  }
0x9a: {  	v3 =	vld [tilespmem:$0x9C60]  }
0x9b: {  	v4 =	vld [tilespmem:$0x9C70]  }
0x9c: {  	v5 =	vld [tilespmem:$0x9C80]  }
0x9d: {  	v6 =	vld [tilespmem:$0x9C90]  }
0x9e: {  	v2 =	vsub.s32 v2, v0  }
0x9f: {  	v3 =	vsub.s32 v3, v0;
	v2 =	vmin.u32 v2, $0x1400  }
0xa0: {  	[tilespmem:$0x9D00] =	vst v2;
	v2 =	vmin.u32 v3, $0x1400;
	v3 =	vsub.s32 v4, v0  }
0xa1: {  	[tilespmem:$0x9D10] =	vst v2;
	v2 =	vmin.u32 v3, $0x1400;
	v3 =	vsub.s32 v5, v0  }
0xa2: {  	[tilespmem:$0x9D20] =	vst v2;
	v2 =	vmin.u32 v3, $0x1400;
	v3 =	vsub.s32 v6, v0  }
0xa3: {  	[tilespmem:$0x9D30] =	vst v2;
	v2 =	vmin.u32 v3, $0x1400  }
0xa4: {  	[tilespmem:$0x9D40] =	vst v2  }
0xa5: {  	_ =	swait.ge [sflag:s23], $0x2800  }
0xa6: {  	[sflag:s23] =	ssyncset.done $0x0  }
0xa7: {  	[sflag:s23] =	ssyncadd.s32 $0xFFFFD800  }
0xa8: {  	[spmem:s3] =	stream.indirect.scatter.add.f32 [tilespmem:s24], [sflag:$0x3], $0x80, s22, s21, $0xb8;
	[tilespmem:$0x1B5C0] =	vst v63  }
0xa9: {  	_ =	swait.ge [sflag:s18], $0x2800  }
0xaa: {  	[sflag:s18] =	ssyncset.done $0x0  }
0xab: {  	[sflag:s18] =	ssyncadd.s32 $0xFFFFD800  }
0xac: {  	[bflag:$0x0] =	sbarrier.arrive $0xFFFF  }
0xad: {  	[tilespmem:s17], [sflag:$0x3] =	stream.linear.gather [spmem:s5], $0x2800, $0x38;
	[tilespmem:$0x1B5C0] =	vst v63  }
0xae: {  	_ =	swait.ge [sflag:s18], $0x2800  }
0xaf: {  	[sflag:s18] =	ssyncset.done $0x0  }
0xb0: {  	[sflag:s18] =	ssyncadd.s32 $0xFFFFD800  }
0xb1: {  	[hbm4b:s12+s4] =	stream.linear.scatter [tilespmem:s17], [sflag:$0x3], $0x2800, $0x38;
	[tilespmem:$0x1B5C0] =	vst v63  }
0xb2: {  	_ =	swait.ge [sflag:s18], $0x2800  }
0xb3: {  	[sflag:s18] =	ssyncset.done $0x0  }
0xb4: {  	[sflag:s18] =	ssyncadd.s32 $0xFFFFD800  }
0xb5: {  	[tilespmem:s17], [sflag:$0x3] =	stream.linear.gather [spmem:s6], $0x2800, $0x38;
	[tilespmem:$0x1B5C0] =	vst v63  }
0xb6: {  	_ =	swait.ge [sflag:s18], $0x2800  }
0xb7: {  	[sflag:s18] =	ssyncset.done $0x0  }
0xb8: {  	[sflag:s18] =	ssyncadd.s32 $0xFFFFD800  }
0xb9: {  	[hbm4b:s13+s4] =	stream.linear.scatter [tilespmem:s17], [sflag:$0x3], $0x2800, $0x38;
	[tilespmem:$0x1B5C0] =	vst v63  }
0xba: {  	_ =	swait.ge [sflag:s18], $0x2800  }
0xbb: {  	[sflag:s18] =	ssyncset.done $0x0  }
0xbc: {  	[sflag:s18] =	ssyncadd.s32 $0xFFFFD800  }
0xbd: {  	[tilespmem:s17], [sflag:$0x3] =	stream.linear.gather [spmem:s7], $0x2800, $0x38;
	[tilespmem:$0x1B5C0] =	vst v63  }
0xbe: {  	_ =	swait.ge [sflag:s18], $0x2800  }
0xbf: {  	[sflag:s18] =	ssyncset.done $0x0  }
0xc0: {  	[sflag:s18] =	ssyncadd.s32 $0xFFFFD800  }
0xc1: {  	[hbm4b:s14+s4] =	stream.linear.scatter [tilespmem:s17], [sflag:$0x3], $0x2800, $0x38;
	[tilespmem:$0x1B5C0] =	vst v63  }
0xc2: {  	_ =	swait.ge [sflag:s18], $0x2800  }
0xc3: {  	[sflag:s18] =	ssyncset.done $0x0  }
0xc4: {  	[sflag:s18] =	ssyncadd.s32 $0xFFFFD800  }
0xc5: {  	[tilespmem:s17], [sflag:$0x3] =	stream.linear.gather [spmem:s8], $0x2800, $0x38;
	[tilespmem:$0x1B5C0] =	vst v63  }
0xc6: {  	s25 =	sadd.s32 $0x1, s25;
	_ =	swait.ge [sflag:s18], $0x2800  }
0xc7: {  	p0 =	sne.s32 s25, s16;
	[sflag:s18] =	ssyncset.done $0x0  }
.Ltmp2:
0xc8: {  	[sflag:s18] =	ssyncadd.s32 $0xFFFFD800;
	(pc) =	sbr.rel @p0 .LBB2_1-.Ltmp2, $4  }
0xc9: {  	[hbm4b:s15+s4] =	stream.linear.scatter [tilespmem:s17], [sflag:$0x3], $0x2800, $0x38;
	[tilespmem:$0x1B5C0] =	vst v63  }
0xca: {  	_ =	swait.ge [sflag:s18], $0x2800  }
0xcb: {  	[sflag:s18] =	ssyncset.done $0x0  }
0xcc: {  	[sflag:s18] =	ssyncadd.s32 $0xFFFFD800  }
0xcd: {  	_ =	sfence.sel $0x180000  }
0xce: {  	[bflag:$0x0] =	sbarrier.arrive $0xFFFF  }
0xcf: {  	_ =	strace $0x9000004D  }
0xd0: {  	s0 =	stileid.u32;
	[bflag:$0x2] =	sbarrier.arrive $0xFFFF  }
0xd1: {  	p0 =	sne.s32 s0, $0x0;
	s0 =	rddreg [dreg:$0x3]  }
0xd2: {  	s0 =	sadd.s32 @!p0 $0x100000, s0  }
0xd3: {  	[sflag:s0] =	ssyncadd.tile.s32 @!p0 $0x1;
	_ =	shalt  }
.Lfunc_end2:
_tile_overlayer_lowered:
.L_overlay_start_2:
0xd4: {  	(tag) =	ssettag $0x2  }
0xd5: {  	s0 =	rddreg [dreg:$0x0];
	s2 =	stileid.u32  }
0xd6: {  	s1 =	rddreg [dreg:$0x1];
	p0 =	sne.s32 s2, $0x0  }
0xd7: {  	s3 =	rddreg [dreg:$0x2];
	[bflag:$0x3] =	sbarrier.arrive $0xFFFF;
	s2 =	simm.s32 @!p0 $0x1C03  }
0xd8: {  	[timem:s3], [sflag:s2] =	dma.local @!p0 [hbm:s0], s1  }
0xd9: {  	s0 =	simm.s32 @!p0 $0x3  }
0xda: {  	_ =	swait.ge @!p0 [sflag:s0], s1  }
0xdb: {  	s1 =	ssub.s32 @!p0 $0x0, s1;
	[sflag:s0] =	ssyncset.done @!p0 $0x0  }
0xdc: {  	[sflag:s0] =	ssyncadd.s32 @!p0 s1  }
0xdd: {  	[bflag:$0x3] =	sbarrier.arrive $0xFFFF  }
0xde: {  	_ =	shalt  }

// kernel: kernel.8.cloned.1.call-start
scs
__scs_entry_jumppad:
0x0: {  	(pc) =	sbr.rel $0x88, $3  }
0x1: {  	(tag) =	ssettag $0x0;
	lr =	simm.s32 $0x1  }
0x2: {  	[smem:$0x3F91] =	sst lr;
	_ =	strace $0xD0000000  }
0x3: {  	_ = 	snop  }
0x4: {  	_ = 	snop  }
0x5: {  	_ = 	snop  }
0x6: {  	_ = 	snop  }
0x7: {  	_ = 	snop  }
__scs_overlays_trampoline_lowered:
0x8: {  	[smem:$0x3FA0] =	sst s0  }
0x9: {  	[smem:$0x3FA1] =	sst s1  }
0xa: {  	[smem:$0x3FA2] =	sst s2  }
0xb: {  	[smem:$0x3FA3] =	sst s3  }
0xc: {  	[smem:$0x3FA4] =	sst s4  }
0xd: {  	[smem:$0x3FA5] =	sst s5  }
0xe: {  	[smem:$0x3FA6] =	sst s6  }
0xf: {  	[smem:$0x3FA7] =	sst s7  }
0x10: {  	[smem:$0x3FA8] =	sst s8  }
0x11: {  	[smem:$0x3FA9] =	sst s9;
	s0 =	simm.s32 @!p0 $0x0  }
0x12: {  	s1 =	sld [smem:$0x3F8F];
	s0 =	simm.s32 @p0 $0x1  }
0x13: {  	[smem:$0x3FAA] =	sst s0;
	s0 =	simm.s32 @!p1 $0x0  }
0x14: {  	s2 =	sld [smem:$0x3F8E];
	s0 =	simm.s32 @p1 $0x1  }
0x15: {  	[smem:$0x3FAB] =	sst s0;
	s0 =	simm.s32 @!p2 $0x0  }
0x16: {  	s3 =	sld [smem:$0x3FDB];
	s0 =	simm.s32 @p2 $0x1  }
0x17: {  	s4 =	simm.s32 $0x1BF5;
	[smem:$0x3FAD] =	sst s0  }
0x18: {  	s0 =	sld [smem:$0x3F90];
	_ =	swait.ge [sflag:s4], $0x0  }
0x19: {  	s7 =	sld [smem:$0x3F91]  }
0x1a: {  	s8 =	sadd.s32 $0xFFFFE003, lr  }
0x1b: {  	s9 =	sadd.s32 $0xFFFFFEF7, lr;
	s5 =	simm.s32 $0xFFFFFFFF;
	p2 =	slt.u32 s8, $0xFFFFF086  }
0x1c: {  	p1 =	slt.u32 s9, $0xF7A;
	s5 =	simm.s32 @!p2 $0x0  }
0x1d: {  	s5 =	simm.s32 @p1 $0x1;
	p0 =	seq.s32 s7, s2  }
0x1e: {  	s7 =	smul.u32 @!p0 $0xF7A, s2;
	p2 =	seq.s32 @!p0 s5, $0x0  }
0x1f: {  	s9 =	smul.u32 $0xF7A, s1;
	s8 =	simm.s32 @!p0 $0x1BF5;
	p2 =	por !p2, p0  }
0x20: {  	[sflag:s8] =	ssyncset.s32 @!p0 $0xFFFFF086;
	s6 =	sadd.s32 @!p0 s3, s7;
	s7 =	simm.s32 @!p0 $0x108  }
0x21: {  	s3 =	sadd.s32 s3, s9;
	s6 =	sadd.s32 @!p0 $0x88, s6;
	s7 =	simm.s32 @p2 $0x1082  }
0x22: {  	[simem:s7], [sflag:s8] =	dma.local @!p0 [hbm:s6], $0xF7A  }
0x23: {  	s9 =	sor.u32 $0xD0000000, s2;
	s6 =	simm.s32 $0x108;
	_ =	swait.ge @!p0 [sflag:s8], $0x0  }
0x24: {  	s3 =	sadd.s32 $0x88, s3;
	s6 =	simm.s32 @!p1 $0x1082;
	[sflag:s4] =	ssyncset.s32 $0xFFFFF086  }
0x25: {  	[simem:s6], [sflag:s4] =	dma.local [hbm:s3], $0xF7A  }
0x26: {  	[smem:$0x3F91] =	sst s1;
	(tag) =	ssettag s2;
	_ =	strace s9  }
0x27: {  	s1 =	sld [smem:$0x3FA1]  }
0x28: {  	s2 =	sld [smem:$0x3FA2]  }
0x29: {  	s4 =	sld [smem:$0x3FA4]  }
0x2a: {  	p0 =	seq.s32 s5, $0x0;
	s5 =	sld [smem:$0x3FA5]  }
0x2b: {  	s6 =	sld [smem:$0x3FA6]  }
0x2c: {  	s7 =	sld [smem:$0x3FA7]  }
0x2d: {  	s3 =	simm.s32 $0x108;
	s8 =	sld [smem:$0x3FA8]  }
0x2e: {  	s3 =	simm.s32 @!p0 $0x1082;
	s9 =	sld [smem:$0x3FA9]  }
0x2f: {  	lr =	sadd.s32 s0, s3;
	s0 =	sld [smem:$0x3FA0]  }
0x30: {  	s3 =	sld [smem:$0x3FA3]  }
0x31: {  	[smem:$0x3FAC] =	sst s10  }
0x32: {  	s10 =	sld [smem:$0x3FAA];
	_ =	sdelay $0x3  }
0x33: {  	p0 =	seq.s32 s10, $0x1;
	s10 =	sld [smem:$0x3FAC];
	_ =	sdelay $0x3  }
0x34: {  	[smem:$0x3FAC] =	sst s10  }
0x35: {  	s10 =	sld [smem:$0x3FAB];
	_ =	sdelay $0x3  }
0x36: {  	p1 =	seq.s32 s10, $0x1;
	s10 =	sld [smem:$0x3FAC];
	_ =	sdelay $0x3  }
0x37: {  	[smem:$0x3FAC] =	sst s10  }
0x38: {  	s10 =	sld [smem:$0x3FAD]  }
0x39: {  	_ = 	snop;
	(pc) =	sbr.ind lr, $3  }
0x3a: {  	_ = 	snop  }
0x3b: {  	_ = 	snop  }
0x3c: {  	p2 =	seq.s32 s10, $0x1;
	s10 =	sld [smem:$0x3FAC]  }
0x3d: {  	_ =	shalt  }
0x3e: {  	_ =	shalt  }
0x3f: {  	_ =	shalt  }
0x40: {  	_ =	shalt  }
0x41: {  	_ =	shalt  }
0x42: {  	_ =	shalt  }
0x43: {  	_ =	shalt  }
0x44: {  	_ =	shalt  }
0x45: {  	_ =	shalt  }
0x46: {  	_ =	shalt  }
0x47: {  	_ =	shalt  }
0x48: {  	_ =	shalt  }
0x49: {  	_ =	shalt  }
0x4a: {  	_ =	shalt  }
0x4b: {  	_ =	shalt  }
0x4c: {  	_ =	shalt  }
0x4d: {  	_ =	shalt  }
0x4e: {  	_ =	shalt  }
0x4f: {  	_ =	shalt  }
0x50: {  	_ =	shalt  }
0x51: {  	_ =	shalt  }
0x52: {  	_ =	shalt  }
0x53: {  	_ =	shalt  }
0x54: {  	_ =	shalt  }
0x55: {  	_ =	shalt  }
0x56: {  	_ =	shalt  }
0x57: {  	_ =	shalt  }
0x58: {  	_ =	shalt  }
0x59: {  	_ =	shalt  }
0x5a: {  	_ =	shalt  }
0x5b: {  	_ =	shalt  }
0x5c: {  	_ =	shalt  }
0x5d: {  	_ =	shalt  }
0x5e: {  	_ =	shalt  }
0x5f: {  	_ =	shalt  }
0x60: {  	_ =	shalt  }
0x61: {  	_ =	shalt  }
0x62: {  	_ =	shalt  }
0x63: {  	_ =	shalt  }
0x64: {  	_ =	shalt  }
0x65: {  	_ =	shalt  }
0x66: {  	_ =	shalt  }
0x67: {  	_ =	shalt  }
0x68: {  	_ =	shalt  }
0x69: {  	_ =	shalt  }
0x6a: {  	_ =	shalt  }
0x6b: {  	_ =	shalt  }
0x6c: {  	_ =	shalt  }
0x6d: {  	_ =	shalt  }
0x6e: {  	_ =	shalt  }
0x6f: {  	_ =	shalt  }
0x70: {  	_ =	shalt  }
0x71: {  	_ =	shalt  }
0x72: {  	_ =	shalt  }
0x73: {  	_ =	shalt  }
0x74: {  	_ =	shalt  }
0x75: {  	_ =	shalt  }
0x76: {  	_ =	shalt  }
0x77: {  	_ =	shalt  }
0x78: {  	_ =	shalt  }
0x79: {  	_ =	shalt  }
0x7a: {  	_ =	shalt  }
0x7b: {  	_ =	shalt  }
0x7c: {  	_ =	shalt  }
0x7d: {  	_ =	shalt  }
0x7e: {  	_ =	shalt  }
0x7f: {  	_ =	shalt  }
0x80: {  	_ =	shalt  }
0x81: {  	_ =	shalt  }
0x82: {  	_ =	shalt  }
0x83: {  	_ =	shalt  }
0x84: {  	_ =	shalt  }
0x85: {  	_ =	shalt  }
0x86: {  	_ =	shalt  }
0x87: {  	_ =	shalt  }
.Lfunc_end0:
.L_simem_size_0:
called_computation_lowered:
.L_overlay_start_0:
0x88: {  	s2 =	sld [smem:$0x3FD9]  }
0x89: {  	s3 =	sld [smem:$0x3FFE];
	_ =	sdelay $0x1  }
0x8a: {  	s1 =	srdreg.scid  }
0x8b: {  	s0 =	sand.u32 $0x1, s1  }
0x8c: {  	s16 =	sshll.u32 s0, $0xA;
	s2 =	sadd.s32 s3, s2  }
0x8d: {  	s2 =	sadd.s32 s2, s16  }
0x8e: {  	[smem:$0x3FB8] =	sst s2  }
0x8f: {  	_ = 	snop  }
0x90: {  	(tm) =	ssettm $0x1  }
0x91: {  	s17 =	sld [smem:$0x3FFB];
	_ =	sdelay $0x3  }
0x92: {  	_ =	strace s17  }
0x93: {  	s2 =	sld [smem:$0x3FFC];
	_ =	sdelay $0x3  }
0x94: {  	_ =	strace s2  }
0x95: {  	s2 =	sld [smem:$0x3FFD];
	_ =	sdelay $0x3  }
0x96: {  	_ =	strace s2  }
0x97: {  	_ =	strace $0x8FFFFFFF  }
0x98: {  	s18 =	sld [smem:$0x3FDB];
	_ =	sdelay $0x1  }
0x99: {  	s19 =	simm.s32 $_scs_section_size  }
0x9a: {  	s4 =	simm.s32 $_size__tile_overlayer_lowered;
	s5 =	simm.s32 $_tile_overlayer_lowered  }
0x9b: {  	s22 =	simm.s32 $0x1BFF;
	s21 =	sshll.u32 s5, $0x1;
	s2 =	sadd.s32 s19, s18  }
0x9c: {  	s6 =	simm.s32 $0x0;
	s20 =	sshll.u32 s4, $0x1;
	s4 =	sadd.s32 s21, s2  }
0x9d: {  	[timem:s6], [sflag:s22] =	dma.local [hbm:s4], s20  }
0x9e: {  	_ =	swait.ge [sflag:s22], s20  }
0x9f: {  	s3 =	ssub.s32 $0x0, s20;
	[sflag:s22] =	ssyncset.done $0x0  }
0xa0: {  	[sflag:s22] =	ssyncadd.s32 s3;
	_ =	sdelay $0x1  }
0xa1: {  	s23 =	simm.s32 $0x1B8B  }
0xa2: {  	_ =	swait.ge [sflag:s23], $0x1  }
0xa3: {  	[sflag:s23] =	ssyncset.done $0x0  }
0xa4: {  	s25 =	simm.s32 $0x1B8E;
	s24 =	sld [smem:$0x3FFE];
	[sflag:s23] =	ssyncadd.s32 $0xFFFFFFFF  }
0xa5: {  	s26 =	simm.s32 $execute0_lowered;
	[smem:$0x3FD2] =	sst s25  }
0xa6: {  	s4 =	sshll.u32 s26, $0x1;
	_ =	strace $0x80000046;
	[dreg:$0x1] =	wrdreg $0xFFFFFFFF  }
0xa7: {  	s28 =	simm.s32 $_size_execute0_lowered;
	s2 =	sadd.s32 s2, s4;
	[dreg:$0x0] =	wrdreg $0x0  }
0xa8: {  	s4 =	sshll.u32 s28, $0x1;
	[dreg:$0x2] =	wrdreg s2  }
0xa9: {  	[dreg:$0x3] =	wrdreg s4  }
0xaa: {  	[dreg:$0x4] =	wrdreg $0xC0  }
0xab: {  	_ =	task [dreg:s6], $0x5FFFF  }
0xac: {  	[dreg:$0x1] =	wrdreg $0xFFFFFFFF  }
0xad: {  	[dreg:$0x0] =	wrdreg $0x60  }
0xae: {  	[dreg:$0x2] =	wrdreg s24  }
0xaf: {  	[dreg:$0x3] =	wrdreg $0x9F800  }
0xb0: {  	[dreg:$0x4] =	wrdreg $0x9  }
0xb1: {  	_ =	task.clear_ibuf [dreg:s6], $0x5FFFF;
	_ =	strace $0x90000046  }
0xb2: {  	s29 =	simm.s32 $0x9;
	_ =	strace $0x80000048  }
0xb3: {  	_ =	swait.ge [sflag:s29], $0x1  }
0xb4: {  	[sflag:s29] =	ssyncadd.s32 $0xFFFFFFFF  }
0xb5: {  	_ =	strace $0x90000048  }
0xb6: {  	_ =	sfence  }
0xb7: {  	s30 =	sld [smem:$0x0];
	_ =	sdelay $0x2  }
0xb8: {  	s31 =	sshll.u32 s1, $0xD;
	s1 =	sshrl.u32 s1, $0x2  }
0xb9: {  	s3 =	sand.u32 $0x4000, s31;
	s1 =	sadd.s32 s1, s30  }
0xba: {  	s0 =	sor.u32 s3, s0;
	s1 =	sshll.u32 s1, $0x11  }
0xbb: {  	s0 =	sor.u32 s1, s0  }
0xbc: {  	s0 =	sadd.s32 $0x8F2B, s0  }
0xbd: {  	[sflag:s0] =	ssyncadd.remote.s32 $0x1  }
0xbe: {  	_ =	sfence.sel $0xFFFF  }
0xbf: {  	[dreg:$0x0] =	wrdreg $0xFFFFFFFF;
	(pc) =	sbr.abs _section_cstart, $3  }
0xc0: {  	[dreg:$0x1] =	wrdreg $0xFFFFFFFF  }
0xc1: {  	_ =	task.clear_ibuf [dreg:s6], $0x2FFFF;
	_ =	strace $0x9FFFFFFF  }
0xc2: {  	(tm) =	ssettm $0x7FFFFFFF  }
0xc3: {  	_ =	shalt  }
tec
execute0_lowered:
.L_overlay_start_1:
0x0: {  	(tag) =	ssettag $0x1  }
0x1: {  	s0 =	rddreg [dreg:$0x0]  }
0x2: {  	s2 =	rddreg [dreg:$0x1]  }
0x3: {  	s3 =	simm.s32 $0x0;
	s1 =	stileid.u32;
	s4 =	srdreg.scid  }
0x4: {  	s16 =	simm.s32 $0x3;
	s17 =	simm.s32 $0x50;
	s18 =	simm.s32 $0x4E80  }
0x5: {  	s19 =	simm.s32 $0x4F80;
	s20 =	simm.s32 $0x4F00;
	s5 =	smul.u32 $0x9C4, s1  }
0x6: {  	s22 =	simm.s32 $0x2;
	s23 =	simm.s32 $0x0;
	s7 =	smul.u32 $0x28000, s1  }
0x7: {  	[smem:$0x7FF] =	sst s3;
	s4 =	sand.u32 $0x1, s4;
	s8 =	smul.u32 $0xA000, s1  }
0x8: {  	_ =	strace $0x80000047;
	s6 =	ssub.s32 $0x2, s4;
	s21 =	smul.u32 $0x1400, s4  }
0x9: {  	s12 =	smul.u32 $0xA0000, s4;
	s9 =	sadd.s32 s5, s0;
	s30 =	sshrl.u32 s6, $0x1  }
0xa: {  	s0 =	sadd.s32 $0x17C00, s0;
	s31 =	sshrl.u32 s7, $0x2;
	s11 =	sadd.s32 $0x2800, s8  }
0xb: {  	s13 =	sadd.s32 $0x5000, s8;
	s15 =	sadd.s32 $0x7800, s8;
	s14 =	ssub.s32 s6, s30  }
0xc: {  	s4 =	sadd.s32 s31, s2;
	s5 =	sadd.s32 s11, s2;
	s6 =	sadd.s32 s13, s2  }
0xd: {  	s10 =	sadd.s32 s8, s12;
	s7 =	sadd.s32 s15, s2;
	s8 =	sadd.s32 $0xA0000, s2  }
0xe: {  	s9 =	sadd.s32 $0xDE00, s9;
	s11 =	sadd.s32 s12, s11;
	s13 =	sadd.s32 s12, s13  }
0xf: {  	s12 =	sadd.s32 s12, s15;
	v0 =	vmov s21;
	s21 =	simm.s32 $0x1;
	s10 =	sshrl.u32 s10, $0x3  }
0x10: {  	s11 =	sshrl.u32 s11, $0x3;
	s13 =	sshrl.u32 s13, $0x3;
	s15 =	sshrl.u32 s12, $0x3  }
0x11: {  	s14 =	smax.u32 s14, $0x1;
	s10 =	sadd.s32 s0, s10;
	s11 =	sadd.s32 s0, s11  }
0x12: {  	v1 =	vimm.f32 $1.000000000e+00;
	v2 =	vimm.f32 $0.0e+00;
	s12 =	sadd.s32 s0, s13;
	s13 =	sadd.s32 s0, s15;
	s15 =	simm.s32 $0x7780  }
.LBB2_1:
0x13: {  	s24 =	simm.s32 $0x0;
	s25 =	simm.s32 $0x200  }
.LBB2_2:
0x14: {  	p0 =	sne.s32 s25, $0x9E00;
	[tilespmem:s24+$0x4FF0] =	vst v1  }
0x15: {  	[tilespmem:s24+$0x4F80] =	vst v1  }
0x16: {  	[tilespmem:s24+$0x4F90] =	vst v1  }
.Ltmp0:
0x17: {  	[tilespmem:s24+$0x4FA0] =	vst v1;
	(pc) =	sbr.rel @p0 .LBB2_2-.Ltmp0, $4  }
0x18: {  	[tilespmem:s24+$0x4FB0] =	vst v1  }
0x19: {  	[tilespmem:s24+$0x4FC0] =	vst v1  }
0x1a: {  	[tilespmem:s24+$0x4FD0] =	vst v1  }
0x1b: {  	[tilespmem:s24+$0x4FE0] =	vst v1;
	s24 =	sshra.s32 s25, $0x2;
	s25 =	sadd.s32 $0x200, s25  }
0x1c: {  	[tilespmem:s24+$0x4FF0] =	vst v1  }
0x1d: {  	[tilespmem:s24+$0x4F80] =	vst v1  }
0x1e: {  	[tilespmem:s24+$0x4F90] =	vst v1  }
0x1f: {  	[tilespmem:s24+$0x4FA0] =	vst v1  }
0x20: {  	[tilespmem:s24+$0x4FB0] =	vst v1  }
0x21: {  	[tilespmem:s24+$0x4FC0] =	vst v1  }
0x22: {  	[tilespmem:s24+$0x4FD0] =	vst v1  }
0x23: {  	[tilespmem:s24+$0x4FE0] =	vst v1;
	s24 =	simm.s32 $0x0;
	s25 =	simm.s32 $0x200  }
.LBB2_4:
0x24: {  	p0 =	sne.s32 s25, $0x9E00;
	[tilespmem:s24+$0x77F0] =	vst v2  }
0x25: {  	[tilespmem:s24+$0x7780] =	vst v2  }
0x26: {  	[tilespmem:s24+$0x7790] =	vst v2  }
.Ltmp1:
0x27: {  	[tilespmem:s24+$0x77A0] =	vst v2;
	(pc) =	sbr.rel @p0 .LBB2_4-.Ltmp1, $4  }
0x28: {  	[tilespmem:s24+$0x77B0] =	vst v2  }
0x29: {  	[tilespmem:s24+$0x77C0] =	vst v2  }
0x2a: {  	[tilespmem:s24+$0x77D0] =	vst v2  }
0x2b: {  	[tilespmem:s24+$0x77E0] =	vst v2;
	s24 =	sshra.s32 s25, $0x2;
	s25 =	sadd.s32 $0x200, s25  }
0x2c: {  	[tilespmem:s24+$0x77F0] =	vst v2  }
0x2d: {  	[tilespmem:s24+$0x7780] =	vst v2  }
0x2e: {  	[tilespmem:s24+$0x7790] =	vst v2  }
0x2f: {  	[tilespmem:s24+$0x77A0] =	vst v2  }
0x30: {  	[tilespmem:s24+$0x77B0] =	vst v2  }
0x31: {  	[tilespmem:s24+$0x77C0] =	vst v2  }
0x32: {  	[tilespmem:s24+$0x77D0] =	vst v2  }
0x33: {  	[tilespmem:s24+$0x77E0] =	vst v2  }
0x34: {  	[spmem:s4] =	stream.linear.scatter [tilespmem:s15], [sflag:$0x3], $0x2800, $0x38;
	[tilespmem:$0x13FC0] =	vst v63  }
0x35: {  	_ =	swait.ge [sflag:s16], $0x2800  }
0x36: {  	[sflag:s16] =	ssyncset.done $0x0  }
0x37: {  	[sflag:s16] =	ssyncadd.s32 $0xFFFFD800  }
0x38: {  	[spmem:s5] =	stream.linear.scatter [tilespmem:s15], [sflag:$0x3], $0x2800, $0x38;
	[tilespmem:$0x13FC0] =	vst v63  }
0x39: {  	_ =	swait.ge [sflag:s16], $0x2800  }
0x3a: {  	[sflag:s16] =	ssyncset.done $0x0  }
0x3b: {  	[sflag:s16] =	ssyncadd.s32 $0xFFFFD800  }
0x3c: {  	[spmem:s6] =	stream.linear.scatter [tilespmem:s15], [sflag:$0x3], $0x2800, $0x38;
	[tilespmem:$0x13FC0] =	vst v63  }
0x3d: {  	_ =	swait.ge [sflag:s16], $0x2800  }
0x3e: {  	[sflag:s16] =	ssyncset.done $0x0  }
0x3f: {  	[sflag:s16] =	ssyncadd.s32 $0xFFFFD800  }
0x40: {  	[spmem:s7] =	stream.linear.scatter [tilespmem:s15], [sflag:$0x3], $0x2800, $0x38;
	[tilespmem:$0x13FC0] =	vst v63  }
0x41: {  	_ =	swait.ge [sflag:s16], $0x2800  }
0x42: {  	[sflag:s16] =	ssyncset.done $0x0  }
0x43: {  	[sflag:s16] =	ssyncadd.s32 $0xFFFFD800  }
0x44: {  	[spmem:s8] =	stream.linear.scatter [tilespmem:s15], [sflag:$0x3], $0x400, $0x38;
	[tilespmem:$0x13FC0] =	vst v63  }
0x45: {  	_ =	swait.ge [sflag:s16], $0x400  }
0x46: {  	[sflag:s16] =	ssyncset.done $0x0  }
0x47: {  	[sflag:s16] =	ssyncadd.s32 $0xFFFFFC00  }
0x48: {  	[tilespmem:s3], [sflag:$0x3] =	stream.linear.gather [hbm4b:s9+s3], $0x4E20, $0x38;
	[tilespmem:$0x13FC0] =	vst v63  }
0x49: {  	_ =	swait.ge [sflag:s16], $0x4E20  }
0x4a: {  	[sflag:s16] =	ssyncset.done $0x0  }
0x4b: {  	[sflag:s16] =	ssyncadd.s32 $0xFFFFB1E0  }
0x4c: {  	[bflag:$0x0] =	sbarrier.arrive $0xFFFF  }
0x4d: {  	v3 =	vld [tilespmem:$0x0]  }
0x4e: {  	v4 =	vld [tilespmem:$0x10]  }
0x4f: {  	v5 =	vld [tilespmem:$0x20]  }
0x50: {  	v6 =	vld [tilespmem:$0x30]  }
0x51: {  	v7 =	vld [tilespmem:$0x40]  }
0x52: {  	v3 =	vsub.s32 v3, v0  }
0x53: {  	v4 =	vsub.s32 v4, v0;
	v3 =	vmin.u32 v3, $0x1400  }
0x54: {  	[tilespmem:$0x4E80] =	vst v3;
	v3 =	vmin.u32 v4, $0x1400;
	v4 =	vsub.s32 v5, v0  }
0x55: {  	[tilespmem:$0x4E90] =	vst v3;
	v3 =	vmin.u32 v4, $0x1400;
	v4 =	vsub.s32 v6, v0  }
0x56: {  	[tilespmem:$0x4EA0] =	vst v3;
	v3 =	vmin.u32 v4, $0x1400;
	v4 =	vsub.s32 v7, v0  }
0x57: {  	[tilespmem:$0x4EB0] =	vst v3;
	v3 =	vmin.u32 v4, $0x1400  }
0x58: {  	[tilespmem:$0x4EC0] =	vst v3  }
0x59: {  	[spmem:s2] =	stream.indirect.scatter.add.f32 [tilespmem:s19], [sflag:$0x1], $0x80, s18, s17, $0xb8;
	[tilespmem:$0x13FC0] =	vst v63  }
0x5a: {  	v3 =	vld [tilespmem:$0x50]  }
0x5b: {  	v4 =	vld [tilespmem:$0x60]  }
0x5c: {  	v5 =	vld [tilespmem:$0x70]  }
0x5d: {  	v62 =	vld [tilespmem:$0x80]  }
0x5e: {  	v63 =	vld [tilespmem:$0x90]  }
0x5f: {  	v3 =	vsub.s32 v3, v0  }
0x60: {  	v4 =	vsub.s32 v4, v0;
	v3 =	vmin.u32 v3, $0x1400  }
0x61: {  	[tilespmem:$0x4F00] =	vst v3;
	v3 =	vmin.u32 v4, $0x1400;
	v4 =	vsub.s32 v5, v0  }
0x62: {  	[tilespmem:$0x4F10] =	vst v3;
	v3 =	vmin.u32 v4, $0x1400;
	v4 =	vsub.s32 v62, v0  }
0x63: {  	s0 =	simm.s32 $0x2;
	[tilespmem:$0x4F20] =	vst v3;
	v3 =	vmin.u32 v4, $0x1400;
	v4 =	vsub.s32 v63, v0  }
0x64: {  	s0 =	sand.u32 $0x1, s0;
	[tilespmem:$0x4F30] =	vst v3;
	v3 =	vmin.u32 v4, $0x1400  }
0x65: {  	s25 =	sadd.s32 $0x1, s0;
	[tilespmem:$0x4F40] =	vst v3  }
0x66: {  	[spmem:s2] =	stream.indirect.scatter.add.f32 [tilespmem:s19], [sflag:$0x2], $0x80, s20, s17, $0xb8;
	[tilespmem:$0x13FC0] =	vst v63  }
0x67: {  	_ =	swait.ge [sflag:s25], $0x2800  }
0x68: {  	[sflag:s25] =	ssyncset.done $0x0  }
0x69: {  	s24 =	simm.s32 $0xE0;
	[sflag:s25] =	ssyncadd.s32 $0xFFFFD800  }
0x6a: {  	v3 =	vld [tilespmem:s24+$0xFFFFFFC0];
	_ =	sdelay $0x4  }
0x6b: {  	v3 =	vsub.s32 v3, v0  }
0x6c: {  	s26 =	sshll.u32 s0, $0x7;
	v3 =	vmin.u32 v3, $0x1400  }
0x6d: {  	[tilespmem:s26+$0x4E80] =	vst v3  }
0x6e: {  	v3 =	vld [tilespmem:s24+$0xFFFFFFD0];
	_ =	sdelay $0x4  }
0x6f: {  	v3 =	vsub.s32 v3, v0  }
0x70: {  	v3 =	vmin.u32 v3, $0x1400  }
0x71: {  	[tilespmem:s26+$0x4E90] =	vst v3  }
0x72: {  	v3 =	vld [tilespmem:s24+$0xFFFFFFE0];
	_ =	sdelay $0x4  }
0x73: {  	v3 =	vsub.s32 v3, v0  }
0x74: {  	v3 =	vmin.u32 v3, $0x1400  }
0x75: {  	[tilespmem:s26+$0x4EA0] =	vst v3  }
0x76: {  	v3 =	vld [tilespmem:s24+$0xFFFFFFF0];
	_ =	sdelay $0x4  }
0x77: {  	v3 =	vsub.s32 v3, v0  }
0x78: {  	v3 =	vmin.u32 v3, $0x1400  }
0x79: {  	[tilespmem:s26+$0x4EB0] =	vst v3  }
0x7a: {  	v3 =	vld [tilespmem:s24+$0x0];
	_ =	sdelay $0x4  }
0x7b: {  	s29 =	simm.s32 $0x3;
	v3 =	vsub.s32 v3, v0  }
0x7c: {  	s28 =	simm.s32 $0x4;
	s30 =	sand.u32 $0x1, s29;
	s31 =	sadd.s32 $0x4E80, s26;
	v3 =	vmin.u32 v3, $0x1400  }
.LBB2_6:
0x7d: {  	s1 =	sadd.s32 $0x1, s30  }
0x7e: {  	[tilespmem:s26+$0x4EC0] =	vst v3;
	s24 =	sadd.s32 $0x50, s24;
	s29 =	smov.u32 s28;
	s0 =	sadd.s32 $0x1, s28  }
0x7f: {  	[spmem:s2] =	stream.indirect.scatter.add.f32 [tilespmem:s19], [sflag:s25], $0x80, s31, s17, $0xb8;
	[tilespmem:$0x13FC0] =	vst v63  }
0x80: {  	p0 =	sne.s32 s28, $0xF9;
	s25 =	smov.u32 s1;
	_ =	swait.ge [sflag:s1], $0x2800  }
0x81: {  	[sflag:s25] =	ssyncset.done $0x0  }
0x82: {  	[sflag:s25] =	ssyncadd.s32 $0xFFFFD800  }
0x83: {  	v3 =	vld [tilespmem:s24+$0xFFFFFFC0];
	_ =	sdelay $0x4  }
0x84: {  	v3 =	vsub.s32 v3, v0  }
0x85: {  	s26 =	sshll.u32 s30, $0x7;
	v3 =	vmin.u32 v3, $0x1400  }
0x86: {  	[tilespmem:s26+$0x4E80] =	vst v3  }
0x87: {  	v3 =	vld [tilespmem:s24+$0xFFFFFFD0];
	_ =	sdelay $0x4  }
0x88: {  	v3 =	vsub.s32 v3, v0  }
0x89: {  	v3 =	vmin.u32 v3, $0x1400  }
0x8a: {  	[tilespmem:s26+$0x4E90] =	vst v3  }
0x8b: {  	v3 =	vld [tilespmem:s24+$0xFFFFFFE0];
	_ =	sdelay $0x4  }
0x8c: {  	v3 =	vsub.s32 v3, v0  }
0x8d: {  	v3 =	vmin.u32 v3, $0x1400  }
0x8e: {  	[tilespmem:s26+$0x4EA0] =	vst v3  }
0x8f: {  	v3 =	vld [tilespmem:s24+$0xFFFFFFF0];
	_ =	sdelay $0x4  }
0x90: {  	v3 =	vsub.s32 v3, v0  }
0x91: {  	v3 =	vmin.u32 v3, $0x1400  }
0x92: {  	[tilespmem:s26+$0x4EB0] =	vst v3  }
0x93: {  	v3 =	vld [tilespmem:s24+$0x0];
	_ =	sdelay $0x1  }
.Ltmp2:
0x94: {  	(pc) =	sbr.rel @p0 .LBB2_6-.Ltmp2, $3  }
0x95: {  	_ =	sdelay $0x1  }
0x96: {  	v3 =	vsub.s32 v3, v0  }
0x97: {  	s30 =	sand.u32 $0x1, s29;
	s31 =	sadd.s32 $0x4E80, s26;
	s28 =	smov.u32 s0;
	v3 =	vmin.u32 v3, $0x1400  }
0x98: {  	s0 =	sadd.s32 $0x1, s30;
	[tilespmem:s26+$0x4EC0] =	vst v3  }
0x99: {  	[spmem:s2] =	stream.indirect.scatter.add.f32 [tilespmem:s19], [sflag:s25], $0x80, s31, s17, $0xb8;
	[tilespmem:$0x13FC0] =	vst v63  }
0x9a: {  	_ =	swait.ge [sflag:s0], $0x2800  }
0x9b: {  	[sflag:s0] =	ssyncset.done $0x0  }
0x9c: {  	s1 =	sadd.s32 $0x50, s24;
	[sflag:s0] =	ssyncadd.s32 $0xFFFFD800  }
0x9d: {  	v3 =	vld [tilespmem:s1+$0xFFFFFFC0];
	_ =	sdelay $0x4  }
0x9e: {  	v3 =	vsub.s32 v3, v0  }
0x9f: {  	s30 =	sshll.u32 s30, $0x7;
	v3 =	vmin.u32 v3, $0x1400  }
0xa0: {  	[tilespmem:s30+$0x4E80] =	vst v3  }
0xa1: {  	v3 =	vld [tilespmem:s1+$0xFFFFFFD0];
	_ =	sdelay $0x4  }
0xa2: {  	v3 =	vsub.s32 v3, v0  }
0xa3: {  	v3 =	vmin.u32 v3, $0x1400  }
0xa4: {  	[tilespmem:s30+$0x4E90] =	vst v3  }
0xa5: {  	v3 =	vld [tilespmem:s1+$0xFFFFFFE0];
	_ =	sdelay $0x4  }
0xa6: {  	v3 =	vsub.s32 v3, v0  }
0xa7: {  	v3 =	vmin.u32 v3, $0x1400  }
0xa8: {  	[tilespmem:s30+$0x4EA0] =	vst v3  }
0xa9: {  	v3 =	vld [tilespmem:s1+$0xFFFFFFF0];
	_ =	sdelay $0x4  }
0xaa: {  	v3 =	vsub.s32 v3, v0  }
0xab: {  	v3 =	vmin.u32 v3, $0x1400  }
0xac: {  	[tilespmem:s30+$0x4EB0] =	vst v3  }
0xad: {  	v3 =	vld [tilespmem:s1+$0x0];
	_ =	sdelay $0x4  }
0xae: {  	v3 =	vsub.s32 v3, v0  }
0xaf: {  	v3 =	vmin.u32 v3, $0x1400  }
0xb0: {  	s31 =	sadd.s32 $0x4E80, s30;
	[tilespmem:s30+$0x4EC0] =	vst v3  }
0xb1: {  	[spmem:s2] =	stream.indirect.scatter.add.f32 [tilespmem:s19], [sflag:s0], $0x80, s31, s17, $0xb8;
	[tilespmem:$0x13FC0] =	vst v63  }
0xb2: {  	_ =	swait.ge [sflag:s21], $0x2800  }
0xb3: {  	[sflag:s21] =	ssyncset.done $0x0  }
0xb4: {  	[sflag:s21] =	ssyncadd.s32 $0xFFFFD800  }
0xb5: {  	_ =	swait.ge [sflag:s22], $0x2800  }
0xb6: {  	[sflag:s22] =	ssyncset.done $0x0  }
0xb7: {  	[sflag:s22] =	ssyncadd.s32 $0xFFFFD800  }
0xb8: {  	[bflag:$0x0] =	sbarrier.arrive $0xFFFF  }
0xb9: {  	[tilespmem:s15], [sflag:$0x3] =	stream.linear.gather [spmem:s4], $0x2800, $0x38;
	[tilespmem:$0x13FC0] =	vst v63  }
0xba: {  	_ =	swait.ge [sflag:s16], $0x2800  }
0xbb: {  	[sflag:s16] =	ssyncset.done $0x0  }
0xbc: {  	[sflag:s16] =	ssyncadd.s32 $0xFFFFD800  }
0xbd: {  	[hbm4b:s10+s3] =	stream.linear.scatter [tilespmem:s15], [sflag:$0x3], $0x2800, $0x38;
	[tilespmem:$0x13FC0] =	vst v63  }
0xbe: {  	_ =	swait.ge [sflag:s16], $0x2800  }
0xbf: {  	[sflag:s16] =	ssyncset.done $0x0  }
0xc0: {  	[sflag:s16] =	ssyncadd.s32 $0xFFFFD800  }
0xc1: {  	[tilespmem:s15], [sflag:$0x3] =	stream.linear.gather [spmem:s5], $0x2800, $0x38;
	[tilespmem:$0x13FC0] =	vst v63  }
0xc2: {  	_ =	swait.ge [sflag:s16], $0x2800  }
0xc3: {  	[sflag:s16] =	ssyncset.done $0x0  }
0xc4: {  	[sflag:s16] =	ssyncadd.s32 $0xFFFFD800  }
0xc5: {  	[hbm4b:s11+s3] =	stream.linear.scatter [tilespmem:s15], [sflag:$0x3], $0x2800, $0x38;
	[tilespmem:$0x13FC0] =	vst v63  }
0xc6: {  	_ =	swait.ge [sflag:s16], $0x2800  }
0xc7: {  	[sflag:s16] =	ssyncset.done $0x0  }
0xc8: {  	[sflag:s16] =	ssyncadd.s32 $0xFFFFD800  }
0xc9: {  	[tilespmem:s15], [sflag:$0x3] =	stream.linear.gather [spmem:s6], $0x2800, $0x38;
	[tilespmem:$0x13FC0] =	vst v63  }
0xca: {  	_ =	swait.ge [sflag:s16], $0x2800  }
0xcb: {  	[sflag:s16] =	ssyncset.done $0x0  }
0xcc: {  	[sflag:s16] =	ssyncadd.s32 $0xFFFFD800  }
0xcd: {  	[hbm4b:s12+s3] =	stream.linear.scatter [tilespmem:s15], [sflag:$0x3], $0x2800, $0x38;
	[tilespmem:$0x13FC0] =	vst v63  }
0xce: {  	_ =	swait.ge [sflag:s16], $0x2800  }
0xcf: {  	[sflag:s16] =	ssyncset.done $0x0  }
0xd0: {  	[sflag:s16] =	ssyncadd.s32 $0xFFFFD800  }
0xd1: {  	[tilespmem:s15], [sflag:$0x3] =	stream.linear.gather [spmem:s7], $0x2800, $0x38;
	[tilespmem:$0x13FC0] =	vst v63  }
0xd2: {  	s23 =	sadd.s32 $0x1, s23;
	_ =	swait.ge [sflag:s16], $0x2800  }
0xd3: {  	p0 =	sne.s32 s23, s14;
	[sflag:s16] =	ssyncset.done $0x0  }
.Ltmp3:
0xd4: {  	[sflag:s16] =	ssyncadd.s32 $0xFFFFD800;
	(pc) =	sbr.rel @p0 .LBB2_1-.Ltmp3, $4  }
0xd5: {  	[hbm4b:s13+s3] =	stream.linear.scatter [tilespmem:s15], [sflag:$0x3], $0x2800, $0x38;
	[tilespmem:$0x13FC0] =	vst v63  }
0xd6: {  	_ =	swait.ge [sflag:s16], $0x2800  }
0xd7: {  	[sflag:s16] =	ssyncset.done $0x0  }
0xd8: {  	[sflag:s16] =	ssyncadd.s32 $0xFFFFD800  }
0xd9: {  	_ =	sfence.sel $0x180000  }
0xda: {  	[bflag:$0x0] =	sbarrier.arrive $0xFFFF  }
0xdb: {  	_ =	strace $0x90000047  }
0xdc: {  	s0 =	stileid.u32;
	[bflag:$0x2] =	sbarrier.arrive $0xFFFF  }
0xdd: {  	p0 =	sne.s32 s0, $0x0;
	s0 =	rddreg [dreg:$0x2]  }
0xde: {  	s0 =	sadd.s32 @!p0 $0x100000, s0  }
0xdf: {  	[sflag:s0] =	ssyncadd.tile.s32 @!p0 $0x1;
	_ =	shalt  }
.Lfunc_end2:
_tile_overlayer_lowered:
.L_overlay_start_2:
0xe0: {  	(tag) =	ssettag $0x2  }
0xe1: {  	s0 =	rddreg [dreg:$0x0];
	s2 =	stileid.u32  }
0xe2: {  	s1 =	rddreg [dreg:$0x1];
	p0 =	sne.s32 s2, $0x0  }
0xe3: {  	s3 =	rddreg [dreg:$0x2];
	[bflag:$0x3] =	sbarrier.arrive $0xFFFF;
	s2 =	simm.s32 @!p0 $0x1C03  }
0xe4: {  	[timem:s3], [sflag:s2] =	dma.local @!p0 [hbm:s0], s1  }
0xe5: {  	s0 =	simm.s32 @!p0 $0x3  }
0xe6: {  	_ =	swait.ge @!p0 [sflag:s0], s1  }
0xe7: {  	s1 =	ssub.s32 @!p0 $0x0, s1;
	[sflag:s0] =	ssyncset.done @!p0 $0x0  }
0xe8: {  	[sflag:s0] =	ssyncadd.s32 @!p0 s1  }
0xe9: {  	[bflag:$0x3] =	sbarrier.arrive $0xFFFF  }
0xea: {  	_ =	shalt  }

</sc_bundles>
